<compile_context>
chip_gen: v7x
topology: tpu7x:2x2x1
jax: 0.10.2.dev20260603
libtpu: 0.0.44.dev20260713+nightly
codegen_flags: <defaults>
</compile_context>

<pallas_src>
import functools

import jax
import jax.numpy as jnp
from jax import lax
from jax.experimental import pallas as pl
from jax.experimental.pallas import tpu as pltpu
from jax.experimental.pallas import tpu_sc as plsc

_N = 100000
_C = 80
_FLAT = _N * _C

_NW = 32
_BPW = 3200
_NPAD = _NW * _BPW
_NCHUNK = _BPW // 128

_G = 25
_S = _FLAT // _G // 128
_CB = _NPAD // _G // 128


def _sc_gather_body(pred_hbm, lab_hbm, out_hbm, lab_v, idx_v, rows_v, sem):
    wid = lax.axis_index("s") * 2 + lax.axis_index("c")
    base = wid * _BPW
    pltpu.sync_copy(lab_hbm.at[pl.ds(base, _BPW)], lab_v)
    lane = lax.iota(jnp.int32, 16)
    for c in range(_NCHUNK):
        def body(j, _, c=c):
            t = c * 8 + j
            lab = lab_v[pl.ds(t * 16, 16)]
            labc = jnp.clip(lab, 0, _C - 1)
            row = base + t * 16 + lane
            idx = jnp.minimum(row * _C + labc, _FLAT - 1)
            idx_v[c, pl.ds(j * 16, 16)] = idx
            return 0
        lax.fori_loop(0, 8, body, 0)
    copies = [
        pltpu.async_copy(pred_hbm.at[idx_v.at[c]], rows_v.at[c], sem)
        for c in range(_NCHUNK)
    ]
    for cp in copies:
        cp.wait()
    pltpu.sync_copy(rows_v, out_hbm.at[wid])


_sc_gather = pl.kernel(
    _sc_gather_body,
    out_type=jax.ShapeDtypeStruct((_NW, _NCHUNK, 128), jnp.float32),
    mesh=plsc.VectorSubcoreMesh(core_axis_name="c", subcore_axis_name="s"),
    scratch_types=[
        pltpu.VMEM((_BPW,), jnp.int32),
        pltpu.VMEM((_NCHUNK, 128), jnp.int32),
        pltpu.VMEM((_NCHUNK, 128), jnp.float32),
        pltpu.SemaphoreType.DMA,
    ],
)


def _tc_body(pred_ref, pa_ref, lab_ref, s_ref, w_ref, out_ref):
    p = pred_ref[0]
    log1mp = jnp.maximum(jnp.log(1.0 - p), -100.0)
    neg = log1mp * (p * p * -0.75)
    dense = jnp.sum(neg)

    pa = pa_ref[0]
    lab = lab_ref[0]
    s = s_ref[0]
    w = w_ref[0]
    pos_mask = (lab >= 0) & (lab < _C)
    lp = jnp.maximum(jnp.log(pa), -100.0)
    l1p = jnp.maximum(jnp.log(1.0 - pa), -100.0)
    pos_val = -(s * lp + (1.0 - s) * l1p) * w
    neg_at = l1p * (pa * pa * -0.75)
    corr = jnp.sum(jnp.where(pos_mask, pos_val - neg_at, 0.0))

    @pl.when(pl.program_id(0) == 0)
    def _init():
        out_ref[0, 0] = 0.0

    out_ref[0, 0] += dense + corr


def kernel(pred, label, score, weight):
    pred_flat = pred.reshape(_FLAT)
    lab_pad = jnp.pad(label, (0, _NPAD - _N), constant_values=_C)

    pred_at = _sc_gather(pred_flat, lab_pad)

    pred3 = pred_flat.reshape(_G, _S, 128)
    pa3 = pred_at.reshape(_G, _CB, 128)
    lab3 = lab_pad.reshape(_G, _CB, 128)
    s3 = jnp.pad(score, (0, _NPAD - _N)).reshape(_G, _CB, 128)
    w3 = jnp.pad(weight, (0, _NPAD - _N)).reshape(_G, _CB, 128)

    out = pl.pallas_call(
        _tc_body,
        grid=(_G,),
        in_specs=[
            pl.BlockSpec((1, _S, 128), lambda i: (i, 0, 0)),
            pl.BlockSpec((1, _CB, 128), lambda i: (i, 0, 0)),
            pl.BlockSpec((1, _CB, 128), lambda i: (i, 0, 0)),
            pl.BlockSpec((1, _CB, 128), lambda i: (i, 0, 0)),
            pl.BlockSpec((1, _CB, 128), lambda i: (i, 0, 0)),
        ],
        out_specs=pl.BlockSpec((1, 1), lambda i: (0, 0), memory_space=pltpu.SMEM),
        out_shape=jax.ShapeDtypeStruct((1, 1), jnp.float32),
    )(pred3, pa3, lab3, s3, w3)
    return out[0, 0] / _N

# --- scband reference (transcript-rebuilt; emitter-appended) ---
"""Pipeline reference for scband-soft-focal-loss-16776142258239 (READ-ONLY COPY).

The authoritative reference and input builder live on the scoring server;
editing this copy changes nothing except your own understanding.
"""

import jax, jax.numpy as jnp
import numpy as np

N = 100000
C = 80


def _bce(p, t):
    # torch F.binary_cross_entropy with log clamped at -100
    logp = jnp.clip(jnp.log(p), -100.0, None)
    log1mp = jnp.clip(jnp.log(1.0 - p), -100.0, None)
    return -(t * logp + (1.0 - t) * log1mp)


def setup_inputs(seed: int = 0) -> dict:
    key = jax.random.key(seed)
    k1, k2, k3, k4 = jax.random.split(key, 4)
    pred = jax.random.uniform(k1, (N, C), dtype=jnp.float32, minval=1e-4, maxval=1.0 - 1e-4)
    label = jax.random.randint(k2, (N,), 0, C + 1, dtype=jnp.int32)
    score = jax.random.uniform(k3, (N,), dtype=jnp.float32)
    weight = jax.random.uniform(k4, (N,), dtype=jnp.float32)
    return {"pred": pred, "label": label, "score": score, "weight": weight}


def reference(pred, label, score, weight):
    beta = 2.0
    loss_weight = 1.0
    num_classes = pred.shape[1]
    # negative (background) branch: BCE against zero label, modulated by pred^beta * 0.75
    scale_factor = pred
    neg_loss = _bce(pred, jnp.zeros_like(pred)) * jnp.power(scale_factor, beta) * 0.75
    # positive samples: label in [0, num_classes)
    pos_mask = (label >= 0) & (label < num_classes)
    lab = jnp.clip(label, 0, num_classes - 1)
    pred_at = jnp.take_along_axis(pred, lab[:, None], axis=1)[:, 0]
    pos_val = _bce(pred_at, score) * weight
    # overwrite loss[pos, pos_label] with pos_val (scatter-set, expressed functionally)
    onehot = (jnp.arange(num_classes)[None, :] == lab[:, None]) & pos_mask[:, None]
    loss = jnp.where(onehot, pos_val[:, None], neg_loss)
    loss = loss.sum(-1)
    # weighted_loss decorator: weight arg is None, reduction='mean', avg_factor=None -> plain mean
    return loss_weight * loss.mean()

if __name__ == "__main__":
    import jax
    _d = setup_inputs()
    print(jax.jit(kernel)(*tuple(_d.values())))

</pallas_src>

<mosaic_0001>
#map = affine_map<(d0, d1) -> (0)>
#map1 = affine_map<(d0, d1) -> (0, 0, 0)>
module attributes {stable_mosaic.version = 14 : i64} {
  func.func @_sc_gather_body(%arg0: i32, %arg1: i32, %arg2: memref<8000000xf32, #tpu.memory_space<hbm>>, %arg3: memref<102400xi32, #tpu.memory_space<hbm>>, %arg4: memref<32x25x128xf32, #tpu.memory_space<hbm>>, %arg5: memref<3200xi32, #tpu.memory_space<vmem>>, %arg6: memref<25x128xi32, #tpu.memory_space<vmem>>, %arg7: memref<25x128xf32, #tpu.memory_space<vmem>>, %arg8: memref<!tpu.dma_semaphore, #tpu.memory_space<semaphore_mem>>) attributes {dimension_semantics = [#tpu.dimension_semantics<core_parallel>, #tpu.dimension_semantics<subcore_parallel>], iteration_bounds = array<i64: 2, 16>, scalar_prefetch = 0 : i64, scratch_operands = 4 : i64, tpu.core_type = #tpu.core_type<sc_vector_subcore>, window_params = [{transform_indices = #map}, {transform_indices = #map}, {transform_indices = #map1}]} {
    %mul3A = arith.constant 2 : i32
    %mul3A_0 = arith.muli %arg1, %mul3A : i32
    %add3A = arith.addi %mul3A_0, %arg0 : i32
    %mul3A_1 = arith.constant 3200 : i32
    %mul3A_2 = arith.muli %add3A, %mul3A_1 : i32
    "tpu.region"() ({
      %run_scoped3A = tpu.sem_alloc : memref<!tpu.dma_semaphore, #tpu.memory_space<semaphore_mem>>
      %dma_start3A_675 = tpu.memref_slice %arg3[%mul3A_2] : memref<102400xi32, #tpu.memory_space<hbm>> -> memref<3200xi32, #tpu.memory_space<hbm>>
      %dma_start3A_676 = tpu.memref_slice %arg3[%mul3A_2] : memref<102400xi32, #tpu.memory_space<hbm>> -> memref<3200xi32, #tpu.memory_space<hbm>>
      tpu.enqueue_dma source(%dma_start3A_676 : memref<3200xi32, #tpu.memory_space<hbm>>) target(%arg5 : memref<3200xi32, #tpu.memory_space<vmem>>) target_semaphore(%run_scoped3A : memref<!tpu.dma_semaphore, #tpu.memory_space<semaphore_mem>>)
      %dma_wait3A_677 = tpu.memref_slice %arg3[%mul3A_2] : memref<102400xi32, #tpu.memory_space<hbm>> -> memref<3200xi32, #tpu.memory_space<hbm>>
      %dma_wait3A_678 = tpu.memref_slice %arg3[%mul3A_2] : memref<102400xi32, #tpu.memory_space<hbm>> -> memref<3200xi32, #tpu.memory_space<hbm>>
      tpu.wait_dma2 semaphore(%run_scoped3A : memref<!tpu.dma_semaphore, #tpu.memory_space<semaphore_mem>>) src(%dma_wait3A_678 : memref<3200xi32, #tpu.memory_space<hbm>>) dst(%arg5 : memref<3200xi32, #tpu.memory_space<vmem>>)
      tpu.yield
    }) : () -> ()
    %iota3A = tpu.iota {dimensions = array<i32: 0>} : vector<16xi32>
    %scan3A = arith.constant 0 : i32
    %scan3A_3 = arith.constant 0 : i32
    %scan3A_4 = arith.constant 8 : i32
    %scan3A_5 = arith.addi %scan3A_3, %scan3A_4 : i32
    %scan3A_6 = arith.constant 1 : i32
    %scan3A_7 = scf.for %scan3A_675 = %scan3A_3 to %scan3A_5 step %scan3A_6 iter_args(%scan3A_676 = %scan3A) -> (i32)  : i32 {
      %add3A_677 = arith.constant 0 : i32
      %add3A_678 = arith.addi %add3A_677, %scan3A_675 : i32
      %mul3A_679 = arith.constant 16 : i32
      %mul3A_680 = arith.muli %add3A_678, %mul3A_679 : i32
      %get3A = arith.index_cast %mul3A_680 : i32 to index
      %get3A_681 = tpu.vector_load %arg5[%get3A] {strides = array<i32>} : memref<3200xi32, #tpu.memory_space<vmem>>, vector<16xi32>,
      %get3A_682 = vector.shape_cast %get3A_681 : vector<16xi32> to vector<16xi32>
      %jit3A = arith.constant 0 : i32
      %jit3A_683 = arith.constant 79 : i32
      %max3A = vector.broadcast %jit3A : i32 to vector<16xi32>
      %max3A_684 = arith.maxsi %max3A, %get3A_682 : vector<16xi32>
      %min3A = vector.broadcast %jit3A_683 : i32 to vector<16xi32>
      %min3A_685 = arith.minsi %min3A, %max3A_684 : vector<16xi32>
      %mul3A_686 = arith.constant 16 : i32
      %mul3A_687 = arith.muli %add3A_678, %mul3A_686 : i32
      %add3A_688 = arith.addi %mul3A_2, %mul3A_687 : i32
      %add3A_689 = vector.broadcast %add3A_688 : i32 to vector<16xi32>
      %add3A_690 = arith.addi %add3A_689, %iota3A : vector<16xi32>
      %mul3A_691 = arith.constant 80 : i32
      %mul3A_692 = vector.broadcast %mul3A_691 : i32 to vector<16xi32>
      %mul3A_693 = arith.muli %add3A_690, %mul3A_692 : vector<16xi32>
      %add3A_694 = arith.addi %mul3A_693, %min3A_685 : vector<16xi32>
      %min3A_695 = arith.constant 7999999 : i32
      %min3A_696 = vector.broadcast %min3A_695 : i32 to vector<16xi32>
      %min3A_697 = arith.minsi %add3A_694, %min3A_696 : vector<16xi32>
      %mul3A_698 = arith.constant 16 : i32
      %mul3A_699 = arith.muli %scan3A_675, %mul3A_698 : i32
      %swap3A = arith.constant 0 : i32
      %swap3A_700 = arith.index_cast %swap3A : i32 to index
      %swap3A_701 = arith.index_cast %mul3A_699 : i32 to index
      %swap3A_702 = tpu.vector_load %arg6[%swap3A_700, %swap3A_701] {strides = array<i32>} : memref<25x128xi32, #tpu.memory_space<vmem>>, vector<1x16xi32>,
      %swap3A_703 = vector.shape_cast %swap3A_702 : vector<1x16xi32> to vector<16xi32>
      %swap3A_704 = vector.shape_cast %min3A_697 : vector<16xi32> to vector<1x16xi32>
      tpu.vector_store %arg6[%swap3A_700, %swap3A_701], %swap3A_704 {strides = array<i32>} : memref<25x128xi32, #tpu.memory_space<vmem>>, vector<1x16xi32>,
      %scan3A_705 = arith.constant 0 : i32
      scf.yield %scan3A_705 : i32
    }
    %scan3A_8 = arith.constant 8 : i32
    %scan3A_9 = arith.constant 0 : i32
    %scan3A_10 = arith.constant 0 : i32
    %scan3A_11 = arith.constant 8 : i32
    %scan3A_12 = arith.addi %scan3A_10, %scan3A_11 : i32
    %scan3A_13 = arith.constant 1 : i32
    %scan3A_14 = scf.for %scan3A_675 = %scan3A_10 to %scan3A_12 step %scan3A_13 iter_args(%scan3A_676 = %scan3A_9) -> (i32)  : i32 {
      %add3A_677 = arith.constant 8 : i32
      %add3A_678 = arith.addi %add3A_677, %scan3A_675 : i32
      %mul3A_679 = arith.constant 16 : i32
      %mul3A_680 = arith.muli %add3A_678, %mul3A_679 : i32
      %get3A = arith.index_cast %mul3A_680 : i32 to index
      %get3A_681 = tpu.vector_load %arg5[%get3A] {strides = array<i32>} : memref<3200xi32, #tpu.memory_space<vmem>>, vector<16xi32>,
      %get3A_682 = vector.shape_cast %get3A_681 : vector<16xi32> to vector<16xi32>
      %jit3A = arith.constant 0 : i32
      %jit3A_683 = arith.constant 79 : i32
      %max3A = vector.broadcast %jit3A : i32 to vector<16xi32>
      %max3A_684 = arith.maxsi %max3A, %get3A_682 : vector<16xi32>
      %min3A = vector.broadcast %jit3A_683 : i32 to vector<16xi32>
      %min3A_685 = arith.minsi %min3A, %max3A_684 : vector<16xi32>
      %mul3A_686 = arith.constant 16 : i32
      %mul3A_687 = arith.muli %add3A_678, %mul3A_686 : i32
      %add3A_688 = arith.addi %mul3A_2, %mul3A_687 : i32
      %add3A_689 = vector.broadcast %add3A_688 : i32 to vector<16xi32>
      %add3A_690 = arith.addi %add3A_689, %iota3A : vector<16xi32>
      %mul3A_691 = arith.constant 80 : i32
      %mul3A_692 = vector.broadcast %mul3A_691 : i32 to vector<16xi32>
      %mul3A_693 = arith.muli %add3A_690, %mul3A_692 : vector<16xi32>
      %add3A_694 = arith.addi %mul3A_693, %min3A_685 : vector<16xi32>
      %min3A_695 = arith.constant 7999999 : i32
      %min3A_696 = vector.broadcast %min3A_695 : i32 to vector<16xi32>
      %min3A_697 = arith.minsi %add3A_694, %min3A_696 : vector<16xi32>
      %mul3A_698 = arith.constant 16 : i32
      %mul3A_699 = arith.muli %scan3A_675, %mul3A_698 : i32
      %swap3A = arith.constant 1 : i32
      %swap3A_700 = arith.index_cast %swap3A : i32 to index
      %swap3A_701 = arith.index_cast %mul3A_699 : i32 to index
      %swap3A_702 = tpu.vector_load %arg6[%swap3A_700, %swap3A_701] {strides = array<i32>} : memref<25x128xi32, #tpu.memory_space<vmem>>, vector<1x16xi32>,
      %swap3A_703 = vector.shape_cast %swap3A_702 : vector<1x16xi32> to vector<16xi32>
      %swap3A_704 = vector.shape_cast %min3A_697 : vector<16xi32> to vector<1x16xi32>
      tpu.vector_store %arg6[%swap3A_700, %swap3A_701], %swap3A_704 {strides = array<i32>} : memref<25x128xi32, #tpu.memory_space<vmem>>, vector<1x16xi32>,
      %scan3A_705 = arith.constant 0 : i32
      scf.yield %scan3A_705 : i32
    }
    %scan3A_15 = arith.constant 8 : i32
    %scan3A_16 = arith.constant 0 : i32
    %scan3A_17 = arith.constant 0 : i32
    %scan3A_18 = arith.constant 8 : i32
    %scan3A_19 = arith.addi %scan3A_17, %scan3A_18 : i32
    %scan3A_20 = arith.constant 1 : i32
    %scan3A_21 = scf.for %scan3A_675 = %scan3A_17 to %scan3A_19 step %scan3A_20 iter_args(%scan3A_676 = %scan3A_16) -> (i32)  : i32 {
      %add3A_677 = arith.constant 16 : i32
      %add3A_678 = arith.addi %add3A_677, %scan3A_675 : i32
      %mul3A_679 = arith.constant 16 : i32
      %mul3A_680 = arith.muli %add3A_678, %mul3A_679 : i32
      %get3A = arith.index_cast %mul3A_680 : i32 to index
      %get3A_681 = tpu.vector_load %arg5[%get3A] {strides = array<i32>} : memref<3200xi32, #tpu.memory_space<vmem>>, vector<16xi32>,
      %get3A_682 = vector.shape_cast %get3A_681 : vector<16xi32> to vector<16xi32>
      %jit3A = arith.constant 0 : i32
      %jit3A_683 = arith.constant 79 : i32
      %max3A = vector.broadcast %jit3A : i32 to vector<16xi32>
      %max3A_684 = arith.maxsi %max3A, %get3A_682 : vector<16xi32>
      %min3A = vector.broadcast %jit3A_683 : i32 to vector<16xi32>
      %min3A_685 = arith.minsi %min3A, %max3A_684 : vector<16xi32>
      %mul3A_686 = arith.constant 16 : i32
      %mul3A_687 = arith.muli %add3A_678, %mul3A_686 : i32
      %add3A_688 = arith.addi %mul3A_2, %mul3A_687 : i32
      %add3A_689 = vector.broadcast %add3A_688 : i32 to vector<16xi32>
      %add3A_690 = arith.addi %add3A_689, %iota3A : vector<16xi32>
      %mul3A_691 = arith.constant 80 : i32
      %mul3A_692 = vector.broadcast %mul3A_691 : i32 to vector<16xi32>
      %mul3A_693 = arith.muli %add3A_690, %mul3A_692 : vector<16xi32>
      %add3A_694 = arith.addi %mul3A_693, %min3A_685 : vector<16xi32>
      %min3A_695 = arith.constant 7999999 : i32
      %min3A_696 = vector.broadcast %min3A_695 : i32 to vector<16xi32>
      %min3A_697 = arith.minsi %add3A_694, %min3A_696 : vector<16xi32>
      %mul3A_698 = arith.constant 16 : i32
      %mul3A_699 = arith.muli %scan3A_675, %mul3A_698 : i32
      %swap3A = arith.constant 2 : i32
      %swap3A_700 = arith.index_cast %swap3A : i32 to index
      %swap3A_701 = arith.index_cast %mul3A_699 : i32 to index
      %swap3A_702 = tpu.vector_load %arg6[%swap3A_700, %swap3A_701] {strides = array<i32>} : memref<25x128xi32, #tpu.memory_space<vmem>>, vector<1x16xi32>,
      %swap3A_703 = vector.shape_cast %swap3A_702 : vector<1x16xi32> to vector<16xi32>
      %swap3A_704 = vector.shape_cast %min3A_697 : vector<16xi32> to vector<1x16xi32>
      tpu.vector_store %arg6[%swap3A_700, %swap3A_701], %swap3A_704 {strides = array<i32>} : memref<25x128xi32, #tpu.memory_space<vmem>>, vector<1x16xi32>,
      %scan3A_705 = arith.constant 0 : i32
      scf.yield %scan3A_705 : i32
    }
    %scan3A_22 = arith.constant 8 : i32
    %scan3A_23 = arith.constant 0 : i32
    %scan3A_24 = arith.constant 0 : i32
    %scan3A_25 = arith.constant 8 : i32
    %scan3A_26 = arith.addi %scan3A_24, %scan3A_25 : i32
    %scan3A_27 = arith.constant 1 : i32
    %scan3A_28 = scf.for %scan3A_675 = %scan3A_24 to %scan3A_26 step %scan3A_27 iter_args(%scan3A_676 = %scan3A_23) -> (i32)  : i32 {
      %add3A_677 = arith.constant 24 : i32
      %add3A_678 = arith.addi %add3A_677, %scan3A_675 : i32
      %mul3A_679 = arith.constant 16 : i32
      %mul3A_680 = arith.muli %add3A_678, %mul3A_679 : i32
      %get3A = arith.index_cast %mul3A_680 : i32 to index
      %get3A_681 = tpu.vector_load %arg5[%get3A] {strides = array<i32>} : memref<3200xi32, #tpu.memory_space<vmem>>, vector<16xi32>,
      %get3A_682 = vector.shape_cast %get3A_681 : vector<16xi32> to vector<16xi32>
      %jit3A = arith.constant 0 : i32
      %jit3A_683 = arith.constant 79 : i32
      %max3A = vector.broadcast %jit3A : i32 to vector<16xi32>
      %max3A_684 = arith.maxsi %max3A, %get3A_682 : vector<16xi32>
      %min3A = vector.broadcast %jit3A_683 : i32 to vector<16xi32>
      %min3A_685 = arith.minsi %min3A, %max3A_684 : vector<16xi32>
      %mul3A_686 = arith.constant 16 : i32
      %mul3A_687 = arith.muli %add3A_678, %mul3A_686 : i32
      %add3A_688 = arith.addi %mul3A_2, %mul3A_687 : i32
      %add3A_689 = vector.broadcast %add3A_688 : i32 to vector<16xi32>
      %add3A_690 = arith.addi %add3A_689, %iota3A : vector<16xi32>
      %mul3A_691 = arith.constant 80 : i32
      %mul3A_692 = vector.broadcast %mul3A_691 : i32 to vector<16xi32>
      %mul3A_693 = arith.muli %add3A_690, %mul3A_692 : vector<16xi32>
      %add3A_694 = arith.addi %mul3A_693, %min3A_685 : vector<16xi32>
      %min3A_695 = arith.constant 7999999 : i32
      %min3A_696 = vector.broadcast %min3A_695 : i32 to vector<16xi32>
      %min3A_697 = arith.minsi %add3A_694, %min3A_696 : vector<16xi32>
      %mul3A_698 = arith.constant 16 : i32
      %mul3A_699 = arith.muli %scan3A_675, %mul3A_698 : i32
      %swap3A = arith.constant 3 : i32
      %swap3A_700 = arith.index_cast %swap3A : i32 to index
      %swap3A_701 = arith.index_cast %mul3A_699 : i32 to index
      %swap3A_702 = tpu.vector_load %arg6[%swap3A_700, %swap3A_701] {strides = array<i32>} : memref<25x128xi32, #tpu.memory_space<vmem>>, vector<1x16xi32>,
      %swap3A_703 = vector.shape_cast %swap3A_702 : vector<1x16xi32> to vector<16xi32>
      %swap3A_704 = vector.shape_cast %min3A_697 : vector<16xi32> to vector<1x16xi32>
      tpu.vector_store %arg6[%swap3A_700, %swap3A_701], %swap3A_704 {strides = array<i32>} : memref<25x128xi32, #tpu.memory_space<vmem>>, vector<1x16xi32>,
      %scan3A_705 = arith.constant 0 : i32
      scf.yield %scan3A_705 : i32
    }
    %scan3A_29 = arith.constant 8 : i32
    %scan3A_30 = arith.constant 0 : i32
    %scan3A_31 = arith.constant 0 : i32
    %scan3A_32 = arith.constant 8 : i32
    %scan3A_33 = arith.addi %scan3A_31, %scan3A_32 : i32
    %scan3A_34 = arith.constant 1 : i32
    %scan3A_35 = scf.for %scan3A_675 = %scan3A_31 to %scan3A_33 step %scan3A_34 iter_args(%scan3A_676 = %scan3A_30) -> (i32)  : i32 {
      %add3A_677 = arith.constant 32 : i32
      %add3A_678 = arith.addi %add3A_677, %scan3A_675 : i32
      %mul3A_679 = arith.constant 16 : i32
      %mul3A_680 = arith.muli %add3A_678, %mul3A_679 : i32
      %get3A = arith.index_cast %mul3A_680 : i32 to index
      %get3A_681 = tpu.vector_load %arg5[%get3A] {strides = array<i32>} : memref<3200xi32, #tpu.memory_space<vmem>>, vector<16xi32>,
      %get3A_682 = vector.shape_cast %get3A_681 : vector<16xi32> to vector<16xi32>
      %jit3A = arith.constant 0 : i32
      %jit3A_683 = arith.constant 79 : i32
      %max3A = vector.broadcast %jit3A : i32 to vector<16xi32>
      %max3A_684 = arith.maxsi %max3A, %get3A_682 : vector<16xi32>
      %min3A = vector.broadcast %jit3A_683 : i32 to vector<16xi32>
      %min3A_685 = arith.minsi %min3A, %max3A_684 : vector<16xi32>
      %mul3A_686 = arith.constant 16 : i32
      %mul3A_687 = arith.muli %add3A_678, %mul3A_686 : i32
      %add3A_688 = arith.addi %mul3A_2, %mul3A_687 : i32
      %add3A_689 = vector.broadcast %add3A_688 : i32 to vector<16xi32>
      %add3A_690 = arith.addi %add3A_689, %iota3A : vector<16xi32>
      %mul3A_691 = arith.constant 80 : i32
      %mul3A_692 = vector.broadcast %mul3A_691 : i32 to vector<16xi32>
      %mul3A_693 = arith.muli %add3A_690, %mul3A_692 : vector<16xi32>
      %add3A_694 = arith.addi %mul3A_693, %min3A_685 : vector<16xi32>
      %min3A_695 = arith.constant 7999999 : i32
      %min3A_696 = vector.broadcast %min3A_695 : i32 to vector<16xi32>
      %min3A_697 = arith.minsi %add3A_694, %min3A_696 : vector<16xi32>
      %mul3A_698 = arith.constant 16 : i32
      %mul3A_699 = arith.muli %scan3A_675, %mul3A_698 : i32
      %swap3A = arith.constant 4 : i32
      %swap3A_700 = arith.index_cast %swap3A : i32 to index
      %swap3A_701 = arith.index_cast %mul3A_699 : i32 to index
      %swap3A_702 = tpu.vector_load %arg6[%swap3A_700, %swap3A_701] {strides = array<i32>} : memref<25x128xi32, #tpu.memory_space<vmem>>, vector<1x16xi32>,
      %swap3A_703 = vector.shape_cast %swap3A_702 : vector<1x16xi32> to vector<16xi32>
      %swap3A_704 = vector.shape_cast %min3A_697 : vector<16xi32> to vector<1x16xi32>
      tpu.vector_store %arg6[%swap3A_700, %swap3A_701], %swap3A_704 {strides = array<i32>} : memref<25x128xi32, #tpu.memory_space<vmem>>, vector<1x16xi32>,
      %scan3A_705 = arith.constant 0 : i32
      scf.yield %scan3A_705 : i32
    }
    %scan3A_36 = arith.constant 8 : i32
    %scan3A_37 = arith.constant 0 : i32
    %scan3A_38 = arith.constant 0 : i32
    %scan3A_39 = arith.constant 8 : i32
    %scan3A_40 = arith.addi %scan3A_38, %scan3A_39 : i32
    %scan3A_41 = arith.constant 1 : i32
    %scan3A_42 = scf.for %scan3A_675 = %scan3A_38 to %scan3A_40 step %scan3A_41 iter_args(%scan3A_676 = %scan3A_37) -> (i32)  : i32 {
      %add3A_677 = arith.constant 40 : i32
      %add3A_678 = arith.addi %add3A_677, %scan3A_675 : i32
      %mul3A_679 = arith.constant 16 : i32
      %mul3A_680 = arith.muli %add3A_678, %mul3A_679 : i32
      %get3A = arith.index_cast %mul3A_680 : i32 to index
      %get3A_681 = tpu.vector_load %arg5[%get3A] {strides = array<i32>} : memref<3200xi32, #tpu.memory_space<vmem>>, vector<16xi32>,
      %get3A_682 = vector.shape_cast %get3A_681 : vector<16xi32> to vector<16xi32>
      %jit3A = arith.constant 0 : i32
      %jit3A_683 = arith.constant 79 : i32
      %max3A = vector.broadcast %jit3A : i32 to vector<16xi32>
      %max3A_684 = arith.maxsi %max3A, %get3A_682 : vector<16xi32>
      %min3A = vector.broadcast %jit3A_683 : i32 to vector<16xi32>
      %min3A_685 = arith.minsi %min3A, %max3A_684 : vector<16xi32>
      %mul3A_686 = arith.constant 16 : i32
      %mul3A_687 = arith.muli %add3A_678, %mul3A_686 : i32
      %add3A_688 = arith.addi %mul3A_2, %mul3A_687 : i32
      %add3A_689 = vector.broadcast %add3A_688 : i32 to vector<16xi32>
      %add3A_690 = arith.addi %add3A_689, %iota3A : vector<16xi32>
      %mul3A_691 = arith.constant 80 : i32
      %mul3A_692 = vector.broadcast %mul3A_691 : i32 to vector<16xi32>
      %mul3A_693 = arith.muli %add3A_690, %mul3A_692 : vector<16xi32>
      %add3A_694 = arith.addi %mul3A_693, %min3A_685 : vector<16xi32>
      %min3A_695 = arith.constant 7999999 : i32
      %min3A_696 = vector.broadcast %min3A_695 : i32 to vector<16xi32>
      %min3A_697 = arith.minsi %add3A_694, %min3A_696 : vector<16xi32>
      %mul3A_698 = arith.constant 16 : i32
      %mul3A_699 = arith.muli %scan3A_675, %mul3A_698 : i32
      %swap3A = arith.constant 5 : i32
      %swap3A_700 = arith.index_cast %swap3A : i32 to index
      %swap3A_701 = arith.index_cast %mul3A_699 : i32 to index
      %swap3A_702 = tpu.vector_load %arg6[%swap3A_700, %swap3A_701] {strides = array<i32>} : memref<25x128xi32, #tpu.memory_space<vmem>>, vector<1x16xi32>,
      %swap3A_703 = vector.shape_cast %swap3A_702 : vector<1x16xi32> to vector<16xi32>
      %swap3A_704 = vector.shape_cast %min3A_697 : vector<16xi32> to vector<1x16xi32>
      tpu.vector_store %arg6[%swap3A_700, %swap3A_701], %swap3A_704 {strides = array<i32>} : memref<25x128xi32, #tpu.memory_space<vmem>>, vector<1x16xi32>,
      %scan3A_705 = arith.constant 0 : i32
      scf.yield %scan3A_705 : i32
    }
    %scan3A_43 = arith.constant 8 : i32
    %scan3A_44 = arith.constant 0 : i32
    %scan3A_45 = arith.constant 0 : i32
    %scan3A_46 = arith.constant 8 : i32
    %scan3A_47 = arith.addi %scan3A_45, %scan3A_46 : i32
    %scan3A_48 = arith.constant 1 : i32
    %scan3A_49 = scf.for %scan3A_675 = %scan3A_45 to %scan3A_47 step %scan3A_48 iter_args(%scan3A_676 = %scan3A_44) -> (i32)  : i32 {
      %add3A_677 = arith.constant 48 : i32
      %add3A_678 = arith.addi %add3A_677, %scan3A_675 : i32
      %mul3A_679 = arith.constant 16 : i32
      %mul3A_680 = arith.muli %add3A_678, %mul3A_679 : i32
      %get3A = arith.index_cast %mul3A_680 : i32 to index
      %get3A_681 = tpu.vector_load %arg5[%get3A] {strides = array<i32>} : memref<3200xi32, #tpu.memory_space<vmem>>, vector<16xi32>,
      %get3A_682 = vector.shape_cast %get3A_681 : vector<16xi32> to vector<16xi32>
      %jit3A = arith.constant 0 : i32
      %jit3A_683 = arith.constant 79 : i32
      %max3A = vector.broadcast %jit3A : i32 to vector<16xi32>
      %max3A_684 = arith.maxsi %max3A, %get3A_682 : vector<16xi32>
      %min3A = vector.broadcast %jit3A_683 : i32 to vector<16xi32>
      %min3A_685 = arith.minsi %min3A, %max3A_684 : vector<16xi32>
      %mul3A_686 = arith.constant 16 : i32
      %mul3A_687 = arith.muli %add3A_678, %mul3A_686 : i32
      %add3A_688 = arith.addi %mul3A_2, %mul3A_687 : i32
      %add3A_689 = vector.broadcast %add3A_688 : i32 to vector<16xi32>
      %add3A_690 = arith.addi %add3A_689, %iota3A : vector<16xi32>
      %mul3A_691 = arith.constant 80 : i32
      %mul3A_692 = vector.broadcast %mul3A_691 : i32 to vector<16xi32>
      %mul3A_693 = arith.muli %add3A_690, %mul3A_692 : vector<16xi32>
      %add3A_694 = arith.addi %mul3A_693, %min3A_685 : vector<16xi32>
      %min3A_695 = arith.constant 7999999 : i32
      %min3A_696 = vector.broadcast %min3A_695 : i32 to vector<16xi32>
      %min3A_697 = arith.minsi %add3A_694, %min3A_696 : vector<16xi32>
      %mul3A_698 = arith.constant 16 : i32
      %mul3A_699 = arith.muli %scan3A_675, %mul3A_698 : i32
      %swap3A = arith.constant 6 : i32
      %swap3A_700 = arith.index_cast %swap3A : i32 to index
      %swap3A_701 = arith.index_cast %mul3A_699 : i32 to index
      %swap3A_702 = tpu.vector_load %arg6[%swap3A_700, %swap3A_701] {strides = array<i32>} : memref<25x128xi32, #tpu.memory_space<vmem>>, vector<1x16xi32>,
      %swap3A_703 = vector.shape_cast %swap3A_702 : vector<1x16xi32> to vector<16xi32>
      %swap3A_704 = vector.shape_cast %min3A_697 : vector<16xi32> to vector<1x16xi32>
      tpu.vector_store %arg6[%swap3A_700, %swap3A_701], %swap3A_704 {strides = array<i32>} : memref<25x128xi32, #tpu.memory_space<vmem>>, vector<1x16xi32>,
      %scan3A_705 = arith.constant 0 : i32
      scf.yield %scan3A_705 : i32
    }
    %scan3A_50 = arith.constant 8 : i32
    %scan3A_51 = arith.constant 0 : i32
    %scan3A_52 = arith.constant 0 : i32
    %scan3A_53 = arith.constant 8 : i32
    %scan3A_54 = arith.addi %scan3A_52, %scan3A_53 : i32
    %scan3A_55 = arith.constant 1 : i32
    %scan3A_56 = scf.for %scan3A_675 = %scan3A_52 to %scan3A_54 step %scan3A_55 iter_args(%scan3A_676 = %scan3A_51) -> (i32)  : i32 {
      %add3A_677 = arith.constant 56 : i32
      %add3A_678 = arith.addi %add3A_677, %scan3A_675 : i32
      %mul3A_679 = arith.constant 16 : i32
      %mul3A_680 = arith.muli %add3A_678, %mul3A_679 : i32
      %get3A = arith.index_cast %mul3A_680 : i32 to index
      %get3A_681 = tpu.vector_load %arg5[%get3A] {strides = array<i32>} : memref<3200xi32, #tpu.memory_space<vmem>>, vector<16xi32>,
      %get3A_682 = vector.shape_cast %get3A_681 : vector<16xi32> to vector<16xi32>
      %jit3A = arith.constant 0 : i32
      %jit3A_683 = arith.constant 79 : i32
      %max3A = vector.broadcast %jit3A : i32 to vector<16xi32>
      %max3A_684 = arith.maxsi %max3A, %get3A_682 : vector<16xi32>
      %min3A = vector.broadcast %jit3A_683 : i32 to vector<16xi32>
      %min3A_685 = arith.minsi %min3A, %max3A_684 : vector<16xi32>
      %mul3A_686 = arith.constant 16 : i32
      %mul3A_687 = arith.muli %add3A_678, %mul3A_686 : i32
      %add3A_688 = arith.addi %mul3A_2, %mul3A_687 : i32
      %add3A_689 = vector.broadcast %add3A_688 : i32 to vector<16xi32>
      %add3A_690 = arith.addi %add3A_689, %iota3A : vector<16xi32>
      %mul3A_691 = arith.constant 80 : i32
      %mul3A_692 = vector.broadcast %mul3A_691 : i32 to vector<16xi32>
      %mul3A_693 = arith.muli %add3A_690, %mul3A_692 : vector<16xi32>
      %add3A_694 = arith.addi %mul3A_693, %min3A_685 : vector<16xi32>
      %min3A_695 = arith.constant 7999999 : i32
      %min3A_696 = vector.broadcast %min3A_695 : i32 to vector<16xi32>
      %min3A_697 = arith.minsi %add3A_694, %min3A_696 : vector<16xi32>
      %mul3A_698 = arith.constant 16 : i32
      %mul3A_699 = arith.muli %scan3A_675, %mul3A_698 : i32
      %swap3A = arith.constant 7 : i32
      %swap3A_700 = arith.index_cast %swap3A : i32 to index
      %swap3A_701 = arith.index_cast %mul3A_699 : i32 to index
      %swap3A_702 = tpu.vector_load %arg6[%swap3A_700, %swap3A_701] {strides = array<i32>} : memref<25x128xi32, #tpu.memory_space<vmem>>, vector<1x16xi32>,
      %swap3A_703 = vector.shape_cast %swap3A_702 : vector<1x16xi32> to vector<16xi32>
      %swap3A_704 = vector.shape_cast %min3A_697 : vector<16xi32> to vector<1x16xi32>
      tpu.vector_store %arg6[%swap3A_700, %swap3A_701], %swap3A_704 {strides = array<i32>} : memref<25x128xi32, #tpu.memory_space<vmem>>, vector<1x16xi32>,
      %scan3A_705 = arith.constant 0 : i32
      scf.yield %scan3A_705 : i32
    }
    %scan3A_57 = arith.constant 8 : i32
    %scan3A_58 = arith.constant 0 : i32
    %scan3A_59 = arith.constant 0 : i32
    %scan3A_60 = arith.constant 8 : i32
    %scan3A_61 = arith.addi %scan3A_59, %scan3A_60 : i32
    %scan3A_62 = arith.constant 1 : i32
    %scan3A_63 = scf.for %scan3A_675 = %scan3A_59 to %scan3A_61 step %scan3A_62 iter_args(%scan3A_676 = %scan3A_58) -> (i32)  : i32 {
      %add3A_677 = arith.constant 64 : i32
      %add3A_678 = arith.addi %add3A_677, %scan3A_675 : i32
      %mul3A_679 = arith.constant 16 : i32
      %mul3A_680 = arith.muli %add3A_678, %mul3A_679 : i32
      %get3A = arith.index_cast %mul3A_680 : i32 to index
      %get3A_681 = tpu.vector_load %arg5[%get3A] {strides = array<i32>} : memref<3200xi32, #tpu.memory_space<vmem>>, vector<16xi32>,
      %get3A_682 = vector.shape_cast %get3A_681 : vector<16xi32> to vector<16xi32>
      %jit3A = arith.constant 0 : i32
      %jit3A_683 = arith.constant 79 : i32
      %max3A = vector.broadcast %jit3A : i32 to vector<16xi32>
      %max3A_684 = arith.maxsi %max3A, %get3A_682 : vector<16xi32>
      %min3A = vector.broadcast %jit3A_683 : i32 to vector<16xi32>
      %min3A_685 = arith.minsi %min3A, %max3A_684 : vector<16xi32>
      %mul3A_686 = arith.constant 16 : i32
      %mul3A_687 = arith.muli %add3A_678, %mul3A_686 : i32
      %add3A_688 = arith.addi %mul3A_2, %mul3A_687 : i32
      %add3A_689 = vector.broadcast %add3A_688 : i32 to vector<16xi32>
      %add3A_690 = arith.addi %add3A_689, %iota3A : vector<16xi32>
      %mul3A_691 = arith.constant 80 : i32
      %mul3A_692 = vector.broadcast %mul3A_691 : i32 to vector<16xi32>
      %mul3A_693 = arith.muli %add3A_690, %mul3A_692 : vector<16xi32>
      %add3A_694 = arith.addi %mul3A_693, %min3A_685 : vector<16xi32>
      %min3A_695 = arith.constant 7999999 : i32
      %min3A_696 = vector.broadcast %min3A_695 : i32 to vector<16xi32>
      %min3A_697 = arith.minsi %add3A_694, %min3A_696 : vector<16xi32>
      %mul3A_698 = arith.constant 16 : i32
      %mul3A_699 = arith.muli %scan3A_675, %mul3A_698 : i32
      %swap3A = arith.constant 8 : i32
      %swap3A_700 = arith.index_cast %swap3A : i32 to index
      %swap3A_701 = arith.index_cast %mul3A_699 : i32 to index
      %swap3A_702 = tpu.vector_load %arg6[%swap3A_700, %swap3A_701] {strides = array<i32>} : memref<25x128xi32, #tpu.memory_space<vmem>>, vector<1x16xi32>,
      %swap3A_703 = vector.shape_cast %swap3A_702 : vector<1x16xi32> to vector<16xi32>
      %swap3A_704 = vector.shape_cast %min3A_697 : vector<16xi32> to vector<1x16xi32>
      tpu.vector_store %arg6[%swap3A_700, %swap3A_701], %swap3A_704 {strides = array<i32>} : memref<25x128xi32, #tpu.memory_space<vmem>>, vector<1x16xi32>,
      %scan3A_705 = arith.constant 0 : i32
      scf.yield %scan3A_705 : i32
    }
    %scan3A_64 = arith.constant 8 : i32
    %scan3A_65 = arith.constant 0 : i32
    %scan3A_66 = arith.constant 0 : i32
    %scan3A_67 = arith.constant 8 : i32
    %scan3A_68 = arith.addi %scan3A_66, %scan3A_67 : i32
    %scan3A_69 = arith.constant 1 : i32
    %scan3A_70 = scf.for %scan3A_675 = %scan3A_66 to %scan3A_68 step %scan3A_69 iter_args(%scan3A_676 = %scan3A_65) -> (i32)  : i32 {
      %add3A_677 = arith.constant 72 : i32
      %add3A_678 = arith.addi %add3A_677, %scan3A_675 : i32
      %mul3A_679 = arith.constant 16 : i32
      %mul3A_680 = arith.muli %add3A_678, %mul3A_679 : i32
      %get3A = arith.index_cast %mul3A_680 : i32 to index
      %get3A_681 = tpu.vector_load %arg5[%get3A] {strides = array<i32>} : memref<3200xi32, #tpu.memory_space<vmem>>, vector<16xi32>,
      %get3A_682 = vector.shape_cast %get3A_681 : vector<16xi32> to vector<16xi32>
      %jit3A = arith.constant 0 : i32
      %jit3A_683 = arith.constant 79 : i32
      %max3A = vector.broadcast %jit3A : i32 to vector<16xi32>
      %max3A_684 = arith.maxsi %max3A, %get3A_682 : vector<16xi32>
      %min3A = vector.broadcast %jit3A_683 : i32 to vector<16xi32>
      %min3A_685 = arith.minsi %min3A, %max3A_684 : vector<16xi32>
      %mul3A_686 = arith.constant 16 : i32
      %mul3A_687 = arith.muli %add3A_678, %mul3A_686 : i32
      %add3A_688 = arith.addi %mul3A_2, %mul3A_687 : i32
      %add3A_689 = vector.broadcast %add3A_688 : i32 to vector<16xi32>
      %add3A_690 = arith.addi %add3A_689, %iota3A : vector<16xi32>
      %mul3A_691 = arith.constant 80 : i32
      %mul3A_692 = vector.broadcast %mul3A_691 : i32 to vector<16xi32>
      %mul3A_693 = arith.muli %add3A_690, %mul3A_692 : vector<16xi32>
      %add3A_694 = arith.addi %mul3A_693, %min3A_685 : vector<16xi32>
      %min3A_695 = arith.constant 7999999 : i32
      %min3A_696 = vector.broadcast %min3A_695 : i32 to vector<16xi32>
      %min3A_697 = arith.minsi %add3A_694, %min3A_696 : vector<16xi32>
      %mul3A_698 = arith.constant 16 : i32
      %mul3A_699 = arith.muli %scan3A_675, %mul3A_698 : i32
      %swap3A = arith.constant 9 : i32
      %swap3A_700 = arith.index_cast %swap3A : i32 to index
      %swap3A_701 = arith.index_cast %mul3A_699 : i32 to index
      %swap3A_702 = tpu.vector_load %arg6[%swap3A_700, %swap3A_701] {strides = array<i32>} : memref<25x128xi32, #tpu.memory_space<vmem>>, vector<1x16xi32>,
      %swap3A_703 = vector.shape_cast %swap3A_702 : vector<1x16xi32> to vector<16xi32>
      %swap3A_704 = vector.shape_cast %min3A_697 : vector<16xi32> to vector<1x16xi32>
      tpu.vector_store %arg6[%swap3A_700, %swap3A_701], %swap3A_704 {strides = array<i32>} : memref<25x128xi32, #tpu.memory_space<vmem>>, vector<1x16xi32>,
      %scan3A_705 = arith.constant 0 : i32
      scf.yield %scan3A_705 : i32
    }
    %scan3A_71 = arith.constant 8 : i32
    %scan3A_72 = arith.constant 0 : i32
    %scan3A_73 = arith.constant 0 : i32
    %scan3A_74 = arith.constant 8 : i32
    %scan3A_75 = arith.addi %scan3A_73, %scan3A_74 : i32
    %scan3A_76 = arith.constant 1 : i32
    %scan3A_77 = scf.for %scan3A_675 = %scan3A_73 to %scan3A_75 step %scan3A_76 iter_args(%scan3A_676 = %scan3A_72) -> (i32)  : i32 {
      %add3A_677 = arith.constant 80 : i32
      %add3A_678 = arith.addi %add3A_677, %scan3A_675 : i32
      %mul3A_679 = arith.constant 16 : i32
      %mul3A_680 = arith.muli %add3A_678, %mul3A_679 : i32
      %get3A = arith.index_cast %mul3A_680 : i32 to index
      %get3A_681 = tpu.vector_load %arg5[%get3A] {strides = array<i32>} : memref<3200xi32, #tpu.memory_space<vmem>>, vector<16xi32>,
      %get3A_682 = vector.shape_cast %get3A_681 : vector<16xi32> to vector<16xi32>
      %jit3A = arith.constant 0 : i32
      %jit3A_683 = arith.constant 79 : i32
      %max3A = vector.broadcast %jit3A : i32 to vector<16xi32>
      %max3A_684 = arith.maxsi %max3A, %get3A_682 : vector<16xi32>
      %min3A = vector.broadcast %jit3A_683 : i32 to vector<16xi32>
      %min3A_685 = arith.minsi %min3A, %max3A_684 : vector<16xi32>
      %mul3A_686 = arith.constant 16 : i32
      %mul3A_687 = arith.muli %add3A_678, %mul3A_686 : i32
      %add3A_688 = arith.addi %mul3A_2, %mul3A_687 : i32
      %add3A_689 = vector.broadcast %add3A_688 : i32 to vector<16xi32>
      %add3A_690 = arith.addi %add3A_689, %iota3A : vector<16xi32>
      %mul3A_691 = arith.constant 80 : i32
      %mul3A_692 = vector.broadcast %mul3A_691 : i32 to vector<16xi32>
      %mul3A_693 = arith.muli %add3A_690, %mul3A_692 : vector<16xi32>
      %add3A_694 = arith.addi %mul3A_693, %min3A_685 : vector<16xi32>
      %min3A_695 = arith.constant 7999999 : i32
      %min3A_696 = vector.broadcast %min3A_695 : i32 to vector<16xi32>
      %min3A_697 = arith.minsi %add3A_694, %min3A_696 : vector<16xi32>
      %mul3A_698 = arith.constant 16 : i32
      %mul3A_699 = arith.muli %scan3A_675, %mul3A_698 : i32
      %swap3A = arith.constant 10 : i32
      %swap3A_700 = arith.index_cast %swap3A : i32 to index
      %swap3A_701 = arith.index_cast %mul3A_699 : i32 to index
      %swap3A_702 = tpu.vector_load %arg6[%swap3A_700, %swap3A_701] {strides = array<i32>} : memref<25x128xi32, #tpu.memory_space<vmem>>, vector<1x16xi32>,
      %swap3A_703 = vector.shape_cast %swap3A_702 : vector<1x16xi32> to vector<16xi32>
      %swap3A_704 = vector.shape_cast %min3A_697 : vector<16xi32> to vector<1x16xi32>
      tpu.vector_store %arg6[%swap3A_700, %swap3A_701], %swap3A_704 {strides = array<i32>} : memref<25x128xi32, #tpu.memory_space<vmem>>, vector<1x16xi32>,
      %scan3A_705 = arith.constant 0 : i32
      scf.yield %scan3A_705 : i32
    }
    %scan3A_78 = arith.constant 8 : i32
    %scan3A_79 = arith.constant 0 : i32
    %scan3A_80 = arith.constant 0 : i32
    %scan3A_81 = arith.constant 8 : i32
    %scan3A_82 = arith.addi %scan3A_80, %scan3A_81 : i32
    %scan3A_83 = arith.constant 1 : i32
    %scan3A_84 = scf.for %scan3A_675 = %scan3A_80 to %scan3A_82 step %scan3A_83 iter_args(%scan3A_676 = %scan3A_79) -> (i32)  : i32 {
      %add3A_677 = arith.constant 88 : i32
      %add3A_678 = arith.addi %add3A_677, %scan3A_675 : i32
      %mul3A_679 = arith.constant 16 : i32
      %mul3A_680 = arith.muli %add3A_678, %mul3A_679 : i32
      %get3A = arith.index_cast %mul3A_680 : i32 to index
      %get3A_681 = tpu.vector_load %arg5[%get3A] {strides = array<i32>} : memref<3200xi32, #tpu.memory_space<vmem>>, vector<16xi32>,
      %get3A_682 = vector.shape_cast %get3A_681 : vector<16xi32> to vector<16xi32>
      %jit3A = arith.constant 0 : i32
      %jit3A_683 = arith.constant 79 : i32
      %max3A = vector.broadcast %jit3A : i32 to vector<16xi32>
      %max3A_684 = arith.maxsi %max3A, %get3A_682 : vector<16xi32>
      %min3A = vector.broadcast %jit3A_683 : i32 to vector<16xi32>
      %min3A_685 = arith.minsi %min3A, %max3A_684 : vector<16xi32>
      %mul3A_686 = arith.constant 16 : i32
      %mul3A_687 = arith.muli %add3A_678, %mul3A_686 : i32
      %add3A_688 = arith.addi %mul3A_2, %mul3A_687 : i32
      %add3A_689 = vector.broadcast %add3A_688 : i32 to vector<16xi32>
      %add3A_690 = arith.addi %add3A_689, %iota3A : vector<16xi32>
      %mul3A_691 = arith.constant 80 : i32
      %mul3A_692 = vector.broadcast %mul3A_691 : i32 to vector<16xi32>
      %mul3A_693 = arith.muli %add3A_690, %mul3A_692 : vector<16xi32>
      %add3A_694 = arith.addi %mul3A_693, %min3A_685 : vector<16xi32>
      %min3A_695 = arith.constant 7999999 : i32
      %min3A_696 = vector.broadcast %min3A_695 : i32 to vector<16xi32>
      %min3A_697 = arith.minsi %add3A_694, %min3A_696 : vector<16xi32>
      %mul3A_698 = arith.constant 16 : i32
      %mul3A_699 = arith.muli %scan3A_675, %mul3A_698 : i32
      %swap3A = arith.constant 11 : i32
      %swap3A_700 = arith.index_cast %swap3A : i32 to index
      %swap3A_701 = arith.index_cast %mul3A_699 : i32 to index
      %swap3A_702 = tpu.vector_load %arg6[%swap3A_700, %swap3A_701] {strides = array<i32>} : memref<25x128xi32, #tpu.memory_space<vmem>>, vector<1x16xi32>,
      %swap3A_703 = vector.shape_cast %swap3A_702 : vector<1x16xi32> to vector<16xi32>
      %swap3A_704 = vector.shape_cast %min3A_697 : vector<16xi32> to vector<1x16xi32>
      tpu.vector_store %arg6[%swap3A_700, %swap3A_701], %swap3A_704 {strides = array<i32>} : memref<25x128xi32, #tpu.memory_space<vmem>>, vector<1x16xi32>,
      %scan3A_705 = arith.constant 0 : i32
      scf.yield %scan3A_705 : i32
    }
    %scan3A_85 = arith.constant 8 : i32
    %scan3A_86 = arith.constant 0 : i32
    %scan3A_87 = arith.constant 0 : i32
    %scan3A_88 = arith.constant 8 : i32
    %scan3A_89 = arith.addi %scan3A_87, %scan3A_88 : i32
    %scan3A_90 = arith.constant 1 : i32
    %scan3A_91 = scf.for %scan3A_675 = %scan3A_87 to %scan3A_89 step %scan3A_90 iter_args(%scan3A_676 = %scan3A_86) -> (i32)  : i32 {
      %add3A_677 = arith.constant 96 : i32
      %add3A_678 = arith.addi %add3A_677, %scan3A_675 : i32
      %mul3A_679 = arith.constant 16 : i32
      %mul3A_680 = arith.muli %add3A_678, %mul3A_679 : i32
      %get3A = arith.index_cast %mul3A_680 : i32 to index
      %get3A_681 = tpu.vector_load %arg5[%get3A] {strides = array<i32>} : memref<3200xi32, #tpu.memory_space<vmem>>, vector<16xi32>,
      %get3A_682 = vector.shape_cast %get3A_681 : vector<16xi32> to vector<16xi32>
      %jit3A = arith.constant 0 : i32
      %jit3A_683 = arith.constant 79 : i32
      %max3A = vector.broadcast %jit3A : i32 to vector<16xi32>
      %max3A_684 = arith.maxsi %max3A, %get3A_682 : vector<16xi32>
      %min3A = vector.broadcast %jit3A_683 : i32 to vector<16xi32>
      %min3A_685 = arith.minsi %min3A, %max3A_684 : vector<16xi32>
      %mul3A_686 = arith.constant 16 : i32
      %mul3A_687 = arith.muli %add3A_678, %mul3A_686 : i32
      %add3A_688 = arith.addi %mul3A_2, %mul3A_687 : i32
      %add3A_689 = vector.broadcast %add3A_688 : i32 to vector<16xi32>
      %add3A_690 = arith.addi %add3A_689, %iota3A : vector<16xi32>
      %mul3A_691 = arith.constant 80 : i32
      %mul3A_692 = vector.broadcast %mul3A_691 : i32 to vector<16xi32>
      %mul3A_693 = arith.muli %add3A_690, %mul3A_692 : vector<16xi32>
      %add3A_694 = arith.addi %mul3A_693, %min3A_685 : vector<16xi32>
      %min3A_695 = arith.constant 7999999 : i32
      %min3A_696 = vector.broadcast %min3A_695 : i32 to vector<16xi32>
      %min3A_697 = arith.minsi %add3A_694, %min3A_696 : vector<16xi32>
      %mul3A_698 = arith.constant 16 : i32
      %mul3A_699 = arith.muli %scan3A_675, %mul3A_698 : i32
      %swap3A = arith.constant 12 : i32
      %swap3A_700 = arith.index_cast %swap3A : i32 to index
      %swap3A_701 = arith.index_cast %mul3A_699 : i32 to index
      %swap3A_702 = tpu.vector_load %arg6[%swap3A_700, %swap3A_701] {strides = array<i32>} : memref<25x128xi32, #tpu.memory_space<vmem>>, vector<1x16xi32>,
      %swap3A_703 = vector.shape_cast %swap3A_702 : vector<1x16xi32> to vector<16xi32>
      %swap3A_704 = vector.shape_cast %min3A_697 : vector<16xi32> to vector<1x16xi32>
      tpu.vector_store %arg6[%swap3A_700, %swap3A_701], %swap3A_704 {strides = array<i32>} : memref<25x128xi32, #tpu.memory_space<vmem>>, vector<1x16xi32>,
      %scan3A_705 = arith.constant 0 : i32
      scf.yield %scan3A_705 : i32
    }
    %scan3A_92 = arith.constant 8 : i32
    %scan3A_93 = arith.constant 0 : i32
    %scan3A_94 = arith.constant 0 : i32
    %scan3A_95 = arith.constant 8 : i32
    %scan3A_96 = arith.addi %scan3A_94, %scan3A_95 : i32
    %scan3A_97 = arith.constant 1 : i32
    %scan3A_98 = scf.for %scan3A_675 = %scan3A_94 to %scan3A_96 step %scan3A_97 iter_args(%scan3A_676 = %scan3A_93) -> (i32)  : i32 {
      %add3A_677 = arith.constant 104 : i32
      %add3A_678 = arith.addi %add3A_677, %scan3A_675 : i32
      %mul3A_679 = arith.constant 16 : i32
      %mul3A_680 = arith.muli %add3A_678, %mul3A_679 : i32
      %get3A = arith.index_cast %mul3A_680 : i32 to index
      %get3A_681 = tpu.vector_load %arg5[%get3A] {strides = array<i32>} : memref<3200xi32, #tpu.memory_space<vmem>>, vector<16xi32>,
      %get3A_682 = vector.shape_cast %get3A_681 : vector<16xi32> to vector<16xi32>
      %jit3A = arith.constant 0 : i32
      %jit3A_683 = arith.constant 79 : i32
      %max3A = vector.broadcast %jit3A : i32 to vector<16xi32>
      %max3A_684 = arith.maxsi %max3A, %get3A_682 : vector<16xi32>
      %min3A = vector.broadcast %jit3A_683 : i32 to vector<16xi32>
      %min3A_685 = arith.minsi %min3A, %max3A_684 : vector<16xi32>
      %mul3A_686 = arith.constant 16 : i32
      %mul3A_687 = arith.muli %add3A_678, %mul3A_686 : i32
      %add3A_688 = arith.addi %mul3A_2, %mul3A_687 : i32
      %add3A_689 = vector.broadcast %add3A_688 : i32 to vector<16xi32>
      %add3A_690 = arith.addi %add3A_689, %iota3A : vector<16xi32>
      %mul3A_691 = arith.constant 80 : i32
      %mul3A_692 = vector.broadcast %mul3A_691 : i32 to vector<16xi32>
      %mul3A_693 = arith.muli %add3A_690, %mul3A_692 : vector<16xi32>
      %add3A_694 = arith.addi %mul3A_693, %min3A_685 : vector<16xi32>
      %min3A_695 = arith.constant 7999999 : i32
      %min3A_696 = vector.broadcast %min3A_695 : i32 to vector<16xi32>
      %min3A_697 = arith.minsi %add3A_694, %min3A_696 : vector<16xi32>
      %mul3A_698 = arith.constant 16 : i32
      %mul3A_699 = arith.muli %scan3A_675, %mul3A_698 : i32
      %swap3A = arith.constant 13 : i32
      %swap3A_700 = arith.index_cast %swap3A : i32 to index
      %swap3A_701 = arith.index_cast %mul3A_699 : i32 to index
      %swap3A_702 = tpu.vector_load %arg6[%swap3A_700, %swap3A_701] {strides = array<i32>} : memref<25x128xi32, #tpu.memory_space<vmem>>, vector<1x16xi32>,
      %swap3A_703 = vector.shape_cast %swap3A_702 : vector<1x16xi32> to vector<16xi32>
      %swap3A_704 = vector.shape_cast %min3A_697 : vector<16xi32> to vector<1x16xi32>
      tpu.vector_store %arg6[%swap3A_700, %swap3A_701], %swap3A_704 {strides = array<i32>} : memref<25x128xi32, #tpu.memory_space<vmem>>, vector<1x16xi32>,
      %scan3A_705 = arith.constant 0 : i32
      scf.yield %scan3A_705 : i32
    }
    %scan3A_99 = arith.constant 8 : i32
    %scan3A_100 = arith.constant 0 : i32
    %scan3A_101 = arith.constant 0 : i32
    %scan3A_102 = arith.constant 8 : i32
    %scan3A_103 = arith.addi %scan3A_101, %scan3A_102 : i32
    %scan3A_104 = arith.constant 1 : i32
    %scan3A_105 = scf.for %scan3A_675 = %scan3A_101 to %scan3A_103 step %scan3A_104 iter_args(%scan3A_676 = %scan3A_100) -> (i32)  : i32 {
      %add3A_677 = arith.constant 112 : i32
      %add3A_678 = arith.addi %add3A_677, %scan3A_675 : i32
      %mul3A_679 = arith.constant 16 : i32
      %mul3A_680 = arith.muli %add3A_678, %mul3A_679 : i32
      %get3A = arith.index_cast %mul3A_680 : i32 to index
      %get3A_681 = tpu.vector_load %arg5[%get3A] {strides = array<i32>} : memref<3200xi32, #tpu.memory_space<vmem>>, vector<16xi32>,
      %get3A_682 = vector.shape_cast %get3A_681 : vector<16xi32> to vector<16xi32>
      %jit3A = arith.constant 0 : i32
      %jit3A_683 = arith.constant 79 : i32
      %max3A = vector.broadcast %jit3A : i32 to vector<16xi32>
      %max3A_684 = arith.maxsi %max3A, %get3A_682 : vector<16xi32>
      %min3A = vector.broadcast %jit3A_683 : i32 to vector<16xi32>
      %min3A_685 = arith.minsi %min3A, %max3A_684 : vector<16xi32>
      %mul3A_686 = arith.constant 16 : i32
      %mul3A_687 = arith.muli %add3A_678, %mul3A_686 : i32
      %add3A_688 = arith.addi %mul3A_2, %mul3A_687 : i32
      %add3A_689 = vector.broadcast %add3A_688 : i32 to vector<16xi32>
      %add3A_690 = arith.addi %add3A_689, %iota3A : vector<16xi32>
      %mul3A_691 = arith.constant 80 : i32
      %mul3A_692 = vector.broadcast %mul3A_691 : i32 to vector<16xi32>
      %mul3A_693 = arith.muli %add3A_690, %mul3A_692 : vector<16xi32>
      %add3A_694 = arith.addi %mul3A_693, %min3A_685 : vector<16xi32>
      %min3A_695 = arith.constant 7999999 : i32
      %min3A_696 = vector.broadcast %min3A_695 : i32 to vector<16xi32>
      %min3A_697 = arith.minsi %add3A_694, %min3A_696 : vector<16xi32>
      %mul3A_698 = arith.constant 16 : i32
      %mul3A_699 = arith.muli %scan3A_675, %mul3A_698 : i32
      %swap3A = arith.constant 14 : i32
      %swap3A_700 = arith.index_cast %swap3A : i32 to index
      %swap3A_701 = arith.index_cast %mul3A_699 : i32 to index
      %swap3A_702 = tpu.vector_load %arg6[%swap3A_700, %swap3A_701] {strides = array<i32>} : memref<25x128xi32, #tpu.memory_space<vmem>>, vector<1x16xi32>,
      %swap3A_703 = vector.shape_cast %swap3A_702 : vector<1x16xi32> to vector<16xi32>
      %swap3A_704 = vector.shape_cast %min3A_697 : vector<16xi32> to vector<1x16xi32>
      tpu.vector_store %arg6[%swap3A_700, %swap3A_701], %swap3A_704 {strides = array<i32>} : memref<25x128xi32, #tpu.memory_space<vmem>>, vector<1x16xi32>,
      %scan3A_705 = arith.constant 0 : i32
      scf.yield %scan3A_705 : i32
    }
    %scan3A_106 = arith.constant 8 : i32
    %scan3A_107 = arith.constant 0 : i32
    %scan3A_108 = arith.constant 0 : i32
    %scan3A_109 = arith.constant 8 : i32
    %scan3A_110 = arith.addi %scan3A_108, %scan3A_109 : i32
    %scan3A_111 = arith.constant 1 : i32
    %scan3A_112 = scf.for %scan3A_675 = %scan3A_108 to %scan3A_110 step %scan3A_111 iter_args(%scan3A_676 = %scan3A_107) -> (i32)  : i32 {
      %add3A_677 = arith.constant 120 : i32
      %add3A_678 = arith.addi %add3A_677, %scan3A_675 : i32
      %mul3A_679 = arith.constant 16 : i32
      %mul3A_680 = arith.muli %add3A_678, %mul3A_679 : i32
      %get3A = arith.index_cast %mul3A_680 : i32 to index
      %get3A_681 = tpu.vector_load %arg5[%get3A] {strides = array<i32>} : memref<3200xi32, #tpu.memory_space<vmem>>, vector<16xi32>,
      %get3A_682 = vector.shape_cast %get3A_681 : vector<16xi32> to vector<16xi32>
      %jit3A = arith.constant 0 : i32
      %jit3A_683 = arith.constant 79 : i32
      %max3A = vector.broadcast %jit3A : i32 to vector<16xi32>
      %max3A_684 = arith.maxsi %max3A, %get3A_682 : vector<16xi32>
      %min3A = vector.broadcast %jit3A_683 : i32 to vector<16xi32>
      %min3A_685 = arith.minsi %min3A, %max3A_684 : vector<16xi32>
      %mul3A_686 = arith.constant 16 : i32
      %mul3A_687 = arith.muli %add3A_678, %mul3A_686 : i32
      %add3A_688 = arith.addi %mul3A_2, %mul3A_687 : i32
      %add3A_689 = vector.broadcast %add3A_688 : i32 to vector<16xi32>
      %add3A_690 = arith.addi %add3A_689, %iota3A : vector<16xi32>
      %mul3A_691 = arith.constant 80 : i32
      %mul3A_692 = vector.broadcast %mul3A_691 : i32 to vector<16xi32>
      %mul3A_693 = arith.muli %add3A_690, %mul3A_692 : vector<16xi32>
      %add3A_694 = arith.addi %mul3A_693, %min3A_685 : vector<16xi32>
      %min3A_695 = arith.constant 7999999 : i32
      %min3A_696 = vector.broadcast %min3A_695 : i32 to vector<16xi32>
      %min3A_697 = arith.minsi %add3A_694, %min3A_696 : vector<16xi32>
      %mul3A_698 = arith.constant 16 : i32
      %mul3A_699 = arith.muli %scan3A_675, %mul3A_698 : i32
      %swap3A = arith.constant 15 : i32
      %swap3A_700 = arith.index_cast %swap3A : i32 to index
      %swap3A_701 = arith.index_cast %mul3A_699 : i32 to index
      %swap3A_702 = tpu.vector_load %arg6[%swap3A_700, %swap3A_701] {strides = array<i32>} : memref<25x128xi32, #tpu.memory_space<vmem>>, vector<1x16xi32>,
      %swap3A_703 = vector.shape_cast %swap3A_702 : vector<1x16xi32> to vector<16xi32>
      %swap3A_704 = vector.shape_cast %min3A_697 : vector<16xi32> to vector<1x16xi32>
      tpu.vector_store %arg6[%swap3A_700, %swap3A_701], %swap3A_704 {strides = array<i32>} : memref<25x128xi32, #tpu.memory_space<vmem>>, vector<1x16xi32>,
      %scan3A_705 = arith.constant 0 : i32
      scf.yield %scan3A_705 : i32
    }
    %scan3A_113 = arith.constant 8 : i32
    %scan3A_114 = arith.constant 0 : i32
    %scan3A_115 = arith.constant 0 : i32
    %scan3A_116 = arith.constant 8 : i32
    %scan3A_117 = arith.addi %scan3A_115, %scan3A_116 : i32
    %scan3A_118 = arith.constant 1 : i32
    %scan3A_119 = scf.for %scan3A_675 = %scan3A_115 to %scan3A_117 step %scan3A_118 iter_args(%scan3A_676 = %scan3A_114) -> (i32)  : i32 {
      %add3A_677 = arith.constant 128 : i32
      %add3A_678 = arith.addi %add3A_677, %scan3A_675 : i32
      %mul3A_679 = arith.constant 16 : i32
      %mul3A_680 = arith.muli %add3A_678, %mul3A_679 : i32
      %get3A = arith.index_cast %mul3A_680 : i32 to index
      %get3A_681 = tpu.vector_load %arg5[%get3A] {strides = array<i32>} : memref<3200xi32, #tpu.memory_space<vmem>>, vector<16xi32>,
      %get3A_682 = vector.shape_cast %get3A_681 : vector<16xi32> to vector<16xi32>
      %jit3A = arith.constant 0 : i32
      %jit3A_683 = arith.constant 79 : i32
      %max3A = vector.broadcast %jit3A : i32 to vector<16xi32>
      %max3A_684 = arith.maxsi %max3A, %get3A_682 : vector<16xi32>
      %min3A = vector.broadcast %jit3A_683 : i32 to vector<16xi32>
      %min3A_685 = arith.minsi %min3A, %max3A_684 : vector<16xi32>
      %mul3A_686 = arith.constant 16 : i32
      %mul3A_687 = arith.muli %add3A_678, %mul3A_686 : i32
      %add3A_688 = arith.addi %mul3A_2, %mul3A_687 : i32
      %add3A_689 = vector.broadcast %add3A_688 : i32 to vector<16xi32>
      %add3A_690 = arith.addi %add3A_689, %iota3A : vector<16xi32>
      %mul3A_691 = arith.constant 80 : i32
      %mul3A_692 = vector.broadcast %mul3A_691 : i32 to vector<16xi32>
      %mul3A_693 = arith.muli %add3A_690, %mul3A_692 : vector<16xi32>
      %add3A_694 = arith.addi %mul3A_693, %min3A_685 : vector<16xi32>
      %min3A_695 = arith.constant 7999999 : i32
      %min3A_696 = vector.broadcast %min3A_695 : i32 to vector<16xi32>
      %min3A_697 = arith.minsi %add3A_694, %min3A_696 : vector<16xi32>
      %mul3A_698 = arith.constant 16 : i32
      %mul3A_699 = arith.muli %scan3A_675, %mul3A_698 : i32
      %swap3A = arith.constant 16 : i32
      %swap3A_700 = arith.index_cast %swap3A : i32 to index
      %swap3A_701 = arith.index_cast %mul3A_699 : i32 to index
      %swap3A_702 = tpu.vector_load %arg6[%swap3A_700, %swap3A_701] {strides = array<i32>} : memref<25x128xi32, #tpu.memory_space<vmem>>, vector<1x16xi32>,
      %swap3A_703 = vector.shape_cast %swap3A_702 : vector<1x16xi32> to vector<16xi32>
      %swap3A_704 = vector.shape_cast %min3A_697 : vector<16xi32> to vector<1x16xi32>
      tpu.vector_store %arg6[%swap3A_700, %swap3A_701], %swap3A_704 {strides = array<i32>} : memref<25x128xi32, #tpu.memory_space<vmem>>, vector<1x16xi32>,
      %scan3A_705 = arith.constant 0 : i32
      scf.yield %scan3A_705 : i32
    }
    %scan3A_120 = arith.constant 8 : i32
    %scan3A_121 = arith.constant 0 : i32
    %scan3A_122 = arith.constant 0 : i32
    %scan3A_123 = arith.constant 8 : i32
    %scan3A_124 = arith.addi %scan3A_122, %scan3A_123 : i32
    %scan3A_125 = arith.constant 1 : i32
    %scan3A_126 = scf.for %scan3A_675 = %scan3A_122 to %scan3A_124 step %scan3A_125 iter_args(%scan3A_676 = %scan3A_121) -> (i32)  : i32 {
      %add3A_677 = arith.constant 136 : i32
      %add3A_678 = arith.addi %add3A_677, %scan3A_675 : i32
      %mul3A_679 = arith.constant 16 : i32
      %mul3A_680 = arith.muli %add3A_678, %mul3A_679 : i32
      %get3A = arith.index_cast %mul3A_680 : i32 to index
      %get3A_681 = tpu.vector_load %arg5[%get3A] {strides = array<i32>} : memref<3200xi32, #tpu.memory_space<vmem>>, vector<16xi32>,
      %get3A_682 = vector.shape_cast %get3A_681 : vector<16xi32> to vector<16xi32>
      %jit3A = arith.constant 0 : i32
      %jit3A_683 = arith.constant 79 : i32
      %max3A = vector.broadcast %jit3A : i32 to vector<16xi32>
      %max3A_684 = arith.maxsi %max3A, %get3A_682 : vector<16xi32>
      %min3A = vector.broadcast %jit3A_683 : i32 to vector<16xi32>
      %min3A_685 = arith.minsi %min3A, %max3A_684 : vector<16xi32>
      %mul3A_686 = arith.constant 16 : i32
      %mul3A_687 = arith.muli %add3A_678, %mul3A_686 : i32
      %add3A_688 = arith.addi %mul3A_2, %mul3A_687 : i32
      %add3A_689 = vector.broadcast %add3A_688 : i32 to vector<16xi32>
      %add3A_690 = arith.addi %add3A_689, %iota3A : vector<16xi32>
      %mul3A_691 = arith.constant 80 : i32
      %mul3A_692 = vector.broadcast %mul3A_691 : i32 to vector<16xi32>
      %mul3A_693 = arith.muli %add3A_690, %mul3A_692 : vector<16xi32>
      %add3A_694 = arith.addi %mul3A_693, %min3A_685 : vector<16xi32>
      %min3A_695 = arith.constant 7999999 : i32
      %min3A_696 = vector.broadcast %min3A_695 : i32 to vector<16xi32>
      %min3A_697 = arith.minsi %add3A_694, %min3A_696 : vector<16xi32>
      %mul3A_698 = arith.constant 16 : i32
      %mul3A_699 = arith.muli %scan3A_675, %mul3A_698 : i32
      %swap3A = arith.constant 17 : i32
      %swap3A_700 = arith.index_cast %swap3A : i32 to index
      %swap3A_701 = arith.index_cast %mul3A_699 : i32 to index
      %swap3A_702 = tpu.vector_load %arg6[%swap3A_700, %swap3A_701] {strides = array<i32>} : memref<25x128xi32, #tpu.memory_space<vmem>>, vector<1x16xi32>,
      %swap3A_703 = vector.shape_cast %swap3A_702 : vector<1x16xi32> to vector<16xi32>
      %swap3A_704 = vector.shape_cast %min3A_697 : vector<16xi32> to vector<1x16xi32>
      tpu.vector_store %arg6[%swap3A_700, %swap3A_701], %swap3A_704 {strides = array<i32>} : memref<25x128xi32, #tpu.memory_space<vmem>>, vector<1x16xi32>,
      %scan3A_705 = arith.constant 0 : i32
      scf.yield %scan3A_705 : i32
    }
    %scan3A_127 = arith.constant 8 : i32
    %scan3A_128 = arith.constant 0 : i32
    %scan3A_129 = arith.constant 0 : i32
    %scan3A_130 = arith.constant 8 : i32
    %scan3A_131 = arith.addi %scan3A_129, %scan3A_130 : i32
    %scan3A_132 = arith.constant 1 : i32
    %scan3A_133 = scf.for %scan3A_675 = %scan3A_129 to %scan3A_131 step %scan3A_132 iter_args(%scan3A_676 = %scan3A_128) -> (i32)  : i32 {
      %add3A_677 = arith.constant 144 : i32
      %add3A_678 = arith.addi %add3A_677, %scan3A_675 : i32
      %mul3A_679 = arith.constant 16 : i32
      %mul3A_680 = arith.muli %add3A_678, %mul3A_679 : i32
      %get3A = arith.index_cast %mul3A_680 : i32 to index
      %get3A_681 = tpu.vector_load %arg5[%get3A] {strides = array<i32>} : memref<3200xi32, #tpu.memory_space<vmem>>, vector<16xi32>,
      %get3A_682 = vector.shape_cast %get3A_681 : vector<16xi32> to vector<16xi32>
      %jit3A = arith.constant 0 : i32
      %jit3A_683 = arith.constant 79 : i32
      %max3A = vector.broadcast %jit3A : i32 to vector<16xi32>
      %max3A_684 = arith.maxsi %max3A, %get3A_682 : vector<16xi32>
      %min3A = vector.broadcast %jit3A_683 : i32 to vector<16xi32>
      %min3A_685 = arith.minsi %min3A, %max3A_684 : vector<16xi32>
      %mul3A_686 = arith.constant 16 : i32
      %mul3A_687 = arith.muli %add3A_678, %mul3A_686 : i32
      %add3A_688 = arith.addi %mul3A_2, %mul3A_687 : i32
      %add3A_689 = vector.broadcast %add3A_688 : i32 to vector<16xi32>
      %add3A_690 = arith.addi %add3A_689, %iota3A : vector<16xi32>
      %mul3A_691 = arith.constant 80 : i32
      %mul3A_692 = vector.broadcast %mul3A_691 : i32 to vector<16xi32>
      %mul3A_693 = arith.muli %add3A_690, %mul3A_692 : vector<16xi32>
      %add3A_694 = arith.addi %mul3A_693, %min3A_685 : vector<16xi32>
      %min3A_695 = arith.constant 7999999 : i32
      %min3A_696 = vector.broadcast %min3A_695 : i32 to vector<16xi32>
      %min3A_697 = arith.minsi %add3A_694, %min3A_696 : vector<16xi32>
      %mul3A_698 = arith.constant 16 : i32
      %mul3A_699 = arith.muli %scan3A_675, %mul3A_698 : i32
      %swap3A = arith.constant 18 : i32
      %swap3A_700 = arith.index_cast %swap3A : i32 to index
      %swap3A_701 = arith.index_cast %mul3A_699 : i32 to index
      %swap3A_702 = tpu.vector_load %arg6[%swap3A_700, %swap3A_701] {strides = array<i32>} : memref<25x128xi32, #tpu.memory_space<vmem>>, vector<1x16xi32>,
      %swap3A_703 = vector.shape_cast %swap3A_702 : vector<1x16xi32> to vector<16xi32>
      %swap3A_704 = vector.shape_cast %min3A_697 : vector<16xi32> to vector<1x16xi32>
      tpu.vector_store %arg6[%swap3A_700, %swap3A_701], %swap3A_704 {strides = array<i32>} : memref<25x128xi32, #tpu.memory_space<vmem>>, vector<1x16xi32>,
      %scan3A_705 = arith.constant 0 : i32
      scf.yield %scan3A_705 : i32
    }
    %scan3A_134 = arith.constant 8 : i32
    %scan3A_135 = arith.constant 0 : i32
    %scan3A_136 = arith.constant 0 : i32
    %scan3A_137 = arith.constant 8 : i32
    %scan3A_138 = arith.addi %scan3A_136, %scan3A_137 : i32
    %scan3A_139 = arith.constant 1 : i32
    %scan3A_140 = scf.for %scan3A_675 = %scan3A_136 to %scan3A_138 step %scan3A_139 iter_args(%scan3A_676 = %scan3A_135) -> (i32)  : i32 {
      %add3A_677 = arith.constant 152 : i32
      %add3A_678 = arith.addi %add3A_677, %scan3A_675 : i32
      %mul3A_679 = arith.constant 16 : i32
      %mul3A_680 = arith.muli %add3A_678, %mul3A_679 : i32
      %get3A = arith.index_cast %mul3A_680 : i32 to index
      %get3A_681 = tpu.vector_load %arg5[%get3A] {strides = array<i32>} : memref<3200xi32, #tpu.memory_space<vmem>>, vector<16xi32>,
      %get3A_682 = vector.shape_cast %get3A_681 : vector<16xi32> to vector<16xi32>
      %jit3A = arith.constant 0 : i32
      %jit3A_683 = arith.constant 79 : i32
      %max3A = vector.broadcast %jit3A : i32 to vector<16xi32>
      %max3A_684 = arith.maxsi %max3A, %get3A_682 : vector<16xi32>
      %min3A = vector.broadcast %jit3A_683 : i32 to vector<16xi32>
      %min3A_685 = arith.minsi %min3A, %max3A_684 : vector<16xi32>
      %mul3A_686 = arith.constant 16 : i32
      %mul3A_687 = arith.muli %add3A_678, %mul3A_686 : i32
      %add3A_688 = arith.addi %mul3A_2, %mul3A_687 : i32
      %add3A_689 = vector.broadcast %add3A_688 : i32 to vector<16xi32>
      %add3A_690 = arith.addi %add3A_689, %iota3A : vector<16xi32>
      %mul3A_691 = arith.constant 80 : i32
      %mul3A_692 = vector.broadcast %mul3A_691 : i32 to vector<16xi32>
      %mul3A_693 = arith.muli %add3A_690, %mul3A_692 : vector<16xi32>
      %add3A_694 = arith.addi %mul3A_693, %min3A_685 : vector<16xi32>
      %min3A_695 = arith.constant 7999999 : i32
      %min3A_696 = vector.broadcast %min3A_695 : i32 to vector<16xi32>
      %min3A_697 = arith.minsi %add3A_694, %min3A_696 : vector<16xi32>
      %mul3A_698 = arith.constant 16 : i32
      %mul3A_699 = arith.muli %scan3A_675, %mul3A_698 : i32
      %swap3A = arith.constant 19 : i32
      %swap3A_700 = arith.index_cast %swap3A : i32 to index
      %swap3A_701 = arith.index_cast %mul3A_699 : i32 to index
      %swap3A_702 = tpu.vector_load %arg6[%swap3A_700, %swap3A_701] {strides = array<i32>} : memref<25x128xi32, #tpu.memory_space<vmem>>, vector<1x16xi32>,
      %swap3A_703 = vector.shape_cast %swap3A_702 : vector<1x16xi32> to vector<16xi32>
      %swap3A_704 = vector.shape_cast %min3A_697 : vector<16xi32> to vector<1x16xi32>
      tpu.vector_store %arg6[%swap3A_700, %swap3A_701], %swap3A_704 {strides = array<i32>} : memref<25x128xi32, #tpu.memory_space<vmem>>, vector<1x16xi32>,
      %scan3A_705 = arith.constant 0 : i32
      scf.yield %scan3A_705 : i32
    }
    %scan3A_141 = arith.constant 8 : i32
    %scan3A_142 = arith.constant 0 : i32
    %scan3A_143 = arith.constant 0 : i32
    %scan3A_144 = arith.constant 8 : i32
    %scan3A_145 = arith.addi %scan3A_143, %scan3A_144 : i32
    %scan3A_146 = arith.constant 1 : i32
    %scan3A_147 = scf.for %scan3A_675 = %scan3A_143 to %scan3A_145 step %scan3A_146 iter_args(%scan3A_676 = %scan3A_142) -> (i32)  : i32 {
      %add3A_677 = arith.constant 160 : i32
      %add3A_678 = arith.addi %add3A_677, %scan3A_675 : i32
      %mul3A_679 = arith.constant 16 : i32
      %mul3A_680 = arith.muli %add3A_678, %mul3A_679 : i32
      %get3A = arith.index_cast %mul3A_680 : i32 to index
      %get3A_681 = tpu.vector_load %arg5[%get3A] {strides = array<i32>} : memref<3200xi32, #tpu.memory_space<vmem>>, vector<16xi32>,
      %get3A_682 = vector.shape_cast %get3A_681 : vector<16xi32> to vector<16xi32>
      %jit3A = arith.constant 0 : i32
      %jit3A_683 = arith.constant 79 : i32
      %max3A = vector.broadcast %jit3A : i32 to vector<16xi32>
      %max3A_684 = arith.maxsi %max3A, %get3A_682 : vector<16xi32>
      %min3A = vector.broadcast %jit3A_683 : i32 to vector<16xi32>
      %min3A_685 = arith.minsi %min3A, %max3A_684 : vector<16xi32>
      %mul3A_686 = arith.constant 16 : i32
      %mul3A_687 = arith.muli %add3A_678, %mul3A_686 : i32
      %add3A_688 = arith.addi %mul3A_2, %mul3A_687 : i32
      %add3A_689 = vector.broadcast %add3A_688 : i32 to vector<16xi32>
      %add3A_690 = arith.addi %add3A_689, %iota3A : vector<16xi32>
      %mul3A_691 = arith.constant 80 : i32
      %mul3A_692 = vector.broadcast %mul3A_691 : i32 to vector<16xi32>
      %mul3A_693 = arith.muli %add3A_690, %mul3A_692 : vector<16xi32>
      %add3A_694 = arith.addi %mul3A_693, %min3A_685 : vector<16xi32>
      %min3A_695 = arith.constant 7999999 : i32
      %min3A_696 = vector.broadcast %min3A_695 : i32 to vector<16xi32>
      %min3A_697 = arith.minsi %add3A_694, %min3A_696 : vector<16xi32>
      %mul3A_698 = arith.constant 16 : i32
      %mul3A_699 = arith.muli %scan3A_675, %mul3A_698 : i32
      %swap3A = arith.constant 20 : i32
      %swap3A_700 = arith.index_cast %swap3A : i32 to index
      %swap3A_701 = arith.index_cast %mul3A_699 : i32 to index
      %swap3A_702 = tpu.vector_load %arg6[%swap3A_700, %swap3A_701] {strides = array<i32>} : memref<25x128xi32, #tpu.memory_space<vmem>>, vector<1x16xi32>,
      %swap3A_703 = vector.shape_cast %swap3A_702 : vector<1x16xi32> to vector<16xi32>
      %swap3A_704 = vector.shape_cast %min3A_697 : vector<16xi32> to vector<1x16xi32>
      tpu.vector_store %arg6[%swap3A_700, %swap3A_701], %swap3A_704 {strides = array<i32>} : memref<25x128xi32, #tpu.memory_space<vmem>>, vector<1x16xi32>,
      %scan3A_705 = arith.constant 0 : i32
      scf.yield %scan3A_705 : i32
    }
    %scan3A_148 = arith.constant 8 : i32
    %scan3A_149 = arith.constant 0 : i32
    %scan3A_150 = arith.constant 0 : i32
    %scan3A_151 = arith.constant 8 : i32
    %scan3A_152 = arith.addi %scan3A_150, %scan3A_151 : i32
    %scan3A_153 = arith.constant 1 : i32
    %scan3A_154 = scf.for %scan3A_675 = %scan3A_150 to %scan3A_152 step %scan3A_153 iter_args(%scan3A_676 = %scan3A_149) -> (i32)  : i32 {
      %add3A_677 = arith.constant 168 : i32
      %add3A_678 = arith.addi %add3A_677, %scan3A_675 : i32
      %mul3A_679 = arith.constant 16 : i32
      %mul3A_680 = arith.muli %add3A_678, %mul3A_679 : i32
      %get3A = arith.index_cast %mul3A_680 : i32 to index
      %get3A_681 = tpu.vector_load %arg5[%get3A] {strides = array<i32>} : memref<3200xi32, #tpu.memory_space<vmem>>, vector<16xi32>,
      %get3A_682 = vector.shape_cast %get3A_681 : vector<16xi32> to vector<16xi32>
      %jit3A = arith.constant 0 : i32
      %jit3A_683 = arith.constant 79 : i32
      %max3A = vector.broadcast %jit3A : i32 to vector<16xi32>
      %max3A_684 = arith.maxsi %max3A, %get3A_682 : vector<16xi32>
      %min3A = vector.broadcast %jit3A_683 : i32 to vector<16xi32>
      %min3A_685 = arith.minsi %min3A, %max3A_684 : vector<16xi32>
      %mul3A_686 = arith.constant 16 : i32
      %mul3A_687 = arith.muli %add3A_678, %mul3A_686 : i32
      %add3A_688 = arith.addi %mul3A_2, %mul3A_687 : i32
      %add3A_689 = vector.broadcast %add3A_688 : i32 to vector<16xi32>
      %add3A_690 = arith.addi %add3A_689, %iota3A : vector<16xi32>
      %mul3A_691 = arith.constant 80 : i32
      %mul3A_692 = vector.broadcast %mul3A_691 : i32 to vector<16xi32>
      %mul3A_693 = arith.muli %add3A_690, %mul3A_692 : vector<16xi32>
      %add3A_694 = arith.addi %mul3A_693, %min3A_685 : vector<16xi32>
      %min3A_695 = arith.constant 7999999 : i32
      %min3A_696 = vector.broadcast %min3A_695 : i32 to vector<16xi32>
      %min3A_697 = arith.minsi %add3A_694, %min3A_696 : vector<16xi32>
      %mul3A_698 = arith.constant 16 : i32
      %mul3A_699 = arith.muli %scan3A_675, %mul3A_698 : i32
      %swap3A = arith.constant 21 : i32
      %swap3A_700 = arith.index_cast %swap3A : i32 to index
      %swap3A_701 = arith.index_cast %mul3A_699 : i32 to index
      %swap3A_702 = tpu.vector_load %arg6[%swap3A_700, %swap3A_701] {strides = array<i32>} : memref<25x128xi32, #tpu.memory_space<vmem>>, vector<1x16xi32>,
      %swap3A_703 = vector.shape_cast %swap3A_702 : vector<1x16xi32> to vector<16xi32>
      %swap3A_704 = vector.shape_cast %min3A_697 : vector<16xi32> to vector<1x16xi32>
      tpu.vector_store %arg6[%swap3A_700, %swap3A_701], %swap3A_704 {strides = array<i32>} : memref<25x128xi32, #tpu.memory_space<vmem>>, vector<1x16xi32>,
      %scan3A_705 = arith.constant 0 : i32
      scf.yield %scan3A_705 : i32
    }
    %scan3A_155 = arith.constant 8 : i32
    %scan3A_156 = arith.constant 0 : i32
    %scan3A_157 = arith.constant 0 : i32
    %scan3A_158 = arith.constant 8 : i32
    %scan3A_159 = arith.addi %scan3A_157, %scan3A_158 : i32
    %scan3A_160 = arith.constant 1 : i32
    %scan3A_161 = scf.for %scan3A_675 = %scan3A_157 to %scan3A_159 step %scan3A_160 iter_args(%scan3A_676 = %scan3A_156) -> (i32)  : i32 {
      %add3A_677 = arith.constant 176 : i32
      %add3A_678 = arith.addi %add3A_677, %scan3A_675 : i32
      %mul3A_679 = arith.constant 16 : i32
      %mul3A_680 = arith.muli %add3A_678, %mul3A_679 : i32
      %get3A = arith.index_cast %mul3A_680 : i32 to index
      %get3A_681 = tpu.vector_load %arg5[%get3A] {strides = array<i32>} : memref<3200xi32, #tpu.memory_space<vmem>>, vector<16xi32>,
      %get3A_682 = vector.shape_cast %get3A_681 : vector<16xi32> to vector<16xi32>
      %jit3A = arith.constant 0 : i32
      %jit3A_683 = arith.constant 79 : i32
      %max3A = vector.broadcast %jit3A : i32 to vector<16xi32>
      %max3A_684 = arith.maxsi %max3A, %get3A_682 : vector<16xi32>
      %min3A = vector.broadcast %jit3A_683 : i32 to vector<16xi32>
      %min3A_685 = arith.minsi %min3A, %max3A_684 : vector<16xi32>
      %mul3A_686 = arith.constant 16 : i32
      %mul3A_687 = arith.muli %add3A_678, %mul3A_686 : i32
      %add3A_688 = arith.addi %mul3A_2, %mul3A_687 : i32
      %add3A_689 = vector.broadcast %add3A_688 : i32 to vector<16xi32>
      %add3A_690 = arith.addi %add3A_689, %iota3A : vector<16xi32>
      %mul3A_691 = arith.constant 80 : i32
      %mul3A_692 = vector.broadcast %mul3A_691 : i32 to vector<16xi32>
      %mul3A_693 = arith.muli %add3A_690, %mul3A_692 : vector<16xi32>
      %add3A_694 = arith.addi %mul3A_693, %min3A_685 : vector<16xi32>
      %min3A_695 = arith.constant 7999999 : i32
      %min3A_696 = vector.broadcast %min3A_695 : i32 to vector<16xi32>
      %min3A_697 = arith.minsi %add3A_694, %min3A_696 : vector<16xi32>
      %mul3A_698 = arith.constant 16 : i32
      %mul3A_699 = arith.muli %scan3A_675, %mul3A_698 : i32
      %swap3A = arith.constant 22 : i32
      %swap3A_700 = arith.index_cast %swap3A : i32 to index
      %swap3A_701 = arith.index_cast %mul3A_699 : i32 to index
      %swap3A_702 = tpu.vector_load %arg6[%swap3A_700, %swap3A_701] {strides = array<i32>} : memref<25x128xi32, #tpu.memory_space<vmem>>, vector<1x16xi32>,
      %swap3A_703 = vector.shape_cast %swap3A_702 : vector<1x16xi32> to vector<16xi32>
      %swap3A_704 = vector.shape_cast %min3A_697 : vector<16xi32> to vector<1x16xi32>
      tpu.vector_store %arg6[%swap3A_700, %swap3A_701], %swap3A_704 {strides = array<i32>} : memref<25x128xi32, #tpu.memory_space<vmem>>, vector<1x16xi32>,
      %scan3A_705 = arith.constant 0 : i32
      scf.yield %scan3A_705 : i32
    }
    %scan3A_162 = arith.constant 8 : i32
    %scan3A_163 = arith.constant 0 : i32
    %scan3A_164 = arith.constant 0 : i32
    %scan3A_165 = arith.constant 8 : i32
    %scan3A_166 = arith.addi %scan3A_164, %scan3A_165 : i32
    %scan3A_167 = arith.constant 1 : i32
    %scan3A_168 = scf.for %scan3A_675 = %scan3A_164 to %scan3A_166 step %scan3A_167 iter_args(%scan3A_676 = %scan3A_163) -> (i32)  : i32 {
      %add3A_677 = arith.constant 184 : i32
      %add3A_678 = arith.addi %add3A_677, %scan3A_675 : i32
      %mul3A_679 = arith.constant 16 : i32
      %mul3A_680 = arith.muli %add3A_678, %mul3A_679 : i32
      %get3A = arith.index_cast %mul3A_680 : i32 to index
      %get3A_681 = tpu.vector_load %arg5[%get3A] {strides = array<i32>} : memref<3200xi32, #tpu.memory_space<vmem>>, vector<16xi32>,
      %get3A_682 = vector.shape_cast %get3A_681 : vector<16xi32> to vector<16xi32>
      %jit3A = arith.constant 0 : i32
      %jit3A_683 = arith.constant 79 : i32
      %max3A = vector.broadcast %jit3A : i32 to vector<16xi32>
      %max3A_684 = arith.maxsi %max3A, %get3A_682 : vector<16xi32>
      %min3A = vector.broadcast %jit3A_683 : i32 to vector<16xi32>
      %min3A_685 = arith.minsi %min3A, %max3A_684 : vector<16xi32>
      %mul3A_686 = arith.constant 16 : i32
      %mul3A_687 = arith.muli %add3A_678, %mul3A_686 : i32
      %add3A_688 = arith.addi %mul3A_2, %mul3A_687 : i32
      %add3A_689 = vector.broadcast %add3A_688 : i32 to vector<16xi32>
      %add3A_690 = arith.addi %add3A_689, %iota3A : vector<16xi32>
      %mul3A_691 = arith.constant 80 : i32
      %mul3A_692 = vector.broadcast %mul3A_691 : i32 to vector<16xi32>
      %mul3A_693 = arith.muli %add3A_690, %mul3A_692 : vector<16xi32>
      %add3A_694 = arith.addi %mul3A_693, %min3A_685 : vector<16xi32>
      %min3A_695 = arith.constant 7999999 : i32
      %min3A_696 = vector.broadcast %min3A_695 : i32 to vector<16xi32>
      %min3A_697 = arith.minsi %add3A_694, %min3A_696 : vector<16xi32>
      %mul3A_698 = arith.constant 16 : i32
      %mul3A_699 = arith.muli %scan3A_675, %mul3A_698 : i32
      %swap3A = arith.constant 23 : i32
      %swap3A_700 = arith.index_cast %swap3A : i32 to index
      %swap3A_701 = arith.index_cast %mul3A_699 : i32 to index
      %swap3A_702 = tpu.vector_load %arg6[%swap3A_700, %swap3A_701] {strides = array<i32>} : memref<25x128xi32, #tpu.memory_space<vmem>>, vector<1x16xi32>,
      %swap3A_703 = vector.shape_cast %swap3A_702 : vector<1x16xi32> to vector<16xi32>
      %swap3A_704 = vector.shape_cast %min3A_697 : vector<16xi32> to vector<1x16xi32>
      tpu.vector_store %arg6[%swap3A_700, %swap3A_701], %swap3A_704 {strides = array<i32>} : memref<25x128xi32, #tpu.memory_space<vmem>>, vector<1x16xi32>,
      %scan3A_705 = arith.constant 0 : i32
      scf.yield %scan3A_705 : i32
    }
    %scan3A_169 = arith.constant 8 : i32
    %scan3A_170 = arith.constant 0 : i32
    %scan3A_171 = arith.constant 0 : i32
    %scan3A_172 = arith.constant 8 : i32
    %scan3A_173 = arith.addi %scan3A_171, %scan3A_172 : i32
    %scan3A_174 = arith.constant 1 : i32
    %scan3A_175 = scf.for %scan3A_675 = %scan3A_171 to %scan3A_173 step %scan3A_174 iter_args(%scan3A_676 = %scan3A_170) -> (i32)  : i32 {
      %add3A_677 = arith.constant 192 : i32
      %add3A_678 = arith.addi %add3A_677, %scan3A_675 : i32
      %mul3A_679 = arith.constant 16 : i32
      %mul3A_680 = arith.muli %add3A_678, %mul3A_679 : i32
      %get3A = arith.index_cast %mul3A_680 : i32 to index
      %get3A_681 = tpu.vector_load %arg5[%get3A] {strides = array<i32>} : memref<3200xi32, #tpu.memory_space<vmem>>, vector<16xi32>,
      %get3A_682 = vector.shape_cast %get3A_681 : vector<16xi32> to vector<16xi32>
      %jit3A = arith.constant 0 : i32
      %jit3A_683 = arith.constant 79 : i32
      %max3A = vector.broadcast %jit3A : i32 to vector<16xi32>
      %max3A_684 = arith.maxsi %max3A, %get3A_682 : vector<16xi32>
      %min3A = vector.broadcast %jit3A_683 : i32 to vector<16xi32>
      %min3A_685 = arith.minsi %min3A, %max3A_684 : vector<16xi32>
      %mul3A_686 = arith.constant 16 : i32
      %mul3A_687 = arith.muli %add3A_678, %mul3A_686 : i32
      %add3A_688 = arith.addi %mul3A_2, %mul3A_687 : i32
      %add3A_689 = vector.broadcast %add3A_688 : i32 to vector<16xi32>
      %add3A_690 = arith.addi %add3A_689, %iota3A : vector<16xi32>
      %mul3A_691 = arith.constant 80 : i32
      %mul3A_692 = vector.broadcast %mul3A_691 : i32 to vector<16xi32>
      %mul3A_693 = arith.muli %add3A_690, %mul3A_692 : vector<16xi32>
      %add3A_694 = arith.addi %mul3A_693, %min3A_685 : vector<16xi32>
      %min3A_695 = arith.constant 7999999 : i32
      %min3A_696 = vector.broadcast %min3A_695 : i32 to vector<16xi32>
      %min3A_697 = arith.minsi %add3A_694, %min3A_696 : vector<16xi32>
      %mul3A_698 = arith.constant 16 : i32
      %mul3A_699 = arith.muli %scan3A_675, %mul3A_698 : i32
      %swap3A = arith.constant 24 : i32
      %swap3A_700 = arith.index_cast %swap3A : i32 to index
      %swap3A_701 = arith.index_cast %mul3A_699 : i32 to index
      %swap3A_702 = tpu.vector_load %arg6[%swap3A_700, %swap3A_701] {strides = array<i32>} : memref<25x128xi32, #tpu.memory_space<vmem>>, vector<1x16xi32>,
      %swap3A_703 = vector.shape_cast %swap3A_702 : vector<1x16xi32> to vector<16xi32>
      %swap3A_704 = vector.shape_cast %min3A_697 : vector<16xi32> to vector<1x16xi32>
      tpu.vector_store %arg6[%swap3A_700, %swap3A_701], %swap3A_704 {strides = array<i32>} : memref<25x128xi32, #tpu.memory_space<vmem>>, vector<1x16xi32>,
      %scan3A_705 = arith.constant 0 : i32
      scf.yield %scan3A_705 : i32
    }
    %scan3A_176 = arith.constant 8 : i32
    %dma_start3A = arith.constant 0 : i32
    %dma_start3A_177 = arith.constant 0 : i32
    %dma_start3A_178 = arith.constant 0 : i32
    %dma_start3A_179 = tpu.memref_slice %arg7[%dma_start3A_177, %dma_start3A_178] : memref<25x128xf32, #tpu.memory_space<vmem>> -> memref<1x128xf32, #tpu.memory_space<vmem>>
    %dma_start3A_180 = tpu.memref_squeeze %dma_start3A_179 : memref<1x128xf32, #tpu.memory_space<vmem>> -> memref<128xf32, #tpu.memory_space<vmem>>
    %dma_start3A_181 = arith.constant 0 : i32
    %dma_start3A_182 = tpu.memref_slice %arg6[%dma_start3A, %dma_start3A_181] : memref<25x128xi32, #tpu.memory_space<vmem>> -> memref<1x128xi32, #tpu.memory_space<vmem>>
    %dma_start3A_183 = tpu.memref_squeeze %dma_start3A_182 : memref<1x128xi32, #tpu.memory_space<vmem>> -> memref<128xi32, #tpu.memory_space<vmem>>
    %dma_start3A_184 = arith.constant 0 : i32
    %dma_start3A_185 = tpu.memref_slice %arg2[%dma_start3A_184] : memref<8000000xf32, #tpu.memory_space<hbm>> -> memref<8000000xf32, #tpu.memory_space<hbm>>
    tpu.enqueue_indirect_dma source(%dma_start3A_185 : memref<8000000xf32, #tpu.memory_space<hbm>>) target(%dma_start3A_180 : memref<128xf32, #tpu.memory_space<vmem>>) offsets(%dma_start3A_183 : memref<128xi32, #tpu.memory_space<vmem>>) semaphore(%arg8 : memref<!tpu.dma_semaphore, #tpu.memory_space<semaphore_mem>>)
    %dma_start3A_186 = arith.constant 1 : i32
    %dma_start3A_187 = arith.constant 1 : i32
    %dma_start3A_188 = arith.constant 0 : i32
    %dma_start3A_189 = tpu.memref_slice %arg7[%dma_start3A_187, %dma_start3A_188] : memref<25x128xf32, #tpu.memory_space<vmem>> -> memref<1x128xf32, #tpu.memory_space<vmem>>
    %dma_start3A_190 = tpu.memref_squeeze %dma_start3A_189 : memref<1x128xf32, #tpu.memory_space<vmem>> -> memref<128xf32, #tpu.memory_space<vmem>>
    %dma_start3A_191 = arith.constant 0 : i32
    %dma_start3A_192 = tpu.memref_slice %arg6[%dma_start3A_186, %dma_start3A_191] : memref<25x128xi32, #tpu.memory_space<vmem>> -> memref<1x128xi32, #tpu.memory_space<vmem>>
    %dma_start3A_193 = tpu.memref_squeeze %dma_start3A_192 : memref<1x128xi32, #tpu.memory_space<vmem>> -> memref<128xi32, #tpu.memory_space<vmem>>
    %dma_start3A_194 = arith.constant 0 : i32
    %dma_start3A_195 = tpu.memref_slice %arg2[%dma_start3A_194] : memref<8000000xf32, #tpu.memory_space<hbm>> -> memref<8000000xf32, #tpu.memory_space<hbm>>
    tpu.enqueue_indirect_dma source(%dma_start3A_195 : memref<8000000xf32, #tpu.memory_space<hbm>>) target(%dma_start3A_190 : memref<128xf32, #tpu.memory_space<vmem>>) offsets(%dma_start3A_193 : memref<128xi32, #tpu.memory_space<vmem>>) semaphore(%arg8 : memref<!tpu.dma_semaphore, #tpu.memory_space<semaphore_mem>>)
    %dma_start3A_196 = arith.constant 2 : i32
    %dma_start3A_197 = arith.constant 2 : i32
    %dma_start3A_198 = arith.constant 0 : i32
    %dma_start3A_199 = tpu.memref_slice %arg7[%dma_start3A_197, %dma_start3A_198] : memref<25x128xf32, #tpu.memory_space<vmem>> -> memref<1x128xf32, #tpu.memory_space<vmem>>
    %dma_start3A_200 = tpu.memref_squeeze %dma_start3A_199 : memref<1x128xf32, #tpu.memory_space<vmem>> -> memref<128xf32, #tpu.memory_space<vmem>>
    %dma_start3A_201 = arith.constant 0 : i32
    %dma_start3A_202 = tpu.memref_slice %arg6[%dma_start3A_196, %dma_start3A_201] : memref<25x128xi32, #tpu.memory_space<vmem>> -> memref<1x128xi32, #tpu.memory_space<vmem>>
    %dma_start3A_203 = tpu.memref_squeeze %dma_start3A_202 : memref<1x128xi32, #tpu.memory_space<vmem>> -> memref<128xi32, #tpu.memory_space<vmem>>
    %dma_start3A_204 = arith.constant 0 : i32
    %dma_start3A_205 = tpu.memref_slice %arg2[%dma_start3A_204] : memref<8000000xf32, #tpu.memory_space<hbm>> -> memref<8000000xf32, #tpu.memory_space<hbm>>
    tpu.enqueue_indirect_dma source(%dma_start3A_205 : memref<8000000xf32, #tpu.memory_space<hbm>>) target(%dma_start3A_200 : memref<128xf32, #tpu.memory_space<vmem>>) offsets(%dma_start3A_203 : memref<128xi32, #tpu.memory_space<vmem>>) semaphore(%arg8 : memref<!tpu.dma_semaphore, #tpu.memory_space<semaphore_mem>>)
    %dma_start3A_206 = arith.constant 3 : i32
    %dma_start3A_207 = arith.constant 3 : i32
    %dma_start3A_208 = arith.constant 0 : i32
    %dma_start3A_209 = tpu.memref_slice %arg7[%dma_start3A_207, %dma_start3A_208] : memref<25x128xf32, #tpu.memory_space<vmem>> -> memref<1x128xf32, #tpu.memory_space<vmem>>
    %dma_start3A_210 = tpu.memref_squeeze %dma_start3A_209 : memref<1x128xf32, #tpu.memory_space<vmem>> -> memref<128xf32, #tpu.memory_space<vmem>>
    %dma_start3A_211 = arith.constant 0 : i32
    %dma_start3A_212 = tpu.memref_slice %arg6[%dma_start3A_206, %dma_start3A_211] : memref<25x128xi32, #tpu.memory_space<vmem>> -> memref<1x128xi32, #tpu.memory_space<vmem>>
    %dma_start3A_213 = tpu.memref_squeeze %dma_start3A_212 : memref<1x128xi32, #tpu.memory_space<vmem>> -> memref<128xi32, #tpu.memory_space<vmem>>
    %dma_start3A_214 = arith.constant 0 : i32
    %dma_start3A_215 = tpu.memref_slice %arg2[%dma_start3A_214] : memref<8000000xf32, #tpu.memory_space<hbm>> -> memref<8000000xf32, #tpu.memory_space<hbm>>
    tpu.enqueue_indirect_dma source(%dma_start3A_215 : memref<8000000xf32, #tpu.memory_space<hbm>>) target(%dma_start3A_210 : memref<128xf32, #tpu.memory_space<vmem>>) offsets(%dma_start3A_213 : memref<128xi32, #tpu.memory_space<vmem>>) semaphore(%arg8 : memref<!tpu.dma_semaphore, #tpu.memory_space<semaphore_mem>>)
    %dma_start3A_216 = arith.constant 4 : i32
    %dma_start3A_217 = arith.constant 4 : i32
    %dma_start3A_218 = arith.constant 0 : i32
    %dma_start3A_219 = tpu.memref_slice %arg7[%dma_start3A_217, %dma_start3A_218] : memref<25x128xf32, #tpu.memory_space<vmem>> -> memref<1x128xf32, #tpu.memory_space<vmem>>
    %dma_start3A_220 = tpu.memref_squeeze %dma_start3A_219 : memref<1x128xf32, #tpu.memory_space<vmem>> -> memref<128xf32, #tpu.memory_space<vmem>>
    %dma_start3A_221 = arith.constant 0 : i32
    %dma_start3A_222 = tpu.memref_slice %arg6[%dma_start3A_216, %dma_start3A_221] : memref<25x128xi32, #tpu.memory_space<vmem>> -> memref<1x128xi32, #tpu.memory_space<vmem>>
    %dma_start3A_223 = tpu.memref_squeeze %dma_start3A_222 : memref<1x128xi32, #tpu.memory_space<vmem>> -> memref<128xi32, #tpu.memory_space<vmem>>
    %dma_start3A_224 = arith.constant 0 : i32
    %dma_start3A_225 = tpu.memref_slice %arg2[%dma_start3A_224] : memref<8000000xf32, #tpu.memory_space<hbm>> -> memref<8000000xf32, #tpu.memory_space<hbm>>
    tpu.enqueue_indirect_dma source(%dma_start3A_225 : memref<8000000xf32, #tpu.memory_space<hbm>>) target(%dma_start3A_220 : memref<128xf32, #tpu.memory_space<vmem>>) offsets(%dma_start3A_223 : memref<128xi32, #tpu.memory_space<vmem>>) semaphore(%arg8 : memref<!tpu.dma_semaphore, #tpu.memory_space<semaphore_mem>>)
    %dma_start3A_226 = arith.constant 5 : i32
    %dma_start3A_227 = arith.constant 5 : i32
    %dma_start3A_228 = arith.constant 0 : i32
    %dma_start3A_229 = tpu.memref_slice %arg7[%dma_start3A_227, %dma_start3A_228] : memref<25x128xf32, #tpu.memory_space<vmem>> -> memref<1x128xf32, #tpu.memory_space<vmem>>
    %dma_start3A_230 = tpu.memref_squeeze %dma_start3A_229 : memref<1x128xf32, #tpu.memory_space<vmem>> -> memref<128xf32, #tpu.memory_space<vmem>>
    %dma_start3A_231 = arith.constant 0 : i32
    %dma_start3A_232 = tpu.memref_slice %arg6[%dma_start3A_226, %dma_start3A_231] : memref<25x128xi32, #tpu.memory_space<vmem>> -> memref<1x128xi32, #tpu.memory_space<vmem>>
    %dma_start3A_233 = tpu.memref_squeeze %dma_start3A_232 : memref<1x128xi32, #tpu.memory_space<vmem>> -> memref<128xi32, #tpu.memory_space<vmem>>
    %dma_start3A_234 = arith.constant 0 : i32
    %dma_start3A_235 = tpu.memref_slice %arg2[%dma_start3A_234] : memref<8000000xf32, #tpu.memory_space<hbm>> -> memref<8000000xf32, #tpu.memory_space<hbm>>
    tpu.enqueue_indirect_dma source(%dma_start3A_235 : memref<8000000xf32, #tpu.memory_space<hbm>>) target(%dma_start3A_230 : memref<128xf32, #tpu.memory_space<vmem>>) offsets(%dma_start3A_233 : memref<128xi32, #tpu.memory_space<vmem>>) semaphore(%arg8 : memref<!tpu.dma_semaphore, #tpu.memory_space<semaphore_mem>>)
    %dma_start3A_236 = arith.constant 6 : i32
    %dma_start3A_237 = arith.constant 6 : i32
    %dma_start3A_238 = arith.constant 0 : i32
    %dma_start3A_239 = tpu.memref_slice %arg7[%dma_start3A_237, %dma_start3A_238] : memref<25x128xf32, #tpu.memory_space<vmem>> -> memref<1x128xf32, #tpu.memory_space<vmem>>
    %dma_start3A_240 = tpu.memref_squeeze %dma_start3A_239 : memref<1x128xf32, #tpu.memory_space<vmem>> -> memref<128xf32, #tpu.memory_space<vmem>>
    %dma_start3A_241 = arith.constant 0 : i32
    %dma_start3A_242 = tpu.memref_slice %arg6[%dma_start3A_236, %dma_start3A_241] : memref<25x128xi32, #tpu.memory_space<vmem>> -> memref<1x128xi32, #tpu.memory_space<vmem>>
    %dma_start3A_243 = tpu.memref_squeeze %dma_start3A_242 : memref<1x128xi32, #tpu.memory_space<vmem>> -> memref<128xi32, #tpu.memory_space<vmem>>
    %dma_start3A_244 = arith.constant 0 : i32
    %dma_start3A_245 = tpu.memref_slice %arg2[%dma_start3A_244] : memref<8000000xf32, #tpu.memory_space<hbm>> -> memref<8000000xf32, #tpu.memory_space<hbm>>
    tpu.enqueue_indirect_dma source(%dma_start3A_245 : memref<8000000xf32, #tpu.memory_space<hbm>>) target(%dma_start3A_240 : memref<128xf32, #tpu.memory_space<vmem>>) offsets(%dma_start3A_243 : memref<128xi32, #tpu.memory_space<vmem>>) semaphore(%arg8 : memref<!tpu.dma_semaphore, #tpu.memory_space<semaphore_mem>>)
    %dma_start3A_246 = arith.constant 7 : i32
    %dma_start3A_247 = arith.constant 7 : i32
    %dma_start3A_248 = arith.constant 0 : i32
    %dma_start3A_249 = tpu.memref_slice %arg7[%dma_start3A_247, %dma_start3A_248] : memref<25x128xf32, #tpu.memory_space<vmem>> -> memref<1x128xf32, #tpu.memory_space<vmem>>
    %dma_start3A_250 = tpu.memref_squeeze %dma_start3A_249 : memref<1x128xf32, #tpu.memory_space<vmem>> -> memref<128xf32, #tpu.memory_space<vmem>>
    %dma_start3A_251 = arith.constant 0 : i32
    %dma_start3A_252 = tpu.memref_slice %arg6[%dma_start3A_246, %dma_start3A_251] : memref<25x128xi32, #tpu.memory_space<vmem>> -> memref<1x128xi32, #tpu.memory_space<vmem>>
    %dma_start3A_253 = tpu.memref_squeeze %dma_start3A_252 : memref<1x128xi32, #tpu.memory_space<vmem>> -> memref<128xi32, #tpu.memory_space<vmem>>
    %dma_start3A_254 = arith.constant 0 : i32
    %dma_start3A_255 = tpu.memref_slice %arg2[%dma_start3A_254] : memref<8000000xf32, #tpu.memory_space<hbm>> -> memref<8000000xf32, #tpu.memory_space<hbm>>
    tpu.enqueue_indirect_dma source(%dma_start3A_255 : memref<8000000xf32, #tpu.memory_space<hbm>>) target(%dma_start3A_250 : memref<128xf32, #tpu.memory_space<vmem>>) offsets(%dma_start3A_253 : memref<128xi32, #tpu.memory_space<vmem>>) semaphore(%arg8 : memref<!tpu.dma_semaphore, #tpu.memory_space<semaphore_mem>>)
    %dma_start3A_256 = arith.constant 8 : i32
    %dma_start3A_257 = arith.constant 8 : i32
    %dma_start3A_258 = arith.constant 0 : i32
    %dma_start3A_259 = tpu.memref_slice %arg7[%dma_start3A_257, %dma_start3A_258] : memref<25x128xf32, #tpu.memory_space<vmem>> -> memref<1x128xf32, #tpu.memory_space<vmem>>
    %dma_start3A_260 = tpu.memref_squeeze %dma_start3A_259 : memref<1x128xf32, #tpu.memory_space<vmem>> -> memref<128xf32, #tpu.memory_space<vmem>>
    %dma_start3A_261 = arith.constant 0 : i32
    %dma_start3A_262 = tpu.memref_slice %arg6[%dma_start3A_256, %dma_start3A_261] : memref<25x128xi32, #tpu.memory_space<vmem>> -> memref<1x128xi32, #tpu.memory_space<vmem>>
    %dma_start3A_263 = tpu.memref_squeeze %dma_start3A_262 : memref<1x128xi32, #tpu.memory_space<vmem>> -> memref<128xi32, #tpu.memory_space<vmem>>
    %dma_start3A_264 = arith.constant 0 : i32
    %dma_start3A_265 = tpu.memref_slice %arg2[%dma_start3A_264] : memref<8000000xf32, #tpu.memory_space<hbm>> -> memref<8000000xf32, #tpu.memory_space<hbm>>
    tpu.enqueue_indirect_dma source(%dma_start3A_265 : memref<8000000xf32, #tpu.memory_space<hbm>>) target(%dma_start3A_260 : memref<128xf32, #tpu.memory_space<vmem>>) offsets(%dma_start3A_263 : memref<128xi32, #tpu.memory_space<vmem>>) semaphore(%arg8 : memref<!tpu.dma_semaphore, #tpu.memory_space<semaphore_mem>>)
    %dma_start3A_266 = arith.constant 9 : i32
    %dma_start3A_267 = arith.constant 9 : i32
    %dma_start3A_268 = arith.constant 0 : i32
    %dma_start3A_269 = tpu.memref_slice %arg7[%dma_start3A_267, %dma_start3A_268] : memref<25x128xf32, #tpu.memory_space<vmem>> -> memref<1x128xf32, #tpu.memory_space<vmem>>
    %dma_start3A_270 = tpu.memref_squeeze %dma_start3A_269 : memref<1x128xf32, #tpu.memory_space<vmem>> -> memref<128xf32, #tpu.memory_space<vmem>>
    %dma_start3A_271 = arith.constant 0 : i32
    %dma_start3A_272 = tpu.memref_slice %arg6[%dma_start3A_266, %dma_start3A_271] : memref<25x128xi32, #tpu.memory_space<vmem>> -> memref<1x128xi32, #tpu.memory_space<vmem>>
    %dma_start3A_273 = tpu.memref_squeeze %dma_start3A_272 : memref<1x128xi32, #tpu.memory_space<vmem>> -> memref<128xi32, #tpu.memory_space<vmem>>
    %dma_start3A_274 = arith.constant 0 : i32
    %dma_start3A_275 = tpu.memref_slice %arg2[%dma_start3A_274] : memref<8000000xf32, #tpu.memory_space<hbm>> -> memref<8000000xf32, #tpu.memory_space<hbm>>
    tpu.enqueue_indirect_dma source(%dma_start3A_275 : memref<8000000xf32, #tpu.memory_space<hbm>>) target(%dma_start3A_270 : memref<128xf32, #tpu.memory_space<vmem>>) offsets(%dma_start3A_273 : memref<128xi32, #tpu.memory_space<vmem>>) semaphore(%arg8 : memref<!tpu.dma_semaphore, #tpu.memory_space<semaphore_mem>>)
    %dma_start3A_276 = arith.constant 10 : i32
    %dma_start3A_277 = arith.constant 10 : i32
    %dma_start3A_278 = arith.constant 0 : i32
    %dma_start3A_279 = tpu.memref_slice %arg7[%dma_start3A_277, %dma_start3A_278] : memref<25x128xf32, #tpu.memory_space<vmem>> -> memref<1x128xf32, #tpu.memory_space<vmem>>
    %dma_start3A_280 = tpu.memref_squeeze %dma_start3A_279 : memref<1x128xf32, #tpu.memory_space<vmem>> -> memref<128xf32, #tpu.memory_space<vmem>>
    %dma_start3A_281 = arith.constant 0 : i32
    %dma_start3A_282 = tpu.memref_slice %arg6[%dma_start3A_276, %dma_start3A_281] : memref<25x128xi32, #tpu.memory_space<vmem>> -> memref<1x128xi32, #tpu.memory_space<vmem>>
    %dma_start3A_283 = tpu.memref_squeeze %dma_start3A_282 : memref<1x128xi32, #tpu.memory_space<vmem>> -> memref<128xi32, #tpu.memory_space<vmem>>
    %dma_start3A_284 = arith.constant 0 : i32
    %dma_start3A_285 = tpu.memref_slice %arg2[%dma_start3A_284] : memref<8000000xf32, #tpu.memory_space<hbm>> -> memref<8000000xf32, #tpu.memory_space<hbm>>
    tpu.enqueue_indirect_dma source(%dma_start3A_285 : memref<8000000xf32, #tpu.memory_space<hbm>>) target(%dma_start3A_280 : memref<128xf32, #tpu.memory_space<vmem>>) offsets(%dma_start3A_283 : memref<128xi32, #tpu.memory_space<vmem>>) semaphore(%arg8 : memref<!tpu.dma_semaphore, #tpu.memory_space<semaphore_mem>>)
    %dma_start3A_286 = arith.constant 11 : i32
    %dma_start3A_287 = arith.constant 11 : i32
    %dma_start3A_288 = arith.constant 0 : i32
    %dma_start3A_289 = tpu.memref_slice %arg7[%dma_start3A_287, %dma_start3A_288] : memref<25x128xf32, #tpu.memory_space<vmem>> -> memref<1x128xf32, #tpu.memory_space<vmem>>
    %dma_start3A_290 = tpu.memref_squeeze %dma_start3A_289 : memref<1x128xf32, #tpu.memory_space<vmem>> -> memref<128xf32, #tpu.memory_space<vmem>>
    %dma_start3A_291 = arith.constant 0 : i32
    %dma_start3A_292 = tpu.memref_slice %arg6[%dma_start3A_286, %dma_start3A_291] : memref<25x128xi32, #tpu.memory_space<vmem>> -> memref<1x128xi32, #tpu.memory_space<vmem>>
    %dma_start3A_293 = tpu.memref_squeeze %dma_start3A_292 : memref<1x128xi32, #tpu.memory_space<vmem>> -> memref<128xi32, #tpu.memory_space<vmem>>
    %dma_start3A_294 = arith.constant 0 : i32
    %dma_start3A_295 = tpu.memref_slice %arg2[%dma_start3A_294] : memref<8000000xf32, #tpu.memory_space<hbm>> -> memref<8000000xf32, #tpu.memory_space<hbm>>
    tpu.enqueue_indirect_dma source(%dma_start3A_295 : memref<8000000xf32, #tpu.memory_space<hbm>>) target(%dma_start3A_290 : memref<128xf32, #tpu.memory_space<vmem>>) offsets(%dma_start3A_293 : memref<128xi32, #tpu.memory_space<vmem>>) semaphore(%arg8 : memref<!tpu.dma_semaphore, #tpu.memory_space<semaphore_mem>>)
    %dma_start3A_296 = arith.constant 12 : i32
    %dma_start3A_297 = arith.constant 12 : i32
    %dma_start3A_298 = arith.constant 0 : i32
    %dma_start3A_299 = tpu.memref_slice %arg7[%dma_start3A_297, %dma_start3A_298] : memref<25x128xf32, #tpu.memory_space<vmem>> -> memref<1x128xf32, #tpu.memory_space<vmem>>
    %dma_start3A_300 = tpu.memref_squeeze %dma_start3A_299 : memref<1x128xf32, #tpu.memory_space<vmem>> -> memref<128xf32, #tpu.memory_space<vmem>>
    %dma_start3A_301 = arith.constant 0 : i32
    %dma_start3A_302 = tpu.memref_slice %arg6[%dma_start3A_296, %dma_start3A_301] : memref<25x128xi32, #tpu.memory_space<vmem>> -> memref<1x128xi32, #tpu.memory_space<vmem>>
    %dma_start3A_303 = tpu.memref_squeeze %dma_start3A_302 : memref<1x128xi32, #tpu.memory_space<vmem>> -> memref<128xi32, #tpu.memory_space<vmem>>
    %dma_start3A_304 = arith.constant 0 : i32
    %dma_start3A_305 = tpu.memref_slice %arg2[%dma_start3A_304] : memref<8000000xf32, #tpu.memory_space<hbm>> -> memref<8000000xf32, #tpu.memory_space<hbm>>
    tpu.enqueue_indirect_dma source(%dma_start3A_305 : memref<8000000xf32, #tpu.memory_space<hbm>>) target(%dma_start3A_300 : memref<128xf32, #tpu.memory_space<vmem>>) offsets(%dma_start3A_303 : memref<128xi32, #tpu.memory_space<vmem>>) semaphore(%arg8 : memref<!tpu.dma_semaphore, #tpu.memory_space<semaphore_mem>>)
    %dma_start3A_306 = arith.constant 13 : i32
    %dma_start3A_307 = arith.constant 13 : i32
    %dma_start3A_308 = arith.constant 0 : i32
    %dma_start3A_309 = tpu.memref_slice %arg7[%dma_start3A_307, %dma_start3A_308] : memref<25x128xf32, #tpu.memory_space<vmem>> -> memref<1x128xf32, #tpu.memory_space<vmem>>
    %dma_start3A_310 = tpu.memref_squeeze %dma_start3A_309 : memref<1x128xf32, #tpu.memory_space<vmem>> -> memref<128xf32, #tpu.memory_space<vmem>>
    %dma_start3A_311 = arith.constant 0 : i32
    %dma_start3A_312 = tpu.memref_slice %arg6[%dma_start3A_306, %dma_start3A_311] : memref<25x128xi32, #tpu.memory_space<vmem>> -> memref<1x128xi32, #tpu.memory_space<vmem>>
    %dma_start3A_313 = tpu.memref_squeeze %dma_start3A_312 : memref<1x128xi32, #tpu.memory_space<vmem>> -> memref<128xi32, #tpu.memory_space<vmem>>
    %dma_start3A_314 = arith.constant 0 : i32
    %dma_start3A_315 = tpu.memref_slice %arg2[%dma_start3A_314] : memref<8000000xf32, #tpu.memory_space<hbm>> -> memref<8000000xf32, #tpu.memory_space<hbm>>
    tpu.enqueue_indirect_dma source(%dma_start3A_315 : memref<8000000xf32, #tpu.memory_space<hbm>>) target(%dma_start3A_310 : memref<128xf32, #tpu.memory_space<vmem>>) offsets(%dma_start3A_313 : memref<128xi32, #tpu.memory_space<vmem>>) semaphore(%arg8 : memref<!tpu.dma_semaphore, #tpu.memory_space<semaphore_mem>>)
    %dma_start3A_316 = arith.constant 14 : i32
    %dma_start3A_317 = arith.constant 14 : i32
    %dma_start3A_318 = arith.constant 0 : i32
    %dma_start3A_319 = tpu.memref_slice %arg7[%dma_start3A_317, %dma_start3A_318] : memref<25x128xf32, #tpu.memory_space<vmem>> -> memref<1x128xf32, #tpu.memory_space<vmem>>
    %dma_start3A_320 = tpu.memref_squeeze %dma_start3A_319 : memref<1x128xf32, #tpu.memory_space<vmem>> -> memref<128xf32, #tpu.memory_space<vmem>>
    %dma_start3A_321 = arith.constant 0 : i32
    %dma_start3A_322 = tpu.memref_slice %arg6[%dma_start3A_316, %dma_start3A_321] : memref<25x128xi32, #tpu.memory_space<vmem>> -> memref<1x128xi32, #tpu.memory_space<vmem>>
    %dma_start3A_323 = tpu.memref_squeeze %dma_start3A_322 : memref<1x128xi32, #tpu.memory_space<vmem>> -> memref<128xi32, #tpu.memory_space<vmem>>
    %dma_start3A_324 = arith.constant 0 : i32
    %dma_start3A_325 = tpu.memref_slice %arg2[%dma_start3A_324] : memref<8000000xf32, #tpu.memory_space<hbm>> -> memref<8000000xf32, #tpu.memory_space<hbm>>
    tpu.enqueue_indirect_dma source(%dma_start3A_325 : memref<8000000xf32, #tpu.memory_space<hbm>>) target(%dma_start3A_320 : memref<128xf32, #tpu.memory_space<vmem>>) offsets(%dma_start3A_323 : memref<128xi32, #tpu.memory_space<vmem>>) semaphore(%arg8 : memref<!tpu.dma_semaphore, #tpu.memory_space<semaphore_mem>>)
    %dma_start3A_326 = arith.constant 15 : i32
    %dma_start3A_327 = arith.constant 15 : i32
    %dma_start3A_328 = arith.constant 0 : i32
    %dma_start3A_329 = tpu.memref_slice %arg7[%dma_start3A_327, %dma_start3A_328] : memref<25x128xf32, #tpu.memory_space<vmem>> -> memref<1x128xf32, #tpu.memory_space<vmem>>
    %dma_start3A_330 = tpu.memref_squeeze %dma_start3A_329 : memref<1x128xf32, #tpu.memory_space<vmem>> -> memref<128xf32, #tpu.memory_space<vmem>>
    %dma_start3A_331 = arith.constant 0 : i32
    %dma_start3A_332 = tpu.memref_slice %arg6[%dma_start3A_326, %dma_start3A_331] : memref<25x128xi32, #tpu.memory_space<vmem>> -> memref<1x128xi32, #tpu.memory_space<vmem>>
    %dma_start3A_333 = tpu.memref_squeeze %dma_start3A_332 : memref<1x128xi32, #tpu.memory_space<vmem>> -> memref<128xi32, #tpu.memory_space<vmem>>
    %dma_start3A_334 = arith.constant 0 : i32
    %dma_start3A_335 = tpu.memref_slice %arg2[%dma_start3A_334] : memref<8000000xf32, #tpu.memory_space<hbm>> -> memref<8000000xf32, #tpu.memory_space<hbm>>
    tpu.enqueue_indirect_dma source(%dma_start3A_335 : memref<8000000xf32, #tpu.memory_space<hbm>>) target(%dma_start3A_330 : memref<128xf32, #tpu.memory_space<vmem>>) offsets(%dma_start3A_333 : memref<128xi32, #tpu.memory_space<vmem>>) semaphore(%arg8 : memref<!tpu.dma_semaphore, #tpu.memory_space<semaphore_mem>>)
    %dma_start3A_336 = arith.constant 16 : i32
    %dma_start3A_337 = arith.constant 16 : i32
    %dma_start3A_338 = arith.constant 0 : i32
    %dma_start3A_339 = tpu.memref_slice %arg7[%dma_start3A_337, %dma_start3A_338] : memref<25x128xf32, #tpu.memory_space<vmem>> -> memref<1x128xf32, #tpu.memory_space<vmem>>
    %dma_start3A_340 = tpu.memref_squeeze %dma_start3A_339 : memref<1x128xf32, #tpu.memory_space<vmem>> -> memref<128xf32, #tpu.memory_space<vmem>>
    %dma_start3A_341 = arith.constant 0 : i32
    %dma_start3A_342 = tpu.memref_slice %arg6[%dma_start3A_336, %dma_start3A_341] : memref<25x128xi32, #tpu.memory_space<vmem>> -> memref<1x128xi32, #tpu.memory_space<vmem>>
    %dma_start3A_343 = tpu.memref_squeeze %dma_start3A_342 : memref<1x128xi32, #tpu.memory_space<vmem>> -> memref<128xi32, #tpu.memory_space<vmem>>
    %dma_start3A_344 = arith.constant 0 : i32
    %dma_start3A_345 = tpu.memref_slice %arg2[%dma_start3A_344] : memref<8000000xf32, #tpu.memory_space<hbm>> -> memref<8000000xf32, #tpu.memory_space<hbm>>
    tpu.enqueue_indirect_dma source(%dma_start3A_345 : memref<8000000xf32, #tpu.memory_space<hbm>>) target(%dma_start3A_340 : memref<128xf32, #tpu.memory_space<vmem>>) offsets(%dma_start3A_343 : memref<128xi32, #tpu.memory_space<vmem>>) semaphore(%arg8 : memref<!tpu.dma_semaphore, #tpu.memory_space<semaphore_mem>>)
    %dma_start3A_346 = arith.constant 17 : i32
    %dma_start3A_347 = arith.constant 17 : i32
    %dma_start3A_348 = arith.constant 0 : i32
    %dma_start3A_349 = tpu.memref_slice %arg7[%dma_start3A_347, %dma_start3A_348] : memref<25x128xf32, #tpu.memory_space<vmem>> -> memref<1x128xf32, #tpu.memory_space<vmem>>
    %dma_start3A_350 = tpu.memref_squeeze %dma_start3A_349 : memref<1x128xf32, #tpu.memory_space<vmem>> -> memref<128xf32, #tpu.memory_space<vmem>>
    %dma_start3A_351 = arith.constant 0 : i32
    %dma_start3A_352 = tpu.memref_slice %arg6[%dma_start3A_346, %dma_start3A_351] : memref<25x128xi32, #tpu.memory_space<vmem>> -> memref<1x128xi32, #tpu.memory_space<vmem>>
    %dma_start3A_353 = tpu.memref_squeeze %dma_start3A_352 : memref<1x128xi32, #tpu.memory_space<vmem>> -> memref<128xi32, #tpu.memory_space<vmem>>
    %dma_start3A_354 = arith.constant 0 : i32
    %dma_start3A_355 = tpu.memref_slice %arg2[%dma_start3A_354] : memref<8000000xf32, #tpu.memory_space<hbm>> -> memref<8000000xf32, #tpu.memory_space<hbm>>
    tpu.enqueue_indirect_dma source(%dma_start3A_355 : memref<8000000xf32, #tpu.memory_space<hbm>>) target(%dma_start3A_350 : memref<128xf32, #tpu.memory_space<vmem>>) offsets(%dma_start3A_353 : memref<128xi32, #tpu.memory_space<vmem>>) semaphore(%arg8 : memref<!tpu.dma_semaphore, #tpu.memory_space<semaphore_mem>>)
    %dma_start3A_356 = arith.constant 18 : i32
    %dma_start3A_357 = arith.constant 18 : i32
    %dma_start3A_358 = arith.constant 0 : i32
    %dma_start3A_359 = tpu.memref_slice %arg7[%dma_start3A_357, %dma_start3A_358] : memref<25x128xf32, #tpu.memory_space<vmem>> -> memref<1x128xf32, #tpu.memory_space<vmem>>
    %dma_start3A_360 = tpu.memref_squeeze %dma_start3A_359 : memref<1x128xf32, #tpu.memory_space<vmem>> -> memref<128xf32, #tpu.memory_space<vmem>>
    %dma_start3A_361 = arith.constant 0 : i32
    %dma_start3A_362 = tpu.memref_slice %arg6[%dma_start3A_356, %dma_start3A_361] : memref<25x128xi32, #tpu.memory_space<vmem>> -> memref<1x128xi32, #tpu.memory_space<vmem>>
    %dma_start3A_363 = tpu.memref_squeeze %dma_start3A_362 : memref<1x128xi32, #tpu.memory_space<vmem>> -> memref<128xi32, #tpu.memory_space<vmem>>
    %dma_start3A_364 = arith.constant 0 : i32
    %dma_start3A_365 = tpu.memref_slice %arg2[%dma_start3A_364] : memref<8000000xf32, #tpu.memory_space<hbm>> -> memref<8000000xf32, #tpu.memory_space<hbm>>
    tpu.enqueue_indirect_dma source(%dma_start3A_365 : memref<8000000xf32, #tpu.memory_space<hbm>>) target(%dma_start3A_360 : memref<128xf32, #tpu.memory_space<vmem>>) offsets(%dma_start3A_363 : memref<128xi32, #tpu.memory_space<vmem>>) semaphore(%arg8 : memref<!tpu.dma_semaphore, #tpu.memory_space<semaphore_mem>>)
    %dma_start3A_366 = arith.constant 19 : i32
    %dma_start3A_367 = arith.constant 19 : i32
    %dma_start3A_368 = arith.constant 0 : i32
    %dma_start3A_369 = tpu.memref_slice %arg7[%dma_start3A_367, %dma_start3A_368] : memref<25x128xf32, #tpu.memory_space<vmem>> -> memref<1x128xf32, #tpu.memory_space<vmem>>
    %dma_start3A_370 = tpu.memref_squeeze %dma_start3A_369 : memref<1x128xf32, #tpu.memory_space<vmem>> -> memref<128xf32, #tpu.memory_space<vmem>>
    %dma_start3A_371 = arith.constant 0 : i32
    %dma_start3A_372 = tpu.memref_slice %arg6[%dma_start3A_366, %dma_start3A_371] : memref<25x128xi32, #tpu.memory_space<vmem>> -> memref<1x128xi32, #tpu.memory_space<vmem>>
    %dma_start3A_373 = tpu.memref_squeeze %dma_start3A_372 : memref<1x128xi32, #tpu.memory_space<vmem>> -> memref<128xi32, #tpu.memory_space<vmem>>
    %dma_start3A_374 = arith.constant 0 : i32
    %dma_start3A_375 = tpu.memref_slice %arg2[%dma_start3A_374] : memref<8000000xf32, #tpu.memory_space<hbm>> -> memref<8000000xf32, #tpu.memory_space<hbm>>
    tpu.enqueue_indirect_dma source(%dma_start3A_375 : memref<8000000xf32, #tpu.memory_space<hbm>>) target(%dma_start3A_370 : memref<128xf32, #tpu.memory_space<vmem>>) offsets(%dma_start3A_373 : memref<128xi32, #tpu.memory_space<vmem>>) semaphore(%arg8 : memref<!tpu.dma_semaphore, #tpu.memory_space<semaphore_mem>>)
    %dma_start3A_376 = arith.constant 20 : i32
    %dma_start3A_377 = arith.constant 20 : i32
    %dma_start3A_378 = arith.constant 0 : i32
    %dma_start3A_379 = tpu.memref_slice %arg7[%dma_start3A_377, %dma_start3A_378] : memref<25x128xf32, #tpu.memory_space<vmem>> -> memref<1x128xf32, #tpu.memory_space<vmem>>
    %dma_start3A_380 = tpu.memref_squeeze %dma_start3A_379 : memref<1x128xf32, #tpu.memory_space<vmem>> -> memref<128xf32, #tpu.memory_space<vmem>>
    %dma_start3A_381 = arith.constant 0 : i32
    %dma_start3A_382 = tpu.memref_slice %arg6[%dma_start3A_376, %dma_start3A_381] : memref<25x128xi32, #tpu.memory_space<vmem>> -> memref<1x128xi32, #tpu.memory_space<vmem>>
    %dma_start3A_383 = tpu.memref_squeeze %dma_start3A_382 : memref<1x128xi32, #tpu.memory_space<vmem>> -> memref<128xi32, #tpu.memory_space<vmem>>
    %dma_start3A_384 = arith.constant 0 : i32
    %dma_start3A_385 = tpu.memref_slice %arg2[%dma_start3A_384] : memref<8000000xf32, #tpu.memory_space<hbm>> -> memref<8000000xf32, #tpu.memory_space<hbm>>
    tpu.enqueue_indirect_dma source(%dma_start3A_385 : memref<8000000xf32, #tpu.memory_space<hbm>>) target(%dma_start3A_380 : memref<128xf32, #tpu.memory_space<vmem>>) offsets(%dma_start3A_383 : memref<128xi32, #tpu.memory_space<vmem>>) semaphore(%arg8 : memref<!tpu.dma_semaphore, #tpu.memory_space<semaphore_mem>>)
    %dma_start3A_386 = arith.constant 21 : i32
    %dma_start3A_387 = arith.constant 21 : i32
    %dma_start3A_388 = arith.constant 0 : i32
    %dma_start3A_389 = tpu.memref_slice %arg7[%dma_start3A_387, %dma_start3A_388] : memref<25x128xf32, #tpu.memory_space<vmem>> -> memref<1x128xf32, #tpu.memory_space<vmem>>
    %dma_start3A_390 = tpu.memref_squeeze %dma_start3A_389 : memref<1x128xf32, #tpu.memory_space<vmem>> -> memref<128xf32, #tpu.memory_space<vmem>>
    %dma_start3A_391 = arith.constant 0 : i32
    %dma_start3A_392 = tpu.memref_slice %arg6[%dma_start3A_386, %dma_start3A_391] : memref<25x128xi32, #tpu.memory_space<vmem>> -> memref<1x128xi32, #tpu.memory_space<vmem>>
    %dma_start3A_393 = tpu.memref_squeeze %dma_start3A_392 : memref<1x128xi32, #tpu.memory_space<vmem>> -> memref<128xi32, #tpu.memory_space<vmem>>
    %dma_start3A_394 = arith.constant 0 : i32
    %dma_start3A_395 = tpu.memref_slice %arg2[%dma_start3A_394] : memref<8000000xf32, #tpu.memory_space<hbm>> -> memref<8000000xf32, #tpu.memory_space<hbm>>
    tpu.enqueue_indirect_dma source(%dma_start3A_395 : memref<8000000xf32, #tpu.memory_space<hbm>>) target(%dma_start3A_390 : memref<128xf32, #tpu.memory_space<vmem>>) offsets(%dma_start3A_393 : memref<128xi32, #tpu.memory_space<vmem>>) semaphore(%arg8 : memref<!tpu.dma_semaphore, #tpu.memory_space<semaphore_mem>>)
    %dma_start3A_396 = arith.constant 22 : i32
    %dma_start3A_397 = arith.constant 22 : i32
    %dma_start3A_398 = arith.constant 0 : i32
    %dma_start3A_399 = tpu.memref_slice %arg7[%dma_start3A_397, %dma_start3A_398] : memref<25x128xf32, #tpu.memory_space<vmem>> -> memref<1x128xf32, #tpu.memory_space<vmem>>
    %dma_start3A_400 = tpu.memref_squeeze %dma_start3A_399 : memref<1x128xf32, #tpu.memory_space<vmem>> -> memref<128xf32, #tpu.memory_space<vmem>>
    %dma_start3A_401 = arith.constant 0 : i32
    %dma_start3A_402 = tpu.memref_slice %arg6[%dma_start3A_396, %dma_start3A_401] : memref<25x128xi32, #tpu.memory_space<vmem>> -> memref<1x128xi32, #tpu.memory_space<vmem>>
    %dma_start3A_403 = tpu.memref_squeeze %dma_start3A_402 : memref<1x128xi32, #tpu.memory_space<vmem>> -> memref<128xi32, #tpu.memory_space<vmem>>
    %dma_start3A_404 = arith.constant 0 : i32
    %dma_start3A_405 = tpu.memref_slice %arg2[%dma_start3A_404] : memref<8000000xf32, #tpu.memory_space<hbm>> -> memref<8000000xf32, #tpu.memory_space<hbm>>
    tpu.enqueue_indirect_dma source(%dma_start3A_405 : memref<8000000xf32, #tpu.memory_space<hbm>>) target(%dma_start3A_400 : memref<128xf32, #tpu.memory_space<vmem>>) offsets(%dma_start3A_403 : memref<128xi32, #tpu.memory_space<vmem>>) semaphore(%arg8 : memref<!tpu.dma_semaphore, #tpu.memory_space<semaphore_mem>>)
    %dma_start3A_406 = arith.constant 23 : i32
    %dma_start3A_407 = arith.constant 23 : i32
    %dma_start3A_408 = arith.constant 0 : i32
    %dma_start3A_409 = tpu.memref_slice %arg7[%dma_start3A_407, %dma_start3A_408] : memref<25x128xf32, #tpu.memory_space<vmem>> -> memref<1x128xf32, #tpu.memory_space<vmem>>
    %dma_start3A_410 = tpu.memref_squeeze %dma_start3A_409 : memref<1x128xf32, #tpu.memory_space<vmem>> -> memref<128xf32, #tpu.memory_space<vmem>>
    %dma_start3A_411 = arith.constant 0 : i32
    %dma_start3A_412 = tpu.memref_slice %arg6[%dma_start3A_406, %dma_start3A_411] : memref<25x128xi32, #tpu.memory_space<vmem>> -> memref<1x128xi32, #tpu.memory_space<vmem>>
    %dma_start3A_413 = tpu.memref_squeeze %dma_start3A_412 : memref<1x128xi32, #tpu.memory_space<vmem>> -> memref<128xi32, #tpu.memory_space<vmem>>
    %dma_start3A_414 = arith.constant 0 : i32
    %dma_start3A_415 = tpu.memref_slice %arg2[%dma_start3A_414] : memref<8000000xf32, #tpu.memory_space<hbm>> -> memref<8000000xf32, #tpu.memory_space<hbm>>
    tpu.enqueue_indirect_dma source(%dma_start3A_415 : memref<8000000xf32, #tpu.memory_space<hbm>>) target(%dma_start3A_410 : memref<128xf32, #tpu.memory_space<vmem>>) offsets(%dma_start3A_413 : memref<128xi32, #tpu.memory_space<vmem>>) semaphore(%arg8 : memref<!tpu.dma_semaphore, #tpu.memory_space<semaphore_mem>>)
    %dma_start3A_416 = arith.constant 24 : i32
    %dma_start3A_417 = arith.constant 24 : i32
    %dma_start3A_418 = arith.constant 0 : i32
    %dma_start3A_419 = tpu.memref_slice %arg7[%dma_start3A_417, %dma_start3A_418] : memref<25x128xf32, #tpu.memory_space<vmem>> -> memref<1x128xf32, #tpu.memory_space<vmem>>
    %dma_start3A_420 = tpu.memref_squeeze %dma_start3A_419 : memref<1x128xf32, #tpu.memory_space<vmem>> -> memref<128xf32, #tpu.memory_space<vmem>>
    %dma_start3A_421 = arith.constant 0 : i32
    %dma_start3A_422 = tpu.memref_slice %arg6[%dma_start3A_416, %dma_start3A_421] : memref<25x128xi32, #tpu.memory_space<vmem>> -> memref<1x128xi32, #tpu.memory_space<vmem>>
    %dma_start3A_423 = tpu.memref_squeeze %dma_start3A_422 : memref<1x128xi32, #tpu.memory_space<vmem>> -> memref<128xi32, #tpu.memory_space<vmem>>
    %dma_start3A_424 = arith.constant 0 : i32
    %dma_start3A_425 = tpu.memref_slice %arg2[%dma_start3A_424] : memref<8000000xf32, #tpu.memory_space<hbm>> -> memref<8000000xf32, #tpu.memory_space<hbm>>
    tpu.enqueue_indirect_dma source(%dma_start3A_425 : memref<8000000xf32, #tpu.memory_space<hbm>>) target(%dma_start3A_420 : memref<128xf32, #tpu.memory_space<vmem>>) offsets(%dma_start3A_423 : memref<128xi32, #tpu.memory_space<vmem>>) semaphore(%arg8 : memref<!tpu.dma_semaphore, #tpu.memory_space<semaphore_mem>>)
    %dma_wait3A = arith.constant 0 : i32
    %dma_wait3A_426 = arith.constant 0 : i32
    %dma_wait3A_427 = arith.constant 0 : i32
    %dma_wait3A_428 = tpu.memref_slice %arg7[%dma_wait3A_426, %dma_wait3A_427] : memref<25x128xf32, #tpu.memory_space<vmem>> -> memref<1x128xf32, #tpu.memory_space<vmem>>
    %dma_wait3A_429 = tpu.memref_squeeze %dma_wait3A_428 : memref<1x128xf32, #tpu.memory_space<vmem>> -> memref<128xf32, #tpu.memory_space<vmem>>
    %dma_wait3A_430 = arith.constant 0 : i32
    %dma_wait3A_431 = tpu.memref_slice %arg6[%dma_wait3A, %dma_wait3A_430] : memref<25x128xi32, #tpu.memory_space<vmem>> -> memref<1x128xi32, #tpu.memory_space<vmem>>
    %dma_wait3A_432 = tpu.memref_squeeze %dma_wait3A_431 : memref<1x128xi32, #tpu.memory_space<vmem>> -> memref<128xi32, #tpu.memory_space<vmem>>
    %dma_wait3A_433 = arith.constant 0 : i32
    %dma_wait3A_434 = tpu.memref_slice %arg2[%dma_wait3A_433] : memref<8000000xf32, #tpu.memory_space<hbm>> -> memref<8000000xf32, #tpu.memory_space<hbm>>
    tpu.wait_indirect_dma semaphore(%arg8 : memref<!tpu.dma_semaphore, #tpu.memory_space<semaphore_mem>>) src(%dma_wait3A_434 : memref<8000000xf32, #tpu.memory_space<hbm>>) dst(%dma_wait3A_429 : memref<128xf32, #tpu.memory_space<vmem>>)
    %dma_wait3A_435 = arith.constant 1 : i32
    %dma_wait3A_436 = arith.constant 1 : i32
    %dma_wait3A_437 = arith.constant 0 : i32
    %dma_wait3A_438 = tpu.memref_slice %arg7[%dma_wait3A_436, %dma_wait3A_437] : memref<25x128xf32, #tpu.memory_space<vmem>> -> memref<1x128xf32, #tpu.memory_space<vmem>>
    %dma_wait3A_439 = tpu.memref_squeeze %dma_wait3A_438 : memref<1x128xf32, #tpu.memory_space<vmem>> -> memref<128xf32, #tpu.memory_space<vmem>>
    %dma_wait3A_440 = arith.constant 0 : i32
    %dma_wait3A_441 = tpu.memref_slice %arg6[%dma_wait3A_435, %dma_wait3A_440] : memref<25x128xi32, #tpu.memory_space<vmem>> -> memref<1x128xi32, #tpu.memory_space<vmem>>
    %dma_wait3A_442 = tpu.memref_squeeze %dma_wait3A_441 : memref<1x128xi32, #tpu.memory_space<vmem>> -> memref<128xi32, #tpu.memory_space<vmem>>
    %dma_wait3A_443 = arith.constant 0 : i32
    %dma_wait3A_444 = tpu.memref_slice %arg2[%dma_wait3A_443] : memref<8000000xf32, #tpu.memory_space<hbm>> -> memref<8000000xf32, #tpu.memory_space<hbm>>
    tpu.wait_indirect_dma semaphore(%arg8 : memref<!tpu.dma_semaphore, #tpu.memory_space<semaphore_mem>>) src(%dma_wait3A_444 : memref<8000000xf32, #tpu.memory_space<hbm>>) dst(%dma_wait3A_439 : memref<128xf32, #tpu.memory_space<vmem>>)
    %dma_wait3A_445 = arith.constant 2 : i32
    %dma_wait3A_446 = arith.constant 2 : i32
    %dma_wait3A_447 = arith.constant 0 : i32
    %dma_wait3A_448 = tpu.memref_slice %arg7[%dma_wait3A_446, %dma_wait3A_447] : memref<25x128xf32, #tpu.memory_space<vmem>> -> memref<1x128xf32, #tpu.memory_space<vmem>>
    %dma_wait3A_449 = tpu.memref_squeeze %dma_wait3A_448 : memref<1x128xf32, #tpu.memory_space<vmem>> -> memref<128xf32, #tpu.memory_space<vmem>>
    %dma_wait3A_450 = arith.constant 0 : i32
    %dma_wait3A_451 = tpu.memref_slice %arg6[%dma_wait3A_445, %dma_wait3A_450] : memref<25x128xi32, #tpu.memory_space<vmem>> -> memref<1x128xi32, #tpu.memory_space<vmem>>
    %dma_wait3A_452 = tpu.memref_squeeze %dma_wait3A_451 : memref<1x128xi32, #tpu.memory_space<vmem>> -> memref<128xi32, #tpu.memory_space<vmem>>
    %dma_wait3A_453 = arith.constant 0 : i32
    %dma_wait3A_454 = tpu.memref_slice %arg2[%dma_wait3A_453] : memref<8000000xf32, #tpu.memory_space<hbm>> -> memref<8000000xf32, #tpu.memory_space<hbm>>
    tpu.wait_indirect_dma semaphore(%arg8 : memref<!tpu.dma_semaphore, #tpu.memory_space<semaphore_mem>>) src(%dma_wait3A_454 : memref<8000000xf32, #tpu.memory_space<hbm>>) dst(%dma_wait3A_449 : memref<128xf32, #tpu.memory_space<vmem>>)
    %dma_wait3A_455 = arith.constant 3 : i32
    %dma_wait3A_456 = arith.constant 3 : i32
    %dma_wait3A_457 = arith.constant 0 : i32
    %dma_wait3A_458 = tpu.memref_slice %arg7[%dma_wait3A_456, %dma_wait3A_457] : memref<25x128xf32, #tpu.memory_space<vmem>> -> memref<1x128xf32, #tpu.memory_space<vmem>>
    %dma_wait3A_459 = tpu.memref_squeeze %dma_wait3A_458 : memref<1x128xf32, #tpu.memory_space<vmem>> -> memref<128xf32, #tpu.memory_space<vmem>>
    %dma_wait3A_460 = arith.constant 0 : i32
    %dma_wait3A_461 = tpu.memref_slice %arg6[%dma_wait3A_455, %dma_wait3A_460] : memref<25x128xi32, #tpu.memory_space<vmem>> -> memref<1x128xi32, #tpu.memory_space<vmem>>
    %dma_wait3A_462 = tpu.memref_squeeze %dma_wait3A_461 : memref<1x128xi32, #tpu.memory_space<vmem>> -> memref<128xi32, #tpu.memory_space<vmem>>
    %dma_wait3A_463 = arith.constant 0 : i32
    %dma_wait3A_464 = tpu.memref_slice %arg2[%dma_wait3A_463] : memref<8000000xf32, #tpu.memory_space<hbm>> -> memref<8000000xf32, #tpu.memory_space<hbm>>
    tpu.wait_indirect_dma semaphore(%arg8 : memref<!tpu.dma_semaphore, #tpu.memory_space<semaphore_mem>>) src(%dma_wait3A_464 : memref<8000000xf32, #tpu.memory_space<hbm>>) dst(%dma_wait3A_459 : memref<128xf32, #tpu.memory_space<vmem>>)
    %dma_wait3A_465 = arith.constant 4 : i32
    %dma_wait3A_466 = arith.constant 4 : i32
    %dma_wait3A_467 = arith.constant 0 : i32
    %dma_wait3A_468 = tpu.memref_slice %arg7[%dma_wait3A_466, %dma_wait3A_467] : memref<25x128xf32, #tpu.memory_space<vmem>> -> memref<1x128xf32, #tpu.memory_space<vmem>>
    %dma_wait3A_469 = tpu.memref_squeeze %dma_wait3A_468 : memref<1x128xf32, #tpu.memory_space<vmem>> -> memref<128xf32, #tpu.memory_space<vmem>>
    %dma_wait3A_470 = arith.constant 0 : i32
    %dma_wait3A_471 = tpu.memref_slice %arg6[%dma_wait3A_465, %dma_wait3A_470] : memref<25x128xi32, #tpu.memory_space<vmem>> -> memref<1x128xi32, #tpu.memory_space<vmem>>
    %dma_wait3A_472 = tpu.memref_squeeze %dma_wait3A_471 : memref<1x128xi32, #tpu.memory_space<vmem>> -> memref<128xi32, #tpu.memory_space<vmem>>
    %dma_wait3A_473 = arith.constant 0 : i32
    %dma_wait3A_474 = tpu.memref_slice %arg2[%dma_wait3A_473] : memref<8000000xf32, #tpu.memory_space<hbm>> -> memref<8000000xf32, #tpu.memory_space<hbm>>
    tpu.wait_indirect_dma semaphore(%arg8 : memref<!tpu.dma_semaphore, #tpu.memory_space<semaphore_mem>>) src(%dma_wait3A_474 : memref<8000000xf32, #tpu.memory_space<hbm>>) dst(%dma_wait3A_469 : memref<128xf32, #tpu.memory_space<vmem>>)
    %dma_wait3A_475 = arith.constant 5 : i32
    %dma_wait3A_476 = arith.constant 5 : i32
    %dma_wait3A_477 = arith.constant 0 : i32
    %dma_wait3A_478 = tpu.memref_slice %arg7[%dma_wait3A_476, %dma_wait3A_477] : memref<25x128xf32, #tpu.memory_space<vmem>> -> memref<1x128xf32, #tpu.memory_space<vmem>>
    %dma_wait3A_479 = tpu.memref_squeeze %dma_wait3A_478 : memref<1x128xf32, #tpu.memory_space<vmem>> -> memref<128xf32, #tpu.memory_space<vmem>>
    %dma_wait3A_480 = arith.constant 0 : i32
    %dma_wait3A_481 = tpu.memref_slice %arg6[%dma_wait3A_475, %dma_wait3A_480] : memref<25x128xi32, #tpu.memory_space<vmem>> -> memref<1x128xi32, #tpu.memory_space<vmem>>
    %dma_wait3A_482 = tpu.memref_squeeze %dma_wait3A_481 : memref<1x128xi32, #tpu.memory_space<vmem>> -> memref<128xi32, #tpu.memory_space<vmem>>
    %dma_wait3A_483 = arith.constant 0 : i32
    %dma_wait3A_484 = tpu.memref_slice %arg2[%dma_wait3A_483] : memref<8000000xf32, #tpu.memory_space<hbm>> -> memref<8000000xf32, #tpu.memory_space<hbm>>
    tpu.wait_indirect_dma semaphore(%arg8 : memref<!tpu.dma_semaphore, #tpu.memory_space<semaphore_mem>>) src(%dma_wait3A_484 : memref<8000000xf32, #tpu.memory_space<hbm>>) dst(%dma_wait3A_479 : memref<128xf32, #tpu.memory_space<vmem>>)
    %dma_wait3A_485 = arith.constant 6 : i32
    %dma_wait3A_486 = arith.constant 6 : i32
    %dma_wait3A_487 = arith.constant 0 : i32
    %dma_wait3A_488 = tpu.memref_slice %arg7[%dma_wait3A_486, %dma_wait3A_487] : memref<25x128xf32, #tpu.memory_space<vmem>> -> memref<1x128xf32, #tpu.memory_space<vmem>>
    %dma_wait3A_489 = tpu.memref_squeeze %dma_wait3A_488 : memref<1x128xf32, #tpu.memory_space<vmem>> -> memref<128xf32, #tpu.memory_space<vmem>>
    %dma_wait3A_490 = arith.constant 0 : i32
    %dma_wait3A_491 = tpu.memref_slice %arg6[%dma_wait3A_485, %dma_wait3A_490] : memref<25x128xi32, #tpu.memory_space<vmem>> -> memref<1x128xi32, #tpu.memory_space<vmem>>
    %dma_wait3A_492 = tpu.memref_squeeze %dma_wait3A_491 : memref<1x128xi32, #tpu.memory_space<vmem>> -> memref<128xi32, #tpu.memory_space<vmem>>
    %dma_wait3A_493 = arith.constant 0 : i32
    %dma_wait3A_494 = tpu.memref_slice %arg2[%dma_wait3A_493] : memref<8000000xf32, #tpu.memory_space<hbm>> -> memref<8000000xf32, #tpu.memory_space<hbm>>
    tpu.wait_indirect_dma semaphore(%arg8 : memref<!tpu.dma_semaphore, #tpu.memory_space<semaphore_mem>>) src(%dma_wait3A_494 : memref<8000000xf32, #tpu.memory_space<hbm>>) dst(%dma_wait3A_489 : memref<128xf32, #tpu.memory_space<vmem>>)
    %dma_wait3A_495 = arith.constant 7 : i32
    %dma_wait3A_496 = arith.constant 7 : i32
    %dma_wait3A_497 = arith.constant 0 : i32
    %dma_wait3A_498 = tpu.memref_slice %arg7[%dma_wait3A_496, %dma_wait3A_497] : memref<25x128xf32, #tpu.memory_space<vmem>> -> memref<1x128xf32, #tpu.memory_space<vmem>>
    %dma_wait3A_499 = tpu.memref_squeeze %dma_wait3A_498 : memref<1x128xf32, #tpu.memory_space<vmem>> -> memref<128xf32, #tpu.memory_space<vmem>>
    %dma_wait3A_500 = arith.constant 0 : i32
    %dma_wait3A_501 = tpu.memref_slice %arg6[%dma_wait3A_495, %dma_wait3A_500] : memref<25x128xi32, #tpu.memory_space<vmem>> -> memref<1x128xi32, #tpu.memory_space<vmem>>
    %dma_wait3A_502 = tpu.memref_squeeze %dma_wait3A_501 : memref<1x128xi32, #tpu.memory_space<vmem>> -> memref<128xi32, #tpu.memory_space<vmem>>
    %dma_wait3A_503 = arith.constant 0 : i32
    %dma_wait3A_504 = tpu.memref_slice %arg2[%dma_wait3A_503] : memref<8000000xf32, #tpu.memory_space<hbm>> -> memref<8000000xf32, #tpu.memory_space<hbm>>
    tpu.wait_indirect_dma semaphore(%arg8 : memref<!tpu.dma_semaphore, #tpu.memory_space<semaphore_mem>>) src(%dma_wait3A_504 : memref<8000000xf32, #tpu.memory_space<hbm>>) dst(%dma_wait3A_499 : memref<128xf32, #tpu.memory_space<vmem>>)
    %dma_wait3A_505 = arith.constant 8 : i32
    %dma_wait3A_506 = arith.constant 8 : i32
    %dma_wait3A_507 = arith.constant 0 : i32
    %dma_wait3A_508 = tpu.memref_slice %arg7[%dma_wait3A_506, %dma_wait3A_507] : memref<25x128xf32, #tpu.memory_space<vmem>> -> memref<1x128xf32, #tpu.memory_space<vmem>>
    %dma_wait3A_509 = tpu.memref_squeeze %dma_wait3A_508 : memref<1x128xf32, #tpu.memory_space<vmem>> -> memref<128xf32, #tpu.memory_space<vmem>>
    %dma_wait3A_510 = arith.constant 0 : i32
    %dma_wait3A_511 = tpu.memref_slice %arg6[%dma_wait3A_505, %dma_wait3A_510] : memref<25x128xi32, #tpu.memory_space<vmem>> -> memref<1x128xi32, #tpu.memory_space<vmem>>
    %dma_wait3A_512 = tpu.memref_squeeze %dma_wait3A_511 : memref<1x128xi32, #tpu.memory_space<vmem>> -> memref<128xi32, #tpu.memory_space<vmem>>
    %dma_wait3A_513 = arith.constant 0 : i32
    %dma_wait3A_514 = tpu.memref_slice %arg2[%dma_wait3A_513] : memref<8000000xf32, #tpu.memory_space<hbm>> -> memref<8000000xf32, #tpu.memory_space<hbm>>
    tpu.wait_indirect_dma semaphore(%arg8 : memref<!tpu.dma_semaphore, #tpu.memory_space<semaphore_mem>>) src(%dma_wait3A_514 : memref<8000000xf32, #tpu.memory_space<hbm>>) dst(%dma_wait3A_509 : memref<128xf32, #tpu.memory_space<vmem>>)
    %dma_wait3A_515 = arith.constant 9 : i32
    %dma_wait3A_516 = arith.constant 9 : i32
    %dma_wait3A_517 = arith.constant 0 : i32
    %dma_wait3A_518 = tpu.memref_slice %arg7[%dma_wait3A_516, %dma_wait3A_517] : memref<25x128xf32, #tpu.memory_space<vmem>> -> memref<1x128xf32, #tpu.memory_space<vmem>>
    %dma_wait3A_519 = tpu.memref_squeeze %dma_wait3A_518 : memref<1x128xf32, #tpu.memory_space<vmem>> -> memref<128xf32, #tpu.memory_space<vmem>>
    %dma_wait3A_520 = arith.constant 0 : i32
    %dma_wait3A_521 = tpu.memref_slice %arg6[%dma_wait3A_515, %dma_wait3A_520] : memref<25x128xi32, #tpu.memory_space<vmem>> -> memref<1x128xi32, #tpu.memory_space<vmem>>
    %dma_wait3A_522 = tpu.memref_squeeze %dma_wait3A_521 : memref<1x128xi32, #tpu.memory_space<vmem>> -> memref<128xi32, #tpu.memory_space<vmem>>
    %dma_wait3A_523 = arith.constant 0 : i32
    %dma_wait3A_524 = tpu.memref_slice %arg2[%dma_wait3A_523] : memref<8000000xf32, #tpu.memory_space<hbm>> -> memref<8000000xf32, #tpu.memory_space<hbm>>
    tpu.wait_indirect_dma semaphore(%arg8 : memref<!tpu.dma_semaphore, #tpu.memory_space<semaphore_mem>>) src(%dma_wait3A_524 : memref<8000000xf32, #tpu.memory_space<hbm>>) dst(%dma_wait3A_519 : memref<128xf32, #tpu.memory_space<vmem>>)
    %dma_wait3A_525 = arith.constant 10 : i32
    %dma_wait3A_526 = arith.constant 10 : i32
    %dma_wait3A_527 = arith.constant 0 : i32
    %dma_wait3A_528 = tpu.memref_slice %arg7[%dma_wait3A_526, %dma_wait3A_527] : memref<25x128xf32, #tpu.memory_space<vmem>> -> memref<1x128xf32, #tpu.memory_space<vmem>>
    %dma_wait3A_529 = tpu.memref_squeeze %dma_wait3A_528 : memref<1x128xf32, #tpu.memory_space<vmem>> -> memref<128xf32, #tpu.memory_space<vmem>>
    %dma_wait3A_530 = arith.constant 0 : i32
    %dma_wait3A_531 = tpu.memref_slice %arg6[%dma_wait3A_525, %dma_wait3A_530] : memref<25x128xi32, #tpu.memory_space<vmem>> -> memref<1x128xi32, #tpu.memory_space<vmem>>
    %dma_wait3A_532 = tpu.memref_squeeze %dma_wait3A_531 : memref<1x128xi32, #tpu.memory_space<vmem>> -> memref<128xi32, #tpu.memory_space<vmem>>
    %dma_wait3A_533 = arith.constant 0 : i32
    %dma_wait3A_534 = tpu.memref_slice %arg2[%dma_wait3A_533] : memref<8000000xf32, #tpu.memory_space<hbm>> -> memref<8000000xf32, #tpu.memory_space<hbm>>
    tpu.wait_indirect_dma semaphore(%arg8 : memref<!tpu.dma_semaphore, #tpu.memory_space<semaphore_mem>>) src(%dma_wait3A_534 : memref<8000000xf32, #tpu.memory_space<hbm>>) dst(%dma_wait3A_529 : memref<128xf32, #tpu.memory_space<vmem>>)
    %dma_wait3A_535 = arith.constant 11 : i32
    %dma_wait3A_536 = arith.constant 11 : i32
    %dma_wait3A_537 = arith.constant 0 : i32
    %dma_wait3A_538 = tpu.memref_slice %arg7[%dma_wait3A_536, %dma_wait3A_537] : memref<25x128xf32, #tpu.memory_space<vmem>> -> memref<1x128xf32, #tpu.memory_space<vmem>>
    %dma_wait3A_539 = tpu.memref_squeeze %dma_wait3A_538 : memref<1x128xf32, #tpu.memory_space<vmem>> -> memref<128xf32, #tpu.memory_space<vmem>>
    %dma_wait3A_540 = arith.constant 0 : i32
    %dma_wait3A_541 = tpu.memref_slice %arg6[%dma_wait3A_535, %dma_wait3A_540] : memref<25x128xi32, #tpu.memory_space<vmem>> -> memref<1x128xi32, #tpu.memory_space<vmem>>
    %dma_wait3A_542 = tpu.memref_squeeze %dma_wait3A_541 : memref<1x128xi32, #tpu.memory_space<vmem>> -> memref<128xi32, #tpu.memory_space<vmem>>
    %dma_wait3A_543 = arith.constant 0 : i32
    %dma_wait3A_544 = tpu.memref_slice %arg2[%dma_wait3A_543] : memref<8000000xf32, #tpu.memory_space<hbm>> -> memref<8000000xf32, #tpu.memory_space<hbm>>
    tpu.wait_indirect_dma semaphore(%arg8 : memref<!tpu.dma_semaphore, #tpu.memory_space<semaphore_mem>>) src(%dma_wait3A_544 : memref<8000000xf32, #tpu.memory_space<hbm>>) dst(%dma_wait3A_539 : memref<128xf32, #tpu.memory_space<vmem>>)
    %dma_wait3A_545 = arith.constant 12 : i32
    %dma_wait3A_546 = arith.constant 12 : i32
    %dma_wait3A_547 = arith.constant 0 : i32
    %dma_wait3A_548 = tpu.memref_slice %arg7[%dma_wait3A_546, %dma_wait3A_547] : memref<25x128xf32, #tpu.memory_space<vmem>> -> memref<1x128xf32, #tpu.memory_space<vmem>>
    %dma_wait3A_549 = tpu.memref_squeeze %dma_wait3A_548 : memref<1x128xf32, #tpu.memory_space<vmem>> -> memref<128xf32, #tpu.memory_space<vmem>>
    %dma_wait3A_550 = arith.constant 0 : i32
    %dma_wait3A_551 = tpu.memref_slice %arg6[%dma_wait3A_545, %dma_wait3A_550] : memref<25x128xi32, #tpu.memory_space<vmem>> -> memref<1x128xi32, #tpu.memory_space<vmem>>
    %dma_wait3A_552 = tpu.memref_squeeze %dma_wait3A_551 : memref<1x128xi32, #tpu.memory_space<vmem>> -> memref<128xi32, #tpu.memory_space<vmem>>
    %dma_wait3A_553 = arith.constant 0 : i32
    %dma_wait3A_554 = tpu.memref_slice %arg2[%dma_wait3A_553] : memref<8000000xf32, #tpu.memory_space<hbm>> -> memref<8000000xf32, #tpu.memory_space<hbm>>
    tpu.wait_indirect_dma semaphore(%arg8 : memref<!tpu.dma_semaphore, #tpu.memory_space<semaphore_mem>>) src(%dma_wait3A_554 : memref<8000000xf32, #tpu.memory_space<hbm>>) dst(%dma_wait3A_549 : memref<128xf32, #tpu.memory_space<vmem>>)
    %dma_wait3A_555 = arith.constant 13 : i32
    %dma_wait3A_556 = arith.constant 13 : i32
    %dma_wait3A_557 = arith.constant 0 : i32
    %dma_wait3A_558 = tpu.memref_slice %arg7[%dma_wait3A_556, %dma_wait3A_557] : memref<25x128xf32, #tpu.memory_space<vmem>> -> memref<1x128xf32, #tpu.memory_space<vmem>>
    %dma_wait3A_559 = tpu.memref_squeeze %dma_wait3A_558 : memref<1x128xf32, #tpu.memory_space<vmem>> -> memref<128xf32, #tpu.memory_space<vmem>>
    %dma_wait3A_560 = arith.constant 0 : i32
    %dma_wait3A_561 = tpu.memref_slice %arg6[%dma_wait3A_555, %dma_wait3A_560] : memref<25x128xi32, #tpu.memory_space<vmem>> -> memref<1x128xi32, #tpu.memory_space<vmem>>
    %dma_wait3A_562 = tpu.memref_squeeze %dma_wait3A_561 : memref<1x128xi32, #tpu.memory_space<vmem>> -> memref<128xi32, #tpu.memory_space<vmem>>
    %dma_wait3A_563 = arith.constant 0 : i32
    %dma_wait3A_564 = tpu.memref_slice %arg2[%dma_wait3A_563] : memref<8000000xf32, #tpu.memory_space<hbm>> -> memref<8000000xf32, #tpu.memory_space<hbm>>
    tpu.wait_indirect_dma semaphore(%arg8 : memref<!tpu.dma_semaphore, #tpu.memory_space<semaphore_mem>>) src(%dma_wait3A_564 : memref<8000000xf32, #tpu.memory_space<hbm>>) dst(%dma_wait3A_559 : memref<128xf32, #tpu.memory_space<vmem>>)
    %dma_wait3A_565 = arith.constant 14 : i32
    %dma_wait3A_566 = arith.constant 14 : i32
    %dma_wait3A_567 = arith.constant 0 : i32
    %dma_wait3A_568 = tpu.memref_slice %arg7[%dma_wait3A_566, %dma_wait3A_567] : memref<25x128xf32, #tpu.memory_space<vmem>> -> memref<1x128xf32, #tpu.memory_space<vmem>>
    %dma_wait3A_569 = tpu.memref_squeeze %dma_wait3A_568 : memref<1x128xf32, #tpu.memory_space<vmem>> -> memref<128xf32, #tpu.memory_space<vmem>>
    %dma_wait3A_570 = arith.constant 0 : i32
    %dma_wait3A_571 = tpu.memref_slice %arg6[%dma_wait3A_565, %dma_wait3A_570] : memref<25x128xi32, #tpu.memory_space<vmem>> -> memref<1x128xi32, #tpu.memory_space<vmem>>
    %dma_wait3A_572 = tpu.memref_squeeze %dma_wait3A_571 : memref<1x128xi32, #tpu.memory_space<vmem>> -> memref<128xi32, #tpu.memory_space<vmem>>
    %dma_wait3A_573 = arith.constant 0 : i32
    %dma_wait3A_574 = tpu.memref_slice %arg2[%dma_wait3A_573] : memref<8000000xf32, #tpu.memory_space<hbm>> -> memref<8000000xf32, #tpu.memory_space<hbm>>
    tpu.wait_indirect_dma semaphore(%arg8 : memref<!tpu.dma_semaphore, #tpu.memory_space<semaphore_mem>>) src(%dma_wait3A_574 : memref<8000000xf32, #tpu.memory_space<hbm>>) dst(%dma_wait3A_569 : memref<128xf32, #tpu.memory_space<vmem>>)
    %dma_wait3A_575 = arith.constant 15 : i32
    %dma_wait3A_576 = arith.constant 15 : i32
    %dma_wait3A_577 = arith.constant 0 : i32
    %dma_wait3A_578 = tpu.memref_slice %arg7[%dma_wait3A_576, %dma_wait3A_577] : memref<25x128xf32, #tpu.memory_space<vmem>> -> memref<1x128xf32, #tpu.memory_space<vmem>>
    %dma_wait3A_579 = tpu.memref_squeeze %dma_wait3A_578 : memref<1x128xf32, #tpu.memory_space<vmem>> -> memref<128xf32, #tpu.memory_space<vmem>>
    %dma_wait3A_580 = arith.constant 0 : i32
    %dma_wait3A_581 = tpu.memref_slice %arg6[%dma_wait3A_575, %dma_wait3A_580] : memref<25x128xi32, #tpu.memory_space<vmem>> -> memref<1x128xi32, #tpu.memory_space<vmem>>
    %dma_wait3A_582 = tpu.memref_squeeze %dma_wait3A_581 : memref<1x128xi32, #tpu.memory_space<vmem>> -> memref<128xi32, #tpu.memory_space<vmem>>
    %dma_wait3A_583 = arith.constant 0 : i32
    %dma_wait3A_584 = tpu.memref_slice %arg2[%dma_wait3A_583] : memref<8000000xf32, #tpu.memory_space<hbm>> -> memref<8000000xf32, #tpu.memory_space<hbm>>
    tpu.wait_indirect_dma semaphore(%arg8 : memref<!tpu.dma_semaphore, #tpu.memory_space<semaphore_mem>>) src(%dma_wait3A_584 : memref<8000000xf32, #tpu.memory_space<hbm>>) dst(%dma_wait3A_579 : memref<128xf32, #tpu.memory_space<vmem>>)
    %dma_wait3A_585 = arith.constant 16 : i32
    %dma_wait3A_586 = arith.constant 16 : i32
    %dma_wait3A_587 = arith.constant 0 : i32
    %dma_wait3A_588 = tpu.memref_slice %arg7[%dma_wait3A_586, %dma_wait3A_587] : memref<25x128xf32, #tpu.memory_space<vmem>> -> memref<1x128xf32, #tpu.memory_space<vmem>>
    %dma_wait3A_589 = tpu.memref_squeeze %dma_wait3A_588 : memref<1x128xf32, #tpu.memory_space<vmem>> -> memref<128xf32, #tpu.memory_space<vmem>>
    %dma_wait3A_590 = arith.constant 0 : i32
    %dma_wait3A_591 = tpu.memref_slice %arg6[%dma_wait3A_585, %dma_wait3A_590] : memref<25x128xi32, #tpu.memory_space<vmem>> -> memref<1x128xi32, #tpu.memory_space<vmem>>
    %dma_wait3A_592 = tpu.memref_squeeze %dma_wait3A_591 : memref<1x128xi32, #tpu.memory_space<vmem>> -> memref<128xi32, #tpu.memory_space<vmem>>
    %dma_wait3A_593 = arith.constant 0 : i32
    %dma_wait3A_594 = tpu.memref_slice %arg2[%dma_wait3A_593] : memref<8000000xf32, #tpu.memory_space<hbm>> -> memref<8000000xf32, #tpu.memory_space<hbm>>
    tpu.wait_indirect_dma semaphore(%arg8 : memref<!tpu.dma_semaphore, #tpu.memory_space<semaphore_mem>>) src(%dma_wait3A_594 : memref<8000000xf32, #tpu.memory_space<hbm>>) dst(%dma_wait3A_589 : memref<128xf32, #tpu.memory_space<vmem>>)
    %dma_wait3A_595 = arith.constant 17 : i32
    %dma_wait3A_596 = arith.constant 17 : i32
    %dma_wait3A_597 = arith.constant 0 : i32
    %dma_wait3A_598 = tpu.memref_slice %arg7[%dma_wait3A_596, %dma_wait3A_597] : memref<25x128xf32, #tpu.memory_space<vmem>> -> memref<1x128xf32, #tpu.memory_space<vmem>>
    %dma_wait3A_599 = tpu.memref_squeeze %dma_wait3A_598 : memref<1x128xf32, #tpu.memory_space<vmem>> -> memref<128xf32, #tpu.memory_space<vmem>>
    %dma_wait3A_600 = arith.constant 0 : i32
    %dma_wait3A_601 = tpu.memref_slice %arg6[%dma_wait3A_595, %dma_wait3A_600] : memref<25x128xi32, #tpu.memory_space<vmem>> -> memref<1x128xi32, #tpu.memory_space<vmem>>
    %dma_wait3A_602 = tpu.memref_squeeze %dma_wait3A_601 : memref<1x128xi32, #tpu.memory_space<vmem>> -> memref<128xi32, #tpu.memory_space<vmem>>
    %dma_wait3A_603 = arith.constant 0 : i32
    %dma_wait3A_604 = tpu.memref_slice %arg2[%dma_wait3A_603] : memref<8000000xf32, #tpu.memory_space<hbm>> -> memref<8000000xf32, #tpu.memory_space<hbm>>
    tpu.wait_indirect_dma semaphore(%arg8 : memref<!tpu.dma_semaphore, #tpu.memory_space<semaphore_mem>>) src(%dma_wait3A_604 : memref<8000000xf32, #tpu.memory_space<hbm>>) dst(%dma_wait3A_599 : memref<128xf32, #tpu.memory_space<vmem>>)
    %dma_wait3A_605 = arith.constant 18 : i32
    %dma_wait3A_606 = arith.constant 18 : i32
    %dma_wait3A_607 = arith.constant 0 : i32
    %dma_wait3A_608 = tpu.memref_slice %arg7[%dma_wait3A_606, %dma_wait3A_607] : memref<25x128xf32, #tpu.memory_space<vmem>> -> memref<1x128xf32, #tpu.memory_space<vmem>>
    %dma_wait3A_609 = tpu.memref_squeeze %dma_wait3A_608 : memref<1x128xf32, #tpu.memory_space<vmem>> -> memref<128xf32, #tpu.memory_space<vmem>>
    %dma_wait3A_610 = arith.constant 0 : i32
    %dma_wait3A_611 = tpu.memref_slice %arg6[%dma_wait3A_605, %dma_wait3A_610] : memref<25x128xi32, #tpu.memory_space<vmem>> -> memref<1x128xi32, #tpu.memory_space<vmem>>
    %dma_wait3A_612 = tpu.memref_squeeze %dma_wait3A_611 : memref<1x128xi32, #tpu.memory_space<vmem>> -> memref<128xi32, #tpu.memory_space<vmem>>
    %dma_wait3A_613 = arith.constant 0 : i32
    %dma_wait3A_614 = tpu.memref_slice %arg2[%dma_wait3A_613] : memref<8000000xf32, #tpu.memory_space<hbm>> -> memref<8000000xf32, #tpu.memory_space<hbm>>
    tpu.wait_indirect_dma semaphore(%arg8 : memref<!tpu.dma_semaphore, #tpu.memory_space<semaphore_mem>>) src(%dma_wait3A_614 : memref<8000000xf32, #tpu.memory_space<hbm>>) dst(%dma_wait3A_609 : memref<128xf32, #tpu.memory_space<vmem>>)
    %dma_wait3A_615 = arith.constant 19 : i32
    %dma_wait3A_616 = arith.constant 19 : i32
    %dma_wait3A_617 = arith.constant 0 : i32
    %dma_wait3A_618 = tpu.memref_slice %arg7[%dma_wait3A_616, %dma_wait3A_617] : memref<25x128xf32, #tpu.memory_space<vmem>> -> memref<1x128xf32, #tpu.memory_space<vmem>>
    %dma_wait3A_619 = tpu.memref_squeeze %dma_wait3A_618 : memref<1x128xf32, #tpu.memory_space<vmem>> -> memref<128xf32, #tpu.memory_space<vmem>>
    %dma_wait3A_620 = arith.constant 0 : i32
    %dma_wait3A_621 = tpu.memref_slice %arg6[%dma_wait3A_615, %dma_wait3A_620] : memref<25x128xi32, #tpu.memory_space<vmem>> -> memref<1x128xi32, #tpu.memory_space<vmem>>
    %dma_wait3A_622 = tpu.memref_squeeze %dma_wait3A_621 : memref<1x128xi32, #tpu.memory_space<vmem>> -> memref<128xi32, #tpu.memory_space<vmem>>
    %dma_wait3A_623 = arith.constant 0 : i32
    %dma_wait3A_624 = tpu.memref_slice %arg2[%dma_wait3A_623] : memref<8000000xf32, #tpu.memory_space<hbm>> -> memref<8000000xf32, #tpu.memory_space<hbm>>
    tpu.wait_indirect_dma semaphore(%arg8 : memref<!tpu.dma_semaphore, #tpu.memory_space<semaphore_mem>>) src(%dma_wait3A_624 : memref<8000000xf32, #tpu.memory_space<hbm>>) dst(%dma_wait3A_619 : memref<128xf32, #tpu.memory_space<vmem>>)
    %dma_wait3A_625 = arith.constant 20 : i32
    %dma_wait3A_626 = arith.constant 20 : i32
    %dma_wait3A_627 = arith.constant 0 : i32
    %dma_wait3A_628 = tpu.memref_slice %arg7[%dma_wait3A_626, %dma_wait3A_627] : memref<25x128xf32, #tpu.memory_space<vmem>> -> memref<1x128xf32, #tpu.memory_space<vmem>>
    %dma_wait3A_629 = tpu.memref_squeeze %dma_wait3A_628 : memref<1x128xf32, #tpu.memory_space<vmem>> -> memref<128xf32, #tpu.memory_space<vmem>>
    %dma_wait3A_630 = arith.constant 0 : i32
    %dma_wait3A_631 = tpu.memref_slice %arg6[%dma_wait3A_625, %dma_wait3A_630] : memref<25x128xi32, #tpu.memory_space<vmem>> -> memref<1x128xi32, #tpu.memory_space<vmem>>
    %dma_wait3A_632 = tpu.memref_squeeze %dma_wait3A_631 : memref<1x128xi32, #tpu.memory_space<vmem>> -> memref<128xi32, #tpu.memory_space<vmem>>
    %dma_wait3A_633 = arith.constant 0 : i32
    %dma_wait3A_634 = tpu.memref_slice %arg2[%dma_wait3A_633] : memref<8000000xf32, #tpu.memory_space<hbm>> -> memref<8000000xf32, #tpu.memory_space<hbm>>
    tpu.wait_indirect_dma semaphore(%arg8 : memref<!tpu.dma_semaphore, #tpu.memory_space<semaphore_mem>>) src(%dma_wait3A_634 : memref<8000000xf32, #tpu.memory_space<hbm>>) dst(%dma_wait3A_629 : memref<128xf32, #tpu.memory_space<vmem>>)
    %dma_wait3A_635 = arith.constant 21 : i32
    %dma_wait3A_636 = arith.constant 21 : i32
    %dma_wait3A_637 = arith.constant 0 : i32
    %dma_wait3A_638 = tpu.memref_slice %arg7[%dma_wait3A_636, %dma_wait3A_637] : memref<25x128xf32, #tpu.memory_space<vmem>> -> memref<1x128xf32, #tpu.memory_space<vmem>>
    %dma_wait3A_639 = tpu.memref_squeeze %dma_wait3A_638 : memref<1x128xf32, #tpu.memory_space<vmem>> -> memref<128xf32, #tpu.memory_space<vmem>>
    %dma_wait3A_640 = arith.constant 0 : i32
    %dma_wait3A_641 = tpu.memref_slice %arg6[%dma_wait3A_635, %dma_wait3A_640] : memref<25x128xi32, #tpu.memory_space<vmem>> -> memref<1x128xi32, #tpu.memory_space<vmem>>
    %dma_wait3A_642 = tpu.memref_squeeze %dma_wait3A_641 : memref<1x128xi32, #tpu.memory_space<vmem>> -> memref<128xi32, #tpu.memory_space<vmem>>
    %dma_wait3A_643 = arith.constant 0 : i32
    %dma_wait3A_644 = tpu.memref_slice %arg2[%dma_wait3A_643] : memref<8000000xf32, #tpu.memory_space<hbm>> -> memref<8000000xf32, #tpu.memory_space<hbm>>
    tpu.wait_indirect_dma semaphore(%arg8 : memref<!tpu.dma_semaphore, #tpu.memory_space<semaphore_mem>>) src(%dma_wait3A_644 : memref<8000000xf32, #tpu.memory_space<hbm>>) dst(%dma_wait3A_639 : memref<128xf32, #tpu.memory_space<vmem>>)
    %dma_wait3A_645 = arith.constant 22 : i32
    %dma_wait3A_646 = arith.constant 22 : i32
    %dma_wait3A_647 = arith.constant 0 : i32
    %dma_wait3A_648 = tpu.memref_slice %arg7[%dma_wait3A_646, %dma_wait3A_647] : memref<25x128xf32, #tpu.memory_space<vmem>> -> memref<1x128xf32, #tpu.memory_space<vmem>>
    %dma_wait3A_649 = tpu.memref_squeeze %dma_wait3A_648 : memref<1x128xf32, #tpu.memory_space<vmem>> -> memref<128xf32, #tpu.memory_space<vmem>>
    %dma_wait3A_650 = arith.constant 0 : i32
    %dma_wait3A_651 = tpu.memref_slice %arg6[%dma_wait3A_645, %dma_wait3A_650] : memref<25x128xi32, #tpu.memory_space<vmem>> -> memref<1x128xi32, #tpu.memory_space<vmem>>
    %dma_wait3A_652 = tpu.memref_squeeze %dma_wait3A_651 : memref<1x128xi32, #tpu.memory_space<vmem>> -> memref<128xi32, #tpu.memory_space<vmem>>
    %dma_wait3A_653 = arith.constant 0 : i32
    %dma_wait3A_654 = tpu.memref_slice %arg2[%dma_wait3A_653] : memref<8000000xf32, #tpu.memory_space<hbm>> -> memref<8000000xf32, #tpu.memory_space<hbm>>
    tpu.wait_indirect_dma semaphore(%arg8 : memref<!tpu.dma_semaphore, #tpu.memory_space<semaphore_mem>>) src(%dma_wait3A_654 : memref<8000000xf32, #tpu.memory_space<hbm>>) dst(%dma_wait3A_649 : memref<128xf32, #tpu.memory_space<vmem>>)
    %dma_wait3A_655 = arith.constant 23 : i32
    %dma_wait3A_656 = arith.constant 23 : i32
    %dma_wait3A_657 = arith.constant 0 : i32
    %dma_wait3A_658 = tpu.memref_slice %arg7[%dma_wait3A_656, %dma_wait3A_657] : memref<25x128xf32, #tpu.memory_space<vmem>> -> memref<1x128xf32, #tpu.memory_space<vmem>>
    %dma_wait3A_659 = tpu.memref_squeeze %dma_wait3A_658 : memref<1x128xf32, #tpu.memory_space<vmem>> -> memref<128xf32, #tpu.memory_space<vmem>>
    %dma_wait3A_660 = arith.constant 0 : i32
    %dma_wait3A_661 = tpu.memref_slice %arg6[%dma_wait3A_655, %dma_wait3A_660] : memref<25x128xi32, #tpu.memory_space<vmem>> -> memref<1x128xi32, #tpu.memory_space<vmem>>
    %dma_wait3A_662 = tpu.memref_squeeze %dma_wait3A_661 : memref<1x128xi32, #tpu.memory_space<vmem>> -> memref<128xi32, #tpu.memory_space<vmem>>
    %dma_wait3A_663 = arith.constant 0 : i32
    %dma_wait3A_664 = tpu.memref_slice %arg2[%dma_wait3A_663] : memref<8000000xf32, #tpu.memory_space<hbm>> -> memref<8000000xf32, #tpu.memory_space<hbm>>
    tpu.wait_indirect_dma semaphore(%arg8 : memref<!tpu.dma_semaphore, #tpu.memory_space<semaphore_mem>>) src(%dma_wait3A_664 : memref<8000000xf32, #tpu.memory_space<hbm>>) dst(%dma_wait3A_659 : memref<128xf32, #tpu.memory_space<vmem>>)
    %dma_wait3A_665 = arith.constant 24 : i32
    %dma_wait3A_666 = arith.constant 24 : i32
    %dma_wait3A_667 = arith.constant 0 : i32
    %dma_wait3A_668 = tpu.memref_slice %arg7[%dma_wait3A_666, %dma_wait3A_667] : memref<25x128xf32, #tpu.memory_space<vmem>> -> memref<1x128xf32, #tpu.memory_space<vmem>>
    %dma_wait3A_669 = tpu.memref_squeeze %dma_wait3A_668 : memref<1x128xf32, #tpu.memory_space<vmem>> -> memref<128xf32, #tpu.memory_space<vmem>>
    %dma_wait3A_670 = arith.constant 0 : i32
    %dma_wait3A_671 = tpu.memref_slice %arg6[%dma_wait3A_665, %dma_wait3A_670] : memref<25x128xi32, #tpu.memory_space<vmem>> -> memref<1x128xi32, #tpu.memory_space<vmem>>
    %dma_wait3A_672 = tpu.memref_squeeze %dma_wait3A_671 : memref<1x128xi32, #tpu.memory_space<vmem>> -> memref<128xi32, #tpu.memory_space<vmem>>
    %dma_wait3A_673 = arith.constant 0 : i32
    %dma_wait3A_674 = tpu.memref_slice %arg2[%dma_wait3A_673] : memref<8000000xf32, #tpu.memory_space<hbm>> -> memref<8000000xf32, #tpu.memory_space<hbm>>
    tpu.wait_indirect_dma semaphore(%arg8 : memref<!tpu.dma_semaphore, #tpu.memory_space<semaphore_mem>>) src(%dma_wait3A_674 : memref<8000000xf32, #tpu.memory_space<hbm>>) dst(%dma_wait3A_669 : memref<128xf32, #tpu.memory_space<vmem>>)
    "tpu.region"() ({
      %run_scoped3A = tpu.sem_alloc : memref<!tpu.dma_semaphore, #tpu.memory_space<semaphore_mem>>
      %dma_start3A_675 = arith.constant 0 : i32
      %dma_start3A_676 = arith.constant 0 : i32
      %dma_start3A_677 = tpu.memref_slice %arg4[%add3A, %dma_start3A_675, %dma_start3A_676] : memref<32x25x128xf32, #tpu.memory_space<hbm>> -> memref<1x25x128xf32, #tpu.memory_space<hbm>>
      %dma_start3A_678 = tpu.memref_squeeze %dma_start3A_677 : memref<1x25x128xf32, #tpu.memory_space<hbm>> -> memref<25x128xf32, #tpu.memory_space<hbm>>
      %dma_start3A_679 = arith.constant 0 : i32
      %dma_start3A_680 = arith.constant 0 : i32
      %dma_start3A_681 = tpu.memref_slice %arg4[%add3A, %dma_start3A_679, %dma_start3A_680] : memref<32x25x128xf32, #tpu.memory_space<hbm>> -> memref<1x25x128xf32, #tpu.memory_space<hbm>>
      %dma_start3A_682 = tpu.memref_squeeze %dma_start3A_681 : memref<1x25x128xf32, #tpu.memory_space<hbm>> -> memref<25x128xf32, #tpu.memory_space<hbm>>
      tpu.enqueue_dma source(%arg7 : memref<25x128xf32, #tpu.memory_space<vmem>>) target(%dma_start3A_682 : memref<25x128xf32, #tpu.memory_space<hbm>>) target_semaphore(%run_scoped3A : memref<!tpu.dma_semaphore, #tpu.memory_space<semaphore_mem>>)
      %dma_wait3A_683 = arith.constant 0 : i32
      %dma_wait3A_684 = arith.constant 0 : i32
      %dma_wait3A_685 = tpu.memref_slice %arg4[%add3A, %dma_wait3A_683, %dma_wait3A_684] : memref<32x25x128xf32, #tpu.memory_space<hbm>> -> memref<1x25x128xf32, #tpu.memory_space<hbm>>
      %dma_wait3A_686 = tpu.memref_squeeze %dma_wait3A_685 : memref<1x25x128xf32, #tpu.memory_space<hbm>> -> memref<25x128xf32, #tpu.memory_space<hbm>>
      %dma_wait3A_687 = arith.constant 0 : i32
      %dma_wait3A_688 = arith.constant 0 : i32
      %dma_wait3A_689 = tpu.memref_slice %arg4[%add3A, %dma_wait3A_687, %dma_wait3A_688] : memref<32x25x128xf32, #tpu.memory_space<hbm>> -> memref<1x25x128xf32, #tpu.memory_space<hbm>>
      %dma_wait3A_690 = tpu.memref_squeeze %dma_wait3A_689 : memref<1x25x128xf32, #tpu.memory_space<hbm>> -> memref<25x128xf32, #tpu.memory_space<hbm>>
      tpu.wait_dma2 semaphore(%run_scoped3A : memref<!tpu.dma_semaphore, #tpu.memory_space<semaphore_mem>>) src(%arg7 : memref<25x128xf32, #tpu.memory_space<vmem>>) dst(%dma_wait3A_690 : memref<25x128xf32, #tpu.memory_space<hbm>>)
      tpu.yield
    }) : () -> ()
    return
  }
}

module attributes {stable_mosaic.version = 14 : i64} {
  func.func @_tc_body(%arg0: i32, %arg1: memref<1x2500x128xf32, #tpu.memory_space<vmem>>, %arg2: memref<1x32x128xf32, #tpu.memory_space<vmem>>, %arg3: memref<1x32x128xi32, #tpu.memory_space<vmem>>, %arg4: memref<1x32x128xf32, #tpu.memory_space<vmem>>, %arg5: memref<1x32x128xf32, #tpu.memory_space<vmem>>, %arg6: memref<1x1xf32, #tpu.memory_space<smem>>) attributes {dimension_semantics = [#tpu.dimension_semantics<arbitrary>], iteration_bounds = array<i64: 25>, scalar_prefetch = 0 : i64, scratch_operands = 0 : i64, tpu.core_type = #tpu.core_type<tc>, window_params = [{transform_indices = @transform_0, window_bounds = array<i64: 1, 2500, 128>}, {transform_indices = @transform_1, window_bounds = array<i64: 1, 32, 128>}, {transform_indices = @transform_2, window_bounds = array<i64: 1, 32, 128>}, {transform_indices = @transform_3, window_bounds = array<i64: 1, 32, 128>}, {transform_indices = @transform_4, window_bounds = array<i64: 1, 32, 128>}, {transform_indices = @transform_5, window_bounds = array<i64: 1, 1>}]} {
    %get3A = arith.constant 0 : index
    %get3A_0 = arith.constant 0 : index
    %get3A_1 = arith.constant 0 : index
    %get3A_2 = vector.load %arg1[%get3A, %get3A_0, %get3A_1] : memref<1x2500x128xf32, #tpu.memory_space<vmem>>, vector<1x2500x128xf32>
    %get3A_3 = vector.shape_cast %get3A_2 : vector<1x2500x128xf32> to vector<2500x128xf32>
    %sub3A = arith.constant 1.000000e+00 : f32
    %sub3A_4 = vector.broadcast %sub3A : f32 to vector<2500x128xf32>
    %sub3A_5 = arith.subf %sub3A_4, %get3A_3 : vector<2500x128xf32>
    %log3A = math.log %sub3A_5 : vector<2500x128xf32>
    %max3A = arith.constant -1.000000e+02 : f32
    %max3A_6 = vector.broadcast %max3A : f32 to vector<2500x128xf32>
    %max3A_7 = arith.maximumf %log3A, %max3A_6 : vector<2500x128xf32>
    %mul3A = arith.mulf %get3A_3, %get3A_3 : vector<2500x128xf32>
    %mul3A_8 = arith.constant -7.500000e-01 : f32
    %mul3A_9 = vector.broadcast %mul3A_8 : f32 to vector<2500x128xf32>
    %mul3A_10 = arith.mulf %mul3A, %mul3A_9 : vector<2500x128xf32>
    %mul3A_11 = arith.mulf %max3A_7, %mul3A_10 : vector<2500x128xf32>
    %reduce_sum3A = vector.shape_cast %mul3A_11 : vector<2500x128xf32> to vector<1x2500x128xf32>
    %reduce_sum3A_12 = arith.constant dense<0.000000e+00> : vector<1xf32>
    %reduce_sum3A_13 = vector.multi_reduction <add>, %reduce_sum3A, %reduce_sum3A_12 [1, 2] : vector<1x2500x128xf32> to vector<1xf32>
    %reduce_sum3A_14 = vector.shape_cast %reduce_sum3A_13 : vector<1xf32> to vector<1x1x1xf32>
    %reduce_sum3A_15 = vector.extract %reduce_sum3A_14[0, 0, 0] : f32 from vector<1x1x1xf32>
    %get3A_16 = arith.constant 0 : index
    %get3A_17 = arith.constant 0 : index
    %get3A_18 = arith.constant 0 : index
    %get3A_19 = vector.load %arg2[%get3A_16, %get3A_17, %get3A_18] : memref<1x32x128xf32, #tpu.memory_space<vmem>>, vector<1x32x128xf32>
    %get3A_20 = vector.shape_cast %get3A_19 : vector<1x32x128xf32> to vector<32x128xf32>
    %get3A_21 = arith.constant 0 : index
    %get3A_22 = arith.constant 0 : index
    %get3A_23 = arith.constant 0 : index
    %get3A_24 = vector.load %arg3[%get3A_21, %get3A_22, %get3A_23] : memref<1x32x128xi32, #tpu.memory_space<vmem>>, vector<1x32x128xi32>
    %get3A_25 = vector.shape_cast %get3A_24 : vector<1x32x128xi32> to vector<32x128xi32>
    %get3A_26 = arith.constant 0 : index
    %get3A_27 = arith.constant 0 : index
    %get3A_28 = arith.constant 0 : index
    %get3A_29 = vector.load %arg4[%get3A_26, %get3A_27, %get3A_28] : memref<1x32x128xf32, #tpu.memory_space<vmem>>, vector<1x32x128xf32>
    %get3A_30 = vector.shape_cast %get3A_29 : vector<1x32x128xf32> to vector<32x128xf32>
    %get3A_31 = arith.constant 0 : index
    %get3A_32 = arith.constant 0 : index
    %get3A_33 = arith.constant 0 : index
    %get3A_34 = vector.load %arg5[%get3A_31, %get3A_32, %get3A_33] : memref<1x32x128xf32, #tpu.memory_space<vmem>>, vector<1x32x128xf32>
    %get3A_35 = vector.shape_cast %get3A_34 : vector<1x32x128xf32> to vector<32x128xf32>
    %ge3A = arith.constant 0 : i32
    %ge3A_36 = vector.broadcast %ge3A : i32 to vector<32x128xi32>
    %ge3A_37 = arith.cmpi sge, %get3A_25, %ge3A_36 : vector<32x128xi32>
    %lt3A = arith.constant 80 : i32
    %lt3A_38 = vector.broadcast %lt3A : i32 to vector<32x128xi32>
    %lt3A_39 = arith.cmpi slt, %get3A_25, %lt3A_38 : vector<32x128xi32>
    %and3A = arith.andi %ge3A_37, %lt3A_39 : vector<32x128xi1>
    %log3A_40 = math.log %get3A_20 : vector<32x128xf32>
    %max3A_41 = arith.constant -1.000000e+02 : f32
    %max3A_42 = vector.broadcast %max3A_41 : f32 to vector<32x128xf32>
    %max3A_43 = arith.maximumf %log3A_40, %max3A_42 : vector<32x128xf32>
    %sub3A_44 = arith.constant 1.000000e+00 : f32
    %sub3A_45 = vector.broadcast %sub3A_44 : f32 to vector<32x128xf32>
    %sub3A_46 = arith.subf %sub3A_45, %get3A_20 : vector<32x128xf32>
    %log3A_47 = math.log %sub3A_46 : vector<32x128xf32>
    %max3A_48 = arith.constant -1.000000e+02 : f32
    %max3A_49 = vector.broadcast %max3A_48 : f32 to vector<32x128xf32>
    %max3A_50 = arith.maximumf %log3A_47, %max3A_49 : vector<32x128xf32>
    %mul3A_51 = arith.mulf %get3A_30, %max3A_43 : vector<32x128xf32>
    %sub3A_52 = arith.constant 1.000000e+00 : f32
    %sub3A_53 = vector.broadcast %sub3A_52 : f32 to vector<32x128xf32>
    %sub3A_54 = arith.subf %sub3A_53, %get3A_30 : vector<32x128xf32>
    %mul3A_55 = arith.mulf %sub3A_54, %max3A_50 : vector<32x128xf32>
    %add3A = arith.addf %mul3A_51, %mul3A_55 : vector<32x128xf32>
    %neg3A = arith.constant 0.000000e+00 : f32
    %neg3A_56 = vector.broadcast %neg3A : f32 to vector<32x128xf32>
    %neg3A_57 = arith.subf %neg3A_56, %add3A : vector<32x128xf32>
    %mul3A_58 = arith.mulf %neg3A_57, %get3A_35 : vector<32x128xf32>
    %mul3A_59 = arith.mulf %get3A_20, %get3A_20 : vector<32x128xf32>
    %mul3A_60 = arith.constant -7.500000e-01 : f32
    %mul3A_61 = vector.broadcast %mul3A_60 : f32 to vector<32x128xf32>
    %mul3A_62 = arith.mulf %mul3A_59, %mul3A_61 : vector<32x128xf32>
    %mul3A_63 = arith.mulf %max3A_50, %mul3A_62 : vector<32x128xf32>
    %sub3A_64 = arith.subf %mul3A_58, %mul3A_63 : vector<32x128xf32>
    %jit3A = arith.constant 0.000000e+00 : f32
    %broadcast_in_dim3A = vector.broadcast %jit3A : f32 to vector<32x128xf32>
    %select_n3A = arith.select %and3A, %sub3A_64, %broadcast_in_dim3A : vector<32x128xi1>, vector<32x128xf32>
    %reduce_sum3A_65 = vector.shape_cast %select_n3A : vector<32x128xf32> to vector<1x32x128xf32>
    %reduce_sum3A_66 = arith.constant dense<0.000000e+00> : vector<1xf32>
    %reduce_sum3A_67 = vector.multi_reduction <add>, %reduce_sum3A_65, %reduce_sum3A_66 [1, 2] : vector<1x32x128xf32> to vector<1xf32>
    %reduce_sum3A_68 = vector.shape_cast %reduce_sum3A_67 : vector<1xf32> to vector<1x1x1xf32>
    %reduce_sum3A_69 = vector.extract %reduce_sum3A_68[0, 0, 0] : f32 from vector<1x1x1xf32>
    %eq3A = arith.constant 0 : i32
    %eq3A_70 = arith.cmpi eq, %arg0, %eq3A : i32
    %convert_element_type3A = arith.extui %eq3A_70 : i1 to i32
    %cond3A = arith.constant 0 : i32
    %cond3A_71 = arith.cmpi ne, %convert_element_type3A, %cond3A : i32
    scf.if %cond3A_71 {
      %swap3A_79 = arith.constant 0.000000e+00 : f32
      %swap3A_80 = arith.constant 0 : index
      %swap3A_81 = arith.constant 0 : index
      %swap3A_82 = memref.load %arg6[%swap3A_80, %swap3A_81] : memref<1x1xf32, #tpu.memory_space<smem>>
      memref.store %swap3A_79, %arg6[%swap3A_80, %swap3A_81] : memref<1x1xf32, #tpu.memory_space<smem>>
    } else {
    }
    %get3A_72 = arith.constant 0 : index
    %get3A_73 = arith.constant 0 : index
    %get3A_74 = memref.load %arg6[%get3A_72, %get3A_73] : memref<1x1xf32, #tpu.memory_space<smem>>
    %add3A_75 = arith.addf %reduce_sum3A_15, %reduce_sum3A_69 : f32
    %add3A_76 = arith.addf %get3A_74, %add3A_75 : f32
    %swap3A = arith.constant 0 : index
    %swap3A_77 = arith.constant 0 : index
    %swap3A_78 = memref.load %arg6[%swap3A, %swap3A_77] : memref<1x1xf32, #tpu.memory_space<smem>>
    memref.store %add3A_76, %arg6[%swap3A, %swap3A_77] : memref<1x1xf32, #tpu.memory_space<smem>>
    return
  }
  func.func @transform_0(%arg0: i32) -> (i32, i32, i32) {
    %c0_i32 = arith.constant 0 : i32
    %c0_i32_0 = arith.constant 0 : i32
    %c0_i32_1 = arith.constant 0 : i32
    return %arg0, %c0_i32, %c0_i32_0 : i32, i32, i32
  }
  func.func @transform_1(%arg0: i32) -> (i32, i32, i32) {
    %c0_i32 = arith.constant 0 : i32
    %c0_i32_0 = arith.constant 0 : i32
    %c0_i32_1 = arith.constant 0 : i32
    return %arg0, %c0_i32, %c0_i32_0 : i32, i32, i32
  }
  func.func @transform_2(%arg0: i32) -> (i32, i32, i32) {
    %c0_i32 = arith.constant 0 : i32
    %c0_i32_0 = arith.constant 0 : i32
    %c0_i32_1 = arith.constant 0 : i32
    return %arg0, %c0_i32, %c0_i32_0 : i32, i32, i32
  }
  func.func @transform_3(%arg0: i32) -> (i32, i32, i32) {
    %c0_i32 = arith.constant 0 : i32
    %c0_i32_0 = arith.constant 0 : i32
    %c0_i32_1 = arith.constant 0 : i32
    return %arg0, %c0_i32, %c0_i32_0 : i32, i32, i32
  }
  func.func @transform_4(%arg0: i32) -> (i32, i32, i32) {
    %c0_i32 = arith.constant 0 : i32
    %c0_i32_0 = arith.constant 0 : i32
    %c0_i32_1 = arith.constant 0 : i32
    return %arg0, %c0_i32, %c0_i32_0 : i32, i32, i32
  }
  func.func @transform_5(%arg0: i32) -> (i32, i32) {
    %c0_i32 = arith.constant 0 : i32
    %c0_i32_0 = arith.constant 0 : i32
    %c0_i32_1 = arith.constant 0 : i32
    return %c0_i32, %c0_i32_0 : i32, i32
  }
}

</mosaic_0001>

<sc_bundles>
// kernel: kernel.4.cloned.1.call-start
scs
__scs_entry_jumppad:
0x0: {  	(pc) =	sbr.rel $0x88, $3  }
0x1: {  	(tag) =	ssettag $0x0;
	lr =	simm.s32 $0x1  }
0x2: {  	[smem:$0x3F9D] =	sst lr;
	_ =	strace $0xD0000000  }
0x3: {  	_ = 	snop  }
0x4: {  	_ = 	snop  }
0x5: {  	_ = 	snop  }
0x6: {  	_ = 	snop  }
0x7: {  	_ = 	snop  }
__scs_overlays_trampoline_lowered:
0x8: {  	[smem:$0x3FAC] =	sst s0  }
0x9: {  	[smem:$0x3FAD] =	sst s1  }
0xa: {  	[smem:$0x3FAE] =	sst s2  }
0xb: {  	[smem:$0x3FAF] =	sst s3  }
0xc: {  	[smem:$0x3FB0] =	sst s4  }
0xd: {  	[smem:$0x3FB1] =	sst s5  }
0xe: {  	[smem:$0x3FB2] =	sst s6  }
0xf: {  	[smem:$0x3FB3] =	sst s7  }
0x10: {  	[smem:$0x3FB4] =	sst s8  }
0x11: {  	[smem:$0x3FB5] =	sst s9;
	s0 =	simm.s32 @!p0 $0x0  }
0x12: {  	s1 =	sld [smem:$0x3F9B];
	s0 =	simm.s32 @p0 $0x1  }
0x13: {  	[smem:$0x3FB6] =	sst s0;
	s0 =	simm.s32 @!p1 $0x0  }
0x14: {  	s2 =	sld [smem:$0x3F9A];
	s0 =	simm.s32 @p1 $0x1  }
0x15: {  	[smem:$0x3FB7] =	sst s0;
	s0 =	simm.s32 @!p2 $0x0  }
0x16: {  	s3 =	sld [smem:$0x3FDB];
	s0 =	simm.s32 @p2 $0x1  }
0x17: {  	s4 =	simm.s32 $0x1BF5;
	[smem:$0x3FB9] =	sst s0  }
0x18: {  	s0 =	sld [smem:$0x3F9C];
	_ =	swait.ge [sflag:s4], $0x0  }
0x19: {  	s7 =	sld [smem:$0x3F9D]  }
0x1a: {  	s8 =	sadd.s32 $0xFFFFE003, lr  }
0x1b: {  	s9 =	sadd.s32 $0xFFFFFEF7, lr;
	s5 =	simm.s32 $0xFFFFFFFF;
	p2 =	slt.u32 s8, $0xFFFFF086  }
0x1c: {  	p1 =	slt.u32 s9, $0xF7A;
	s5 =	simm.s32 @!p2 $0x0  }
0x1d: {  	s5 =	simm.s32 @p1 $0x1;
	p0 =	seq.s32 s7, s2  }
0x1e: {  	s7 =	smul.u32 @!p0 $0xF7A, s2;
	p2 =	seq.s32 @!p0 s5, $0x0  }
0x1f: {  	s9 =	smul.u32 $0xF7A, s1;
	s8 =	simm.s32 @!p0 $0x1BF5;
	p2 =	por !p2, p0  }
0x20: {  	[sflag:s8] =	ssyncset.s32 @!p0 $0xFFFFF086;
	s6 =	sadd.s32 @!p0 s3, s7;
	s7 =	simm.s32 @!p0 $0x108  }
0x21: {  	s3 =	sadd.s32 s3, s9;
	s6 =	sadd.s32 @!p0 $0x88, s6;
	s7 =	simm.s32 @p2 $0x1082  }
0x22: {  	[simem:s7], [sflag:s8] =	dma.local @!p0 [hbm:s6], $0xF7A  }
0x23: {  	s9 =	sor.u32 $0xD0000000, s2;
	s6 =	simm.s32 $0x108;
	_ =	swait.ge @!p0 [sflag:s8], $0x0  }
0x24: {  	s3 =	sadd.s32 $0x88, s3;
	s6 =	simm.s32 @!p1 $0x1082;
	[sflag:s4] =	ssyncset.s32 $0xFFFFF086  }
0x25: {  	[simem:s6], [sflag:s4] =	dma.local [hbm:s3], $0xF7A  }
0x26: {  	[smem:$0x3F9D] =	sst s1;
	(tag) =	ssettag s2;
	_ =	strace s9  }
0x27: {  	s1 =	sld [smem:$0x3FAD]  }
0x28: {  	s2 =	sld [smem:$0x3FAE]  }
0x29: {  	s4 =	sld [smem:$0x3FB0]  }
0x2a: {  	p0 =	seq.s32 s5, $0x0;
	s5 =	sld [smem:$0x3FB1]  }
0x2b: {  	s6 =	sld [smem:$0x3FB2]  }
0x2c: {  	s7 =	sld [smem:$0x3FB3]  }
0x2d: {  	s3 =	simm.s32 $0x108;
	s8 =	sld [smem:$0x3FB4]  }
0x2e: {  	s3 =	simm.s32 @!p0 $0x1082;
	s9 =	sld [smem:$0x3FB5]  }
0x2f: {  	lr =	sadd.s32 s0, s3;
	s0 =	sld [smem:$0x3FAC]  }
0x30: {  	s3 =	sld [smem:$0x3FAF]  }
0x31: {  	[smem:$0x3FB8] =	sst s10  }
0x32: {  	s10 =	sld [smem:$0x3FB6];
	_ =	sdelay $0x3  }
0x33: {  	p0 =	seq.s32 s10, $0x1;
	s10 =	sld [smem:$0x3FB8];
	_ =	sdelay $0x3  }
0x34: {  	[smem:$0x3FB8] =	sst s10  }
0x35: {  	s10 =	sld [smem:$0x3FB7];
	_ =	sdelay $0x3  }
0x36: {  	p1 =	seq.s32 s10, $0x1;
	s10 =	sld [smem:$0x3FB8];
	_ =	sdelay $0x3  }
0x37: {  	[smem:$0x3FB8] =	sst s10  }
0x38: {  	s10 =	sld [smem:$0x3FB9]  }
0x39: {  	_ = 	snop;
	(pc) =	sbr.ind lr, $3  }
0x3a: {  	_ = 	snop  }
0x3b: {  	_ = 	snop  }
0x3c: {  	p2 =	seq.s32 s10, $0x1;
	s10 =	sld [smem:$0x3FB8]  }
0x3d: {  	_ =	shalt  }
0x3e: {  	_ =	shalt  }
0x3f: {  	_ =	shalt  }
0x40: {  	_ =	shalt  }
0x41: {  	_ =	shalt  }
0x42: {  	_ =	shalt  }
0x43: {  	_ =	shalt  }
0x44: {  	_ =	shalt  }
0x45: {  	_ =	shalt  }
0x46: {  	_ =	shalt  }
0x47: {  	_ =	shalt  }
0x48: {  	_ =	shalt  }
0x49: {  	_ =	shalt  }
0x4a: {  	_ =	shalt  }
0x4b: {  	_ =	shalt  }
0x4c: {  	_ =	shalt  }
0x4d: {  	_ =	shalt  }
0x4e: {  	_ =	shalt  }
0x4f: {  	_ =	shalt  }
0x50: {  	_ =	shalt  }
0x51: {  	_ =	shalt  }
0x52: {  	_ =	shalt  }
0x53: {  	_ =	shalt  }
0x54: {  	_ =	shalt  }
0x55: {  	_ =	shalt  }
0x56: {  	_ =	shalt  }
0x57: {  	_ =	shalt  }
0x58: {  	_ =	shalt  }
0x59: {  	_ =	shalt  }
0x5a: {  	_ =	shalt  }
0x5b: {  	_ =	shalt  }
0x5c: {  	_ =	shalt  }
0x5d: {  	_ =	shalt  }
0x5e: {  	_ =	shalt  }
0x5f: {  	_ =	shalt  }
0x60: {  	_ =	shalt  }
0x61: {  	_ =	shalt  }
0x62: {  	_ =	shalt  }
0x63: {  	_ =	shalt  }
0x64: {  	_ =	shalt  }
0x65: {  	_ =	shalt  }
0x66: {  	_ =	shalt  }
0x67: {  	_ =	shalt  }
0x68: {  	_ =	shalt  }
0x69: {  	_ =	shalt  }
0x6a: {  	_ =	shalt  }
0x6b: {  	_ =	shalt  }
0x6c: {  	_ =	shalt  }
0x6d: {  	_ =	shalt  }
0x6e: {  	_ =	shalt  }
0x6f: {  	_ =	shalt  }
0x70: {  	_ =	shalt  }
0x71: {  	_ =	shalt  }
0x72: {  	_ =	shalt  }
0x73: {  	_ =	shalt  }
0x74: {  	_ =	shalt  }
0x75: {  	_ =	shalt  }
0x76: {  	_ =	shalt  }
0x77: {  	_ =	shalt  }
0x78: {  	_ =	shalt  }
0x79: {  	_ =	shalt  }
0x7a: {  	_ =	shalt  }
0x7b: {  	_ =	shalt  }
0x7c: {  	_ =	shalt  }
0x7d: {  	_ =	shalt  }
0x7e: {  	_ =	shalt  }
0x7f: {  	_ =	shalt  }
0x80: {  	_ =	shalt  }
0x81: {  	_ =	shalt  }
0x82: {  	_ =	shalt  }
0x83: {  	_ =	shalt  }
0x84: {  	_ =	shalt  }
0x85: {  	_ =	shalt  }
0x86: {  	_ =	shalt  }
0x87: {  	_ =	shalt  }
.Lfunc_end0:
.L_simem_size_0:
called_computation_lowered:
.L_overlay_start_0:
0x88: {  	s2 =	sld [smem:$0x3FD9]  }
0x89: {  	s3 =	sld [smem:$0x3FFE];
	_ =	sdelay $0x1  }
0x8a: {  	s1 =	srdreg.scid  }
0x8b: {  	s0 =	sand.u32 $0x1, s1  }
0x8c: {  	s16 =	sshll.u32 s0, $0xA;
	s2 =	sadd.s32 s3, s2  }
0x8d: {  	s2 =	sadd.s32 s2, s16  }
0x8e: {  	[smem:$0x3FC4] =	sst s2  }
0x8f: {  	_ = 	snop  }
0x90: {  	(tm) =	ssettm $0x1  }
0x91: {  	s17 =	sld [smem:$0x3FFB];
	_ =	sdelay $0x3  }
0x92: {  	_ =	strace s17  }
0x93: {  	s2 =	sld [smem:$0x3FFC];
	_ =	sdelay $0x3  }
0x94: {  	_ =	strace s2  }
0x95: {  	s2 =	sld [smem:$0x3FFD];
	_ =	sdelay $0x3  }
0x96: {  	_ =	strace s2  }
0x97: {  	_ =	strace $0x8FFFFFFF  }
0x98: {  	s18 =	sld [smem:$0x3FDB];
	_ =	sdelay $0x1  }
0x99: {  	s19 =	simm.s32 $_scs_section_size  }
0x9a: {  	s4 =	simm.s32 $_size__tile_overlayer_lowered;
	s5 =	simm.s32 $_tile_overlayer_lowered  }
0x9b: {  	s22 =	simm.s32 $0x1BFF;
	s21 =	sshll.u32 s5, $0x1;
	s2 =	sadd.s32 s19, s18  }
0x9c: {  	s6 =	simm.s32 $0x0;
	s20 =	sshll.u32 s4, $0x1;
	s4 =	sadd.s32 s21, s2  }
0x9d: {  	[timem:s6], [sflag:s22] =	dma.local [hbm:s4], s20  }
0x9e: {  	_ =	swait.ge [sflag:s22], s20  }
0x9f: {  	s3 =	ssub.s32 $0x0, s20;
	[sflag:s22] =	ssyncset.done $0x0  }
0xa0: {  	[sflag:s22] =	ssyncadd.s32 s3;
	_ =	sdelay $0x1  }
0xa1: {  	s23 =	simm.s32 $0x1B8B  }
0xa2: {  	_ =	swait.ge [sflag:s23], $0x1  }
0xa3: {  	[sflag:s23] =	ssyncset.done $0x0  }
0xa4: {  	s25 =	simm.s32 $0x1B8E;
	s24 =	sld [smem:$0x3FFE];
	[sflag:s23] =	ssyncadd.s32 $0xFFFFFFFF  }
0xa5: {  	s26 =	simm.s32 $execute0_lowered;
	[smem:$0x3FD2] =	sst s25  }
0xa6: {  	s4 =	sshll.u32 s26, $0x1;
	_ =	strace $0x80000046;
	[dreg:$0x1] =	wrdreg $0xFFFFFFFF  }
0xa7: {  	s28 =	simm.s32 $_size_execute0_lowered;
	s2 =	sadd.s32 s2, s4;
	[dreg:$0x0] =	wrdreg $0x0  }
0xa8: {  	s4 =	sshll.u32 s28, $0x1;
	[dreg:$0x2] =	wrdreg s2  }
0xa9: {  	[dreg:$0x3] =	wrdreg s4  }
0xaa: {  	[dreg:$0x4] =	wrdreg $0xC0  }
0xab: {  	_ =	task [dreg:s6], $0x5FFFF  }
0xac: {  	[dreg:$0x1] =	wrdreg $0xFFFFFFFF  }
0xad: {  	[dreg:$0x0] =	wrdreg $0x60  }
0xae: {  	[dreg:$0x2] =	wrdreg s24  }
0xaf: {  	[dreg:$0x3] =	wrdreg $0x9  }
0xb0: {  	_ =	task.clear_ibuf [dreg:s6], $0x4FFFF;
	_ =	strace $0x90000046  }
0xb1: {  	s29 =	simm.s32 $0x9;
	_ =	strace $0x80000048  }
0xb2: {  	_ =	swait.ge [sflag:s29], $0x1  }
0xb3: {  	[sflag:s29] =	ssyncadd.s32 $0xFFFFFFFF  }
0xb4: {  	_ =	strace $0x90000048  }
0xb5: {  	_ =	sfence  }
0xb6: {  	s30 =	sld [smem:$0x0];
	_ =	sdelay $0x2  }
0xb7: {  	s31 =	sshll.u32 s1, $0xD;
	s1 =	sshrl.u32 s1, $0x2  }
0xb8: {  	s3 =	sand.u32 $0x4000, s31;
	s1 =	sadd.s32 s1, s30  }
0xb9: {  	s0 =	sor.u32 s3, s0;
	s1 =	sshll.u32 s1, $0x11  }
0xba: {  	s0 =	sor.u32 s1, s0  }
0xbb: {  	s0 =	sadd.s32 $0x8F2B, s0  }
0xbc: {  	[sflag:s0] =	ssyncadd.remote.s32 $0x1  }
0xbd: {  	_ =	sfence.sel $0xFFFF  }
0xbe: {  	[dreg:$0x0] =	wrdreg $0xFFFFFFFF;
	(pc) =	sbr.abs _section_cstart, $3  }
0xbf: {  	[dreg:$0x1] =	wrdreg $0xFFFFFFFF  }
0xc0: {  	_ =	task.clear_ibuf [dreg:s6], $0x2FFFF;
	_ =	strace $0x9FFFFFFF  }
0xc1: {  	(tm) =	ssettm $0x7FFFFFFF  }
tec
execute0_lowered:
.L_overlay_start_1:
0x0: {  	(tag) =	ssettag $0x1  }
0x1: {  	s0 =	srdreg.scid  }
0x2: {  	s6 =	stileid.u32;
	s2 =	rddreg [dreg:$0x0];
	s8 =	simm.s32 $0x0  }
0x3: {  	s0 =	sand.u32 $0x1, s0;
	s1 =	sshll.u32 s6, $0x1;
	[smem:$0x7FF] =	sst s8  }
0x4: {  	s3 =	sadd.s32 $0x187600, s2;
	s6 =	smul.u32 $0x1900, s6;
	s1 =	sor.u32 s0, s1  }
0x5: {  	_ =	strace $0x80000047;
	s5 =	ssub.s32 $0x2, s0;
	s0 =	smul.u32 $0xC80, s0  }
0x6: {  	s4 =	smul.u32 $0xC80, s1;
	s1 =	sshll.u32 s1, $0x9;
	s7 =	sshrl.u32 s5, $0x1  }
0x7: {  	s1 =	sadd.s32 s1, s2;
	s20 =	ssub.s32 s5, s7;
	s7 =	sadd.s32 s0, s6  }
0x8: {  	s5 =	simm.s32 $0x1;
	s6 =	simm.s32 $0x0;
	s4 =	sshrl.u32 s4, $0x3  }
0x9: {  	s1 =	sadd.s32 $0x27EC00, s1;
	s21 =	smax.u32 s20, $0x1;
	s0 =	sadd.s32 $0x80, s7  }
0xa: {  	s22 =	sadd.s32 $0x100, s7;
	s23 =	sadd.s32 $0x180, s7;
	s24 =	sadd.s32 $0x200, s7  }
0xb: {  	s25 =	sadd.s32 $0x280, s7;
	s26 =	sadd.s32 $0x300, s7;
	[dreg:$0x3] =	wrdreg s1  }
0xc: {  	s14 =	sadd.s32 $0x380, s7;
	s15 =	sadd.s32 $0x400, s7;
	[dreg:$0x4] =	wrdreg s21  }
0xd: {  	s16 =	sadd.s32 $0x480, s7;
	s17 =	sadd.s32 $0x500, s7;
	[dreg:$0x5] =	wrdreg s0  }
0xe: {  	s18 =	sadd.s32 $0x580, s7;
	s19 =	sadd.s32 $0x600, s7;
	[dreg:$0x6] =	wrdreg s22  }
0xf: {  	s20 =	sadd.s32 $0x680, s7;
	s28 =	sadd.s32 $0xA00, s7;
	[dreg:$0x7] =	wrdreg s23  }
0x10: {  	s29 =	sadd.s32 $0xA80, s7;
	s30 =	sadd.s32 $0xB00, s7;
	[dreg:$0x8] =	wrdreg s24  }
0x11: {  	s31 =	sadd.s32 $0xB80, s7;
	s4 =	sadd.s32 s4, s2;
	[dreg:$0x9] =	wrdreg s25  }
0x12: {  	[dreg:$0xa] =	wrdreg s26;
	s21 =	sadd.s32 $0x700, s7;
	s22 =	sadd.s32 $0x780, s7  }
0x13: {  	s23 =	sadd.s32 $0x800, s7;
	s24 =	sadd.s32 $0x880, s7;
	s25 =	sadd.s32 $0x900, s7  }
0x14: {  	v0 =	vlaneseq.u32;
	s26 =	sadd.s32 $0x980, s7;
	s1 =	sadd.s32 $0xC00, s7;
	s4 =	sadd.s32 $0x27BA00, s4  }
0x15: {  	v0 =	vmul.u32 $0x50, v0;
	s0 =	simm.s32 $0x2;
	s2 =	simm.s32 $0x80;
	[dreg:$0x2] =	wrdreg s4  }
.LBB2_1:
0x16: {  	s4 =	rddreg [dreg:$0x2]  }
0x17: {  	[tilespmem:s8], [sflag:$0x2] =	stream.linear.gather [hbm4b:s4+s8], $0xC80, $0x38;
	[tilespmem:$0x2C80] =	vst v63  }
0x18: {  	_ =	swait.ge [sflag:s0], $0xC80  }
0x19: {  	[sflag:s0] =	ssyncset.done $0x0  }
0x1a: {  	s4 =	simm.s32 $0x0;
	[sflag:s0] =	ssyncadd.s32 $0xFFFFF380  }
0x1b: {  	v1 =	vld [tilespmem:s4+$0x0];
	_ =	sdelay $0x2  }
0x1c: {  	v2 =	vmov s7  }
0x1d: {  	v2 =	vmul.u32 $0x50, v2  }
0x1e: {  	vm0 =	vgt.s32 v1, $0x0  }
0x1f: {  	v2 =	vbroadcast v2, $0x0;
	v1 =	vnsel vm0, $0x0, v1  }
0x20: {  	v1 =	vmin.u32 v1, $0x4F  }
0x21: {  	s8 =	simm.s32 $0x10;
	v1 =	vadd.s32 v1, v2  }
0x22: {  	v2 =	vadd.s32 v0, v1;
	v1 =	vld [tilespmem:s8+$0x0];
	_ =	sdelay $0x1  }
0x23: {  	s9 =	sadd.s32 $0x10, s7  }
0x24: {  	v3 =	vmov s9  }
0x25: {  	s10 =	simm.s32 $0x80;
	v3 =	vmul.u32 $0x50, v3;
	vm0 =	vlt.s32 v2, $0x7A11FF  }
.LBB2_2:
0x26: {  	s11 =	sshra.s32 s10, $0x2;
	p0 =	sne.s32 s10, $0x1C0;
	s10 =	sadd.s32 $0x40, s10;
	vm1 =	vgt.s32 v1, $0x0;
	v2 =	vnsel vm0, $0x7A11FF, v2  }
.Ltmp0:
0x27: {  	v4 =	vnsel vm1, $0x0, v1;
	v1 =	vld [tilespmem:s11+$0x0];
	v3 =	vbroadcast v3, $0x0;
	[tilespmem:s4+$0xC80] =	vst v2;
	s4 =	smov.u32 s8;
	(pc) =	sbr.rel @p0 .LBB2_2-.Ltmp0, $4  }
0x28: {  	s8 =	smov.u32 s11;
	v2 =	vmin.u32 v4, $0x4F  }
0x29: {  	s9 =	sadd.s32 $0x10, s9;
	v2 =	vadd.s32 v2, v3  }
0x2a: {  	v3 =	vmov s9;
	v2 =	vadd.s32 v0, v2  }
0x2b: {  	v3 =	vmul.u32 $0x50, v3;
	vm0 =	vlt.s32 v2, $0x7A11FF  }
0x2c: {  	vm1 =	vgt.s32 v1, $0x0  }
0x2d: {  	v1 =	vnsel vm1, $0x0, v1;
	v3 =	vbroadcast v3, $0x0  }
0x2e: {  	v1 =	vmin.u32 v1, $0x4F  }
0x2f: {  	v1 =	vadd.s32 v1, v3  }
0x30: {  	v1 =	vadd.s32 v0, v1  }
0x31: {  	v2 =	vnsel vm0, $0x7A11FF, v2;
	vm0 =	vlt.s32 v1, $0x7A11FF  }
0x32: {  	[tilespmem:s4+$0xC80] =	vst v2;
	v1 =	vnsel vm0, $0x7A11FF, v1  }
0x33: {  	s4 =	simm.s32 $0x0;
	[tilespmem:s8+$0xC80] =	vst v1  }
0x34: {  	v1 =	vld [tilespmem:s4+$0x80];
	_ =	sdelay $0x1  }
0x35: {  	s13 =	rddreg [dreg:$0x5]  }
0x36: {  	v2 =	vmov s13  }
0x37: {  	v2 =	vmul.u32 $0x50, v2  }
0x38: {  	vm0 =	vgt.s32 v1, $0x0  }
0x39: {  	v2 =	vbroadcast v2, $0x0;
	v1 =	vnsel vm0, $0x0, v1  }
0x3a: {  	v1 =	vmin.u32 v1, $0x4F  }
0x3b: {  	s8 =	simm.s32 $0x10;
	v1 =	vadd.s32 v1, v2  }
0x3c: {  	v2 =	vadd.s32 v0, v1;
	v1 =	vld [tilespmem:s8+$0x80];
	_ =	sdelay $0x1  }
0x3d: {  	s11 =	sadd.s32 $0x10, s13  }
0x3e: {  	v3 =	vmov s11  }
0x3f: {  	s12 =	simm.s32 $0x80;
	s10 =	simm.s32 $0x0;
	s9 =	simm.s32 $0x10;
	v3 =	vmul.u32 $0x50, v3;
	vm0 =	vlt.s32 v2, $0x7A11FF  }
.LBB2_4:
0x40: {  	s13 =	sshra.s32 s12, $0x2;
	p0 =	sne.s32 s12, $0x1C0;
	s12 =	sadd.s32 $0x40, s12;
	vm1 =	vgt.s32 v1, $0x0;
	v2 =	vnsel vm0, $0x7A11FF, v2  }
.Ltmp1:
0x41: {  	v4 =	vnsel vm1, $0x0, v1;
	v1 =	vld [tilespmem:s13+$0x80];
	v3 =	vbroadcast v3, $0x0;
	[tilespmem:s10+$0xD00] =	vst v2;
	s10 =	smov.u32 s9;
	s9 =	smov.u32 s13;
	(pc) =	sbr.rel @p0 .LBB2_4-.Ltmp1, $4  }
0x42: {  	v2 =	vmin.u32 v4, $0x4F  }
0x43: {  	s11 =	sadd.s32 $0x10, s11;
	v2 =	vadd.s32 v2, v3  }
0x44: {  	v3 =	vmov s11;
	v2 =	vadd.s32 v0, v2  }
0x45: {  	v3 =	vmul.u32 $0x50, v3;
	vm0 =	vlt.s32 v2, $0x7A11FF  }
0x46: {  	vm1 =	vgt.s32 v1, $0x0  }
0x47: {  	v1 =	vnsel vm1, $0x0, v1;
	v3 =	vbroadcast v3, $0x0  }
0x48: {  	v1 =	vmin.u32 v1, $0x4F  }
0x49: {  	v1 =	vadd.s32 v1, v3  }
0x4a: {  	v1 =	vadd.s32 v0, v1  }
0x4b: {  	v2 =	vnsel vm0, $0x7A11FF, v2;
	vm0 =	vlt.s32 v1, $0x7A11FF  }
0x4c: {  	[tilespmem:s10+$0xD00] =	vst v2;
	v1 =	vnsel vm0, $0x7A11FF, v1  }
0x4d: {  	[tilespmem:s9+$0xD00] =	vst v1  }
0x4e: {  	v1 =	vld [tilespmem:s4+$0x100];
	_ =	sdelay $0x1  }
0x4f: {  	s13 =	rddreg [dreg:$0x6]  }
0x50: {  	v2 =	vmov s13  }
0x51: {  	v2 =	vmul.u32 $0x50, v2  }
0x52: {  	vm0 =	vgt.s32 v1, $0x0  }
0x53: {  	v2 =	vbroadcast v2, $0x0;
	v1 =	vnsel vm0, $0x0, v1  }
0x54: {  	v1 =	vmin.u32 v1, $0x4F  }
0x55: {  	v1 =	vadd.s32 v1, v2  }
0x56: {  	v2 =	vadd.s32 v0, v1;
	v1 =	vld [tilespmem:s8+$0x100];
	_ =	sdelay $0x1  }
0x57: {  	s9 =	sadd.s32 $0x10, s13  }
0x58: {  	v3 =	vmov s9  }
0x59: {  	s10 =	simm.s32 $0x80;
	v3 =	vmul.u32 $0x50, v3;
	vm0 =	vlt.s32 v2, $0x7A11FF  }
.LBB2_6:
0x5a: {  	s11 =	sshra.s32 s10, $0x2;
	p0 =	sne.s32 s10, $0x1C0;
	s10 =	sadd.s32 $0x40, s10;
	vm1 =	vgt.s32 v1, $0x0;
	v2 =	vnsel vm0, $0x7A11FF, v2  }
.Ltmp2:
0x5b: {  	v4 =	vnsel vm1, $0x0, v1;
	v1 =	vld [tilespmem:s11+$0x100];
	v3 =	vbroadcast v3, $0x0;
	[tilespmem:s4+$0xD80] =	vst v2;
	s4 =	smov.u32 s8;
	(pc) =	sbr.rel @p0 .LBB2_6-.Ltmp2, $4  }
0x5c: {  	s8 =	smov.u32 s11;
	v2 =	vmin.u32 v4, $0x4F  }
0x5d: {  	s9 =	sadd.s32 $0x10, s9;
	v2 =	vadd.s32 v2, v3  }
0x5e: {  	v3 =	vmov s9;
	v2 =	vadd.s32 v0, v2  }
0x5f: {  	v3 =	vmul.u32 $0x50, v3;
	vm0 =	vlt.s32 v2, $0x7A11FF  }
0x60: {  	vm1 =	vgt.s32 v1, $0x0  }
0x61: {  	v1 =	vnsel vm1, $0x0, v1;
	v3 =	vbroadcast v3, $0x0  }
0x62: {  	v1 =	vmin.u32 v1, $0x4F  }
0x63: {  	v1 =	vadd.s32 v1, v3  }
0x64: {  	v1 =	vadd.s32 v0, v1  }
0x65: {  	v2 =	vnsel vm0, $0x7A11FF, v2;
	vm0 =	vlt.s32 v1, $0x7A11FF  }
0x66: {  	[tilespmem:s4+$0xD80] =	vst v2;
	v1 =	vnsel vm0, $0x7A11FF, v1  }
0x67: {  	s4 =	simm.s32 $0x0;
	[tilespmem:s8+$0xD80] =	vst v1  }
0x68: {  	v1 =	vld [tilespmem:s4+$0x180];
	_ =	sdelay $0x1  }
0x69: {  	s13 =	rddreg [dreg:$0x7]  }
0x6a: {  	v2 =	vmov s13  }
0x6b: {  	v2 =	vmul.u32 $0x50, v2  }
0x6c: {  	vm0 =	vgt.s32 v1, $0x0  }
0x6d: {  	v2 =	vbroadcast v2, $0x0;
	v1 =	vnsel vm0, $0x0, v1  }
0x6e: {  	v1 =	vmin.u32 v1, $0x4F  }
0x6f: {  	s8 =	simm.s32 $0x10;
	v1 =	vadd.s32 v1, v2  }
0x70: {  	v2 =	vadd.s32 v0, v1;
	v1 =	vld [tilespmem:s8+$0x180];
	_ =	sdelay $0x1  }
0x71: {  	s11 =	sadd.s32 $0x10, s13  }
0x72: {  	v3 =	vmov s11  }
0x73: {  	s12 =	simm.s32 $0x80;
	s10 =	simm.s32 $0x0;
	s9 =	simm.s32 $0x10;
	v3 =	vmul.u32 $0x50, v3;
	vm0 =	vlt.s32 v2, $0x7A11FF  }
.LBB2_8:
0x74: {  	s13 =	sshra.s32 s12, $0x2;
	p0 =	sne.s32 s12, $0x1C0;
	s12 =	sadd.s32 $0x40, s12;
	vm1 =	vgt.s32 v1, $0x0;
	v2 =	vnsel vm0, $0x7A11FF, v2  }
.Ltmp3:
0x75: {  	v4 =	vnsel vm1, $0x0, v1;
	v1 =	vld [tilespmem:s13+$0x180];
	v3 =	vbroadcast v3, $0x0;
	[tilespmem:s10+$0xE00] =	vst v2;
	s10 =	smov.u32 s9;
	s9 =	smov.u32 s13;
	(pc) =	sbr.rel @p0 .LBB2_8-.Ltmp3, $4  }
0x76: {  	v2 =	vmin.u32 v4, $0x4F  }
0x77: {  	s11 =	sadd.s32 $0x10, s11;
	v2 =	vadd.s32 v2, v3  }
0x78: {  	v3 =	vmov s11;
	v2 =	vadd.s32 v0, v2  }
0x79: {  	v3 =	vmul.u32 $0x50, v3;
	vm0 =	vlt.s32 v2, $0x7A11FF  }
0x7a: {  	vm1 =	vgt.s32 v1, $0x0  }
0x7b: {  	v1 =	vnsel vm1, $0x0, v1;
	v3 =	vbroadcast v3, $0x0  }
0x7c: {  	v1 =	vmin.u32 v1, $0x4F  }
0x7d: {  	v1 =	vadd.s32 v1, v3  }
0x7e: {  	v1 =	vadd.s32 v0, v1  }
0x7f: {  	v2 =	vnsel vm0, $0x7A11FF, v2;
	vm0 =	vlt.s32 v1, $0x7A11FF  }
0x80: {  	[tilespmem:s10+$0xE00] =	vst v2;
	v1 =	vnsel vm0, $0x7A11FF, v1  }
0x81: {  	[tilespmem:s9+$0xE00] =	vst v1  }
0x82: {  	v1 =	vld [tilespmem:s4+$0x200];
	_ =	sdelay $0x1  }
0x83: {  	s13 =	rddreg [dreg:$0x8]  }
0x84: {  	v2 =	vmov s13  }
0x85: {  	v2 =	vmul.u32 $0x50, v2  }
0x86: {  	vm0 =	vgt.s32 v1, $0x0  }
0x87: {  	v2 =	vbroadcast v2, $0x0;
	v1 =	vnsel vm0, $0x0, v1  }
0x88: {  	v1 =	vmin.u32 v1, $0x4F  }
0x89: {  	v1 =	vadd.s32 v1, v2  }
0x8a: {  	v2 =	vadd.s32 v0, v1;
	v1 =	vld [tilespmem:s8+$0x200];
	_ =	sdelay $0x1  }
0x8b: {  	s9 =	sadd.s32 $0x10, s13  }
0x8c: {  	v3 =	vmov s9  }
0x8d: {  	s10 =	simm.s32 $0x80;
	v3 =	vmul.u32 $0x50, v3;
	vm0 =	vlt.s32 v2, $0x7A11FF  }
.LBB2_10:
0x8e: {  	s11 =	sshra.s32 s10, $0x2;
	p0 =	sne.s32 s10, $0x1C0;
	s10 =	sadd.s32 $0x40, s10;
	vm1 =	vgt.s32 v1, $0x0;
	v2 =	vnsel vm0, $0x7A11FF, v2  }
.Ltmp4:
0x8f: {  	v4 =	vnsel vm1, $0x0, v1;
	v1 =	vld [tilespmem:s11+$0x200];
	v3 =	vbroadcast v3, $0x0;
	[tilespmem:s4+$0xE80] =	vst v2;
	s4 =	smov.u32 s8;
	(pc) =	sbr.rel @p0 .LBB2_10-.Ltmp4, $4  }
0x90: {  	s8 =	smov.u32 s11;
	v2 =	vmin.u32 v4, $0x4F  }
0x91: {  	s9 =	sadd.s32 $0x10, s9;
	v2 =	vadd.s32 v2, v3  }
0x92: {  	v3 =	vmov s9;
	v2 =	vadd.s32 v0, v2  }
0x93: {  	v3 =	vmul.u32 $0x50, v3;
	vm0 =	vlt.s32 v2, $0x7A11FF  }
0x94: {  	vm1 =	vgt.s32 v1, $0x0  }
0x95: {  	v1 =	vnsel vm1, $0x0, v1;
	v3 =	vbroadcast v3, $0x0  }
0x96: {  	v1 =	vmin.u32 v1, $0x4F  }
0x97: {  	v1 =	vadd.s32 v1, v3  }
0x98: {  	v1 =	vadd.s32 v0, v1  }
0x99: {  	v2 =	vnsel vm0, $0x7A11FF, v2;
	vm0 =	vlt.s32 v1, $0x7A11FF  }
0x9a: {  	[tilespmem:s4+$0xE80] =	vst v2;
	v1 =	vnsel vm0, $0x7A11FF, v1  }
0x9b: {  	s4 =	simm.s32 $0x0;
	[tilespmem:s8+$0xE80] =	vst v1  }
0x9c: {  	v1 =	vld [tilespmem:s4+$0x280];
	_ =	sdelay $0x1  }
0x9d: {  	s13 =	rddreg [dreg:$0x9]  }
0x9e: {  	v2 =	vmov s13  }
0x9f: {  	v2 =	vmul.u32 $0x50, v2  }
0xa0: {  	vm0 =	vgt.s32 v1, $0x0  }
0xa1: {  	v2 =	vbroadcast v2, $0x0;
	v1 =	vnsel vm0, $0x0, v1  }
0xa2: {  	v1 =	vmin.u32 v1, $0x4F  }
0xa3: {  	s8 =	simm.s32 $0x10;
	v1 =	vadd.s32 v1, v2  }
0xa4: {  	v2 =	vadd.s32 v0, v1;
	v1 =	vld [tilespmem:s8+$0x280];
	_ =	sdelay $0x1  }
0xa5: {  	s11 =	sadd.s32 $0x10, s13  }
0xa6: {  	v3 =	vmov s11  }
0xa7: {  	s12 =	simm.s32 $0x80;
	s10 =	simm.s32 $0x0;
	s9 =	simm.s32 $0x10;
	v3 =	vmul.u32 $0x50, v3;
	vm0 =	vlt.s32 v2, $0x7A11FF  }
.LBB2_12:
0xa8: {  	s13 =	sshra.s32 s12, $0x2;
	p0 =	sne.s32 s12, $0x1C0;
	s12 =	sadd.s32 $0x40, s12;
	vm1 =	vgt.s32 v1, $0x0;
	v2 =	vnsel vm0, $0x7A11FF, v2  }
.Ltmp5:
0xa9: {  	v4 =	vnsel vm1, $0x0, v1;
	v1 =	vld [tilespmem:s13+$0x280];
	v3 =	vbroadcast v3, $0x0;
	[tilespmem:s10+$0xF00] =	vst v2;
	s10 =	smov.u32 s9;
	s9 =	smov.u32 s13;
	(pc) =	sbr.rel @p0 .LBB2_12-.Ltmp5, $4  }
0xaa: {  	v2 =	vmin.u32 v4, $0x4F  }
0xab: {  	s11 =	sadd.s32 $0x10, s11;
	v2 =	vadd.s32 v2, v3  }
0xac: {  	v3 =	vmov s11;
	v2 =	vadd.s32 v0, v2  }
0xad: {  	v3 =	vmul.u32 $0x50, v3;
	vm0 =	vlt.s32 v2, $0x7A11FF  }
0xae: {  	vm1 =	vgt.s32 v1, $0x0  }
0xaf: {  	v1 =	vnsel vm1, $0x0, v1;
	v3 =	vbroadcast v3, $0x0  }
0xb0: {  	v1 =	vmin.u32 v1, $0x4F  }
0xb1: {  	v1 =	vadd.s32 v1, v3  }
0xb2: {  	v1 =	vadd.s32 v0, v1  }
0xb3: {  	v2 =	vnsel vm0, $0x7A11FF, v2;
	vm0 =	vlt.s32 v1, $0x7A11FF  }
0xb4: {  	[tilespmem:s10+$0xF00] =	vst v2;
	v1 =	vnsel vm0, $0x7A11FF, v1  }
0xb5: {  	[tilespmem:s9+$0xF00] =	vst v1  }
0xb6: {  	v1 =	vld [tilespmem:s4+$0x300];
	_ =	sdelay $0x1  }
0xb7: {  	s13 =	rddreg [dreg:$0xa]  }
0xb8: {  	v2 =	vmov s13  }
0xb9: {  	v2 =	vmul.u32 $0x50, v2  }
0xba: {  	vm0 =	vgt.s32 v1, $0x0  }
0xbb: {  	v2 =	vbroadcast v2, $0x0;
	v1 =	vnsel vm0, $0x0, v1  }
0xbc: {  	v1 =	vmin.u32 v1, $0x4F  }
0xbd: {  	v1 =	vadd.s32 v1, v2  }
0xbe: {  	v2 =	vadd.s32 v0, v1;
	v1 =	vld [tilespmem:s8+$0x300];
	_ =	sdelay $0x1  }
0xbf: {  	s9 =	sadd.s32 $0x10, s13  }
0xc0: {  	v3 =	vmov s9  }
0xc1: {  	s10 =	simm.s32 $0x80;
	v3 =	vmul.u32 $0x50, v3;
	vm0 =	vlt.s32 v2, $0x7A11FF  }
.LBB2_14:
0xc2: {  	s11 =	sshra.s32 s10, $0x2;
	p0 =	sne.s32 s10, $0x1C0;
	s10 =	sadd.s32 $0x40, s10;
	vm1 =	vgt.s32 v1, $0x0;
	v2 =	vnsel vm0, $0x7A11FF, v2  }
.Ltmp6:
0xc3: {  	v4 =	vnsel vm1, $0x0, v1;
	v1 =	vld [tilespmem:s11+$0x300];
	v3 =	vbroadcast v3, $0x0;
	[tilespmem:s4+$0xF80] =	vst v2;
	s4 =	smov.u32 s8;
	(pc) =	sbr.rel @p0 .LBB2_14-.Ltmp6, $4  }
0xc4: {  	s8 =	smov.u32 s11;
	v2 =	vmin.u32 v4, $0x4F  }
0xc5: {  	s9 =	sadd.s32 $0x10, s9;
	v2 =	vadd.s32 v2, v3  }
0xc6: {  	v3 =	vmov s9;
	v2 =	vadd.s32 v0, v2  }
0xc7: {  	v3 =	vmul.u32 $0x50, v3;
	vm0 =	vlt.s32 v2, $0x7A11FF  }
0xc8: {  	vm1 =	vgt.s32 v1, $0x0  }
0xc9: {  	v1 =	vnsel vm1, $0x0, v1;
	v3 =	vbroadcast v3, $0x0  }
0xca: {  	v1 =	vmin.u32 v1, $0x4F  }
0xcb: {  	v1 =	vadd.s32 v1, v3  }
0xcc: {  	v1 =	vadd.s32 v0, v1  }
0xcd: {  	v2 =	vnsel vm0, $0x7A11FF, v2;
	vm0 =	vlt.s32 v1, $0x7A11FF  }
0xce: {  	[tilespmem:s4+$0xF80] =	vst v2;
	v1 =	vnsel vm0, $0x7A11FF, v1  }
0xcf: {  	s4 =	simm.s32 $0x0;
	[tilespmem:s8+$0xF80] =	vst v1  }
0xd0: {  	v1 =	vld [tilespmem:s4+$0x380];
	_ =	sdelay $0x2  }
0xd1: {  	v2 =	vmov s14  }
0xd2: {  	v2 =	vmul.u32 $0x50, v2  }
0xd3: {  	vm0 =	vgt.s32 v1, $0x0  }
0xd4: {  	v2 =	vbroadcast v2, $0x0;
	v1 =	vnsel vm0, $0x0, v1  }
0xd5: {  	v1 =	vmin.u32 v1, $0x4F  }
0xd6: {  	s8 =	simm.s32 $0x10;
	v1 =	vadd.s32 v1, v2  }
0xd7: {  	v2 =	vadd.s32 v0, v1;
	v1 =	vld [tilespmem:s8+$0x380];
	_ =	sdelay $0x1  }
0xd8: {  	s11 =	sadd.s32 $0x10, s14  }
0xd9: {  	v3 =	vmov s11  }
0xda: {  	s12 =	simm.s32 $0x80;
	s10 =	simm.s32 $0x0;
	s9 =	simm.s32 $0x10;
	v3 =	vmul.u32 $0x50, v3;
	vm0 =	vlt.s32 v2, $0x7A11FF  }
.LBB2_16:
0xdb: {  	s13 =	sshra.s32 s12, $0x2;
	p0 =	sne.s32 s12, $0x1C0;
	s12 =	sadd.s32 $0x40, s12;
	vm1 =	vgt.s32 v1, $0x0;
	v2 =	vnsel vm0, $0x7A11FF, v2  }
.Ltmp7:
0xdc: {  	v4 =	vnsel vm1, $0x0, v1;
	v1 =	vld [tilespmem:s13+$0x380];
	v3 =	vbroadcast v3, $0x0;
	[tilespmem:s10+$0x1000] =	vst v2;
	s10 =	smov.u32 s9;
	s9 =	smov.u32 s13;
	(pc) =	sbr.rel @p0 .LBB2_16-.Ltmp7, $4  }
0xdd: {  	v2 =	vmin.u32 v4, $0x4F  }
0xde: {  	s11 =	sadd.s32 $0x10, s11;
	v2 =	vadd.s32 v2, v3  }
0xdf: {  	v3 =	vmov s11;
	v2 =	vadd.s32 v0, v2  }
0xe0: {  	v3 =	vmul.u32 $0x50, v3;
	vm0 =	vlt.s32 v2, $0x7A11FF  }
0xe1: {  	vm1 =	vgt.s32 v1, $0x0  }
0xe2: {  	v1 =	vnsel vm1, $0x0, v1;
	v3 =	vbroadcast v3, $0x0  }
0xe3: {  	v1 =	vmin.u32 v1, $0x4F  }
0xe4: {  	v1 =	vadd.s32 v1, v3  }
0xe5: {  	v1 =	vadd.s32 v0, v1  }
0xe6: {  	v2 =	vnsel vm0, $0x7A11FF, v2;
	vm0 =	vlt.s32 v1, $0x7A11FF  }
0xe7: {  	[tilespmem:s10+$0x1000] =	vst v2;
	v1 =	vnsel vm0, $0x7A11FF, v1  }
0xe8: {  	[tilespmem:s9+$0x1000] =	vst v1  }
0xe9: {  	v1 =	vld [tilespmem:s4+$0x400];
	_ =	sdelay $0x2  }
0xea: {  	v2 =	vmov s15  }
0xeb: {  	v2 =	vmul.u32 $0x50, v2  }
0xec: {  	vm0 =	vgt.s32 v1, $0x0  }
0xed: {  	v2 =	vbroadcast v2, $0x0;
	v1 =	vnsel vm0, $0x0, v1  }
0xee: {  	v1 =	vmin.u32 v1, $0x4F  }
0xef: {  	v1 =	vadd.s32 v1, v2  }
0xf0: {  	v2 =	vadd.s32 v0, v1;
	v1 =	vld [tilespmem:s8+$0x400];
	_ =	sdelay $0x1  }
0xf1: {  	s9 =	sadd.s32 $0x10, s15  }
0xf2: {  	v3 =	vmov s9  }
0xf3: {  	s10 =	simm.s32 $0x80;
	v3 =	vmul.u32 $0x50, v3;
	vm0 =	vlt.s32 v2, $0x7A11FF  }
.LBB2_18:
0xf4: {  	s11 =	sshra.s32 s10, $0x2;
	p0 =	sne.s32 s10, $0x1C0;
	s10 =	sadd.s32 $0x40, s10;
	vm1 =	vgt.s32 v1, $0x0;
	v2 =	vnsel vm0, $0x7A11FF, v2  }
.Ltmp8:
0xf5: {  	v4 =	vnsel vm1, $0x0, v1;
	v1 =	vld [tilespmem:s11+$0x400];
	v3 =	vbroadcast v3, $0x0;
	[tilespmem:s4+$0x1080] =	vst v2;
	s4 =	smov.u32 s8;
	(pc) =	sbr.rel @p0 .LBB2_18-.Ltmp8, $4  }
0xf6: {  	s8 =	smov.u32 s11;
	v2 =	vmin.u32 v4, $0x4F  }
0xf7: {  	s9 =	sadd.s32 $0x10, s9;
	v2 =	vadd.s32 v2, v3  }
0xf8: {  	v3 =	vmov s9;
	v2 =	vadd.s32 v0, v2  }
0xf9: {  	v3 =	vmul.u32 $0x50, v3;
	vm0 =	vlt.s32 v2, $0x7A11FF  }
0xfa: {  	vm1 =	vgt.s32 v1, $0x0  }
0xfb: {  	v1 =	vnsel vm1, $0x0, v1;
	v3 =	vbroadcast v3, $0x0  }
0xfc: {  	v1 =	vmin.u32 v1, $0x4F  }
0xfd: {  	v1 =	vadd.s32 v1, v3  }
0xfe: {  	v1 =	vadd.s32 v0, v1  }
0xff: {  	v2 =	vnsel vm0, $0x7A11FF, v2;
	vm0 =	vlt.s32 v1, $0x7A11FF  }
0x100: {  	[tilespmem:s4+$0x1080] =	vst v2;
	v1 =	vnsel vm0, $0x7A11FF, v1  }
0x101: {  	s4 =	simm.s32 $0x0;
	[tilespmem:s8+$0x1080] =	vst v1  }
0x102: {  	v1 =	vld [tilespmem:s4+$0x480];
	_ =	sdelay $0x2  }
0x103: {  	v2 =	vmov s16  }
0x104: {  	v2 =	vmul.u32 $0x50, v2  }
0x105: {  	vm0 =	vgt.s32 v1, $0x0  }
0x106: {  	v2 =	vbroadcast v2, $0x0;
	v1 =	vnsel vm0, $0x0, v1  }
0x107: {  	v1 =	vmin.u32 v1, $0x4F  }
0x108: {  	s8 =	simm.s32 $0x10;
	v1 =	vadd.s32 v1, v2  }
0x109: {  	v2 =	vadd.s32 v0, v1;
	v1 =	vld [tilespmem:s8+$0x480];
	_ =	sdelay $0x1  }
0x10a: {  	s11 =	sadd.s32 $0x10, s16  }
0x10b: {  	v3 =	vmov s11  }
0x10c: {  	s12 =	simm.s32 $0x80;
	s10 =	simm.s32 $0x0;
	s9 =	simm.s32 $0x10;
	v3 =	vmul.u32 $0x50, v3;
	vm0 =	vlt.s32 v2, $0x7A11FF  }
.LBB2_20:
0x10d: {  	s13 =	sshra.s32 s12, $0x2;
	p0 =	sne.s32 s12, $0x1C0;
	s12 =	sadd.s32 $0x40, s12;
	vm1 =	vgt.s32 v1, $0x0;
	v2 =	vnsel vm0, $0x7A11FF, v2  }
.Ltmp9:
0x10e: {  	v4 =	vnsel vm1, $0x0, v1;
	v1 =	vld [tilespmem:s13+$0x480];
	v3 =	vbroadcast v3, $0x0;
	[tilespmem:s10+$0x1100] =	vst v2;
	s10 =	smov.u32 s9;
	s9 =	smov.u32 s13;
	(pc) =	sbr.rel @p0 .LBB2_20-.Ltmp9, $4  }
0x10f: {  	v2 =	vmin.u32 v4, $0x4F  }
0x110: {  	s11 =	sadd.s32 $0x10, s11;
	v2 =	vadd.s32 v2, v3  }
0x111: {  	v3 =	vmov s11;
	v2 =	vadd.s32 v0, v2  }
0x112: {  	v3 =	vmul.u32 $0x50, v3;
	vm0 =	vlt.s32 v2, $0x7A11FF  }
0x113: {  	vm1 =	vgt.s32 v1, $0x0  }
0x114: {  	v1 =	vnsel vm1, $0x0, v1;
	v3 =	vbroadcast v3, $0x0  }
0x115: {  	v1 =	vmin.u32 v1, $0x4F  }
0x116: {  	v1 =	vadd.s32 v1, v3  }
0x117: {  	v1 =	vadd.s32 v0, v1  }
0x118: {  	v2 =	vnsel vm0, $0x7A11FF, v2;
	vm0 =	vlt.s32 v1, $0x7A11FF  }
0x119: {  	[tilespmem:s10+$0x1100] =	vst v2;
	v1 =	vnsel vm0, $0x7A11FF, v1  }
0x11a: {  	[tilespmem:s9+$0x1100] =	vst v1  }
0x11b: {  	v1 =	vld [tilespmem:s4+$0x500];
	_ =	sdelay $0x2  }
0x11c: {  	v2 =	vmov s17  }
0x11d: {  	v2 =	vmul.u32 $0x50, v2  }
0x11e: {  	vm0 =	vgt.s32 v1, $0x0  }
0x11f: {  	v2 =	vbroadcast v2, $0x0;
	v1 =	vnsel vm0, $0x0, v1  }
0x120: {  	v1 =	vmin.u32 v1, $0x4F  }
0x121: {  	v1 =	vadd.s32 v1, v2  }
0x122: {  	v2 =	vadd.s32 v0, v1;
	v1 =	vld [tilespmem:s8+$0x500];
	_ =	sdelay $0x1  }
0x123: {  	s9 =	sadd.s32 $0x10, s17  }
0x124: {  	v3 =	vmov s9  }
0x125: {  	s10 =	simm.s32 $0x80;
	v3 =	vmul.u32 $0x50, v3;
	vm0 =	vlt.s32 v2, $0x7A11FF  }
.LBB2_22:
0x126: {  	s11 =	sshra.s32 s10, $0x2;
	p0 =	sne.s32 s10, $0x1C0;
	s10 =	sadd.s32 $0x40, s10;
	vm1 =	vgt.s32 v1, $0x0;
	v2 =	vnsel vm0, $0x7A11FF, v2  }
.Ltmp10:
0x127: {  	v4 =	vnsel vm1, $0x0, v1;
	v1 =	vld [tilespmem:s11+$0x500];
	v3 =	vbroadcast v3, $0x0;
	[tilespmem:s4+$0x1180] =	vst v2;
	s4 =	smov.u32 s8;
	(pc) =	sbr.rel @p0 .LBB2_22-.Ltmp10, $4  }
0x128: {  	s8 =	smov.u32 s11;
	v2 =	vmin.u32 v4, $0x4F  }
0x129: {  	s9 =	sadd.s32 $0x10, s9;
	v2 =	vadd.s32 v2, v3  }
0x12a: {  	v3 =	vmov s9;
	v2 =	vadd.s32 v0, v2  }
0x12b: {  	v3 =	vmul.u32 $0x50, v3;
	vm0 =	vlt.s32 v2, $0x7A11FF  }
0x12c: {  	vm1 =	vgt.s32 v1, $0x0  }
0x12d: {  	v1 =	vnsel vm1, $0x0, v1;
	v3 =	vbroadcast v3, $0x0  }
0x12e: {  	v1 =	vmin.u32 v1, $0x4F  }
0x12f: {  	v1 =	vadd.s32 v1, v3  }
0x130: {  	v1 =	vadd.s32 v0, v1  }
0x131: {  	v2 =	vnsel vm0, $0x7A11FF, v2;
	vm0 =	vlt.s32 v1, $0x7A11FF  }
0x132: {  	[tilespmem:s4+$0x1180] =	vst v2;
	v1 =	vnsel vm0, $0x7A11FF, v1  }
0x133: {  	s4 =	simm.s32 $0x0;
	[tilespmem:s8+$0x1180] =	vst v1  }
0x134: {  	v1 =	vld [tilespmem:s4+$0x580];
	_ =	sdelay $0x2  }
0x135: {  	v2 =	vmov s18  }
0x136: {  	v2 =	vmul.u32 $0x50, v2  }
0x137: {  	vm0 =	vgt.s32 v1, $0x0  }
0x138: {  	v2 =	vbroadcast v2, $0x0;
	v1 =	vnsel vm0, $0x0, v1  }
0x139: {  	v1 =	vmin.u32 v1, $0x4F  }
0x13a: {  	s8 =	simm.s32 $0x10;
	v1 =	vadd.s32 v1, v2  }
0x13b: {  	v2 =	vadd.s32 v0, v1;
	v1 =	vld [tilespmem:s8+$0x580];
	_ =	sdelay $0x1  }
0x13c: {  	s11 =	sadd.s32 $0x10, s18  }
0x13d: {  	v3 =	vmov s11  }
0x13e: {  	s12 =	simm.s32 $0x80;
	s10 =	simm.s32 $0x0;
	s9 =	simm.s32 $0x10;
	v3 =	vmul.u32 $0x50, v3;
	vm0 =	vlt.s32 v2, $0x7A11FF  }
.LBB2_24:
0x13f: {  	s13 =	sshra.s32 s12, $0x2;
	p0 =	sne.s32 s12, $0x1C0;
	s12 =	sadd.s32 $0x40, s12;
	vm1 =	vgt.s32 v1, $0x0;
	v2 =	vnsel vm0, $0x7A11FF, v2  }
.Ltmp11:
0x140: {  	v4 =	vnsel vm1, $0x0, v1;
	v1 =	vld [tilespmem:s13+$0x580];
	v3 =	vbroadcast v3, $0x0;
	[tilespmem:s10+$0x1200] =	vst v2;
	s10 =	smov.u32 s9;
	s9 =	smov.u32 s13;
	(pc) =	sbr.rel @p0 .LBB2_24-.Ltmp11, $4  }
0x141: {  	v2 =	vmin.u32 v4, $0x4F  }
0x142: {  	s11 =	sadd.s32 $0x10, s11;
	v2 =	vadd.s32 v2, v3  }
0x143: {  	v3 =	vmov s11;
	v2 =	vadd.s32 v0, v2  }
0x144: {  	v3 =	vmul.u32 $0x50, v3;
	vm0 =	vlt.s32 v2, $0x7A11FF  }
0x145: {  	vm1 =	vgt.s32 v1, $0x0  }
0x146: {  	v1 =	vnsel vm1, $0x0, v1;
	v3 =	vbroadcast v3, $0x0  }
0x147: {  	v1 =	vmin.u32 v1, $0x4F  }
0x148: {  	v1 =	vadd.s32 v1, v3  }
0x149: {  	v1 =	vadd.s32 v0, v1  }
0x14a: {  	v2 =	vnsel vm0, $0x7A11FF, v2;
	vm0 =	vlt.s32 v1, $0x7A11FF  }
0x14b: {  	[tilespmem:s10+$0x1200] =	vst v2;
	v1 =	vnsel vm0, $0x7A11FF, v1  }
0x14c: {  	[tilespmem:s9+$0x1200] =	vst v1  }
0x14d: {  	v1 =	vld [tilespmem:s4+$0x600];
	_ =	sdelay $0x2  }
0x14e: {  	v2 =	vmov s19  }
0x14f: {  	v2 =	vmul.u32 $0x50, v2  }
0x150: {  	vm0 =	vgt.s32 v1, $0x0  }
0x151: {  	v2 =	vbroadcast v2, $0x0;
	v1 =	vnsel vm0, $0x0, v1  }
0x152: {  	v1 =	vmin.u32 v1, $0x4F  }
0x153: {  	v1 =	vadd.s32 v1, v2  }
0x154: {  	v2 =	vadd.s32 v0, v1;
	v1 =	vld [tilespmem:s8+$0x600];
	_ =	sdelay $0x1  }
0x155: {  	s9 =	sadd.s32 $0x10, s19  }
0x156: {  	v3 =	vmov s9  }
0x157: {  	s10 =	simm.s32 $0x80;
	v3 =	vmul.u32 $0x50, v3;
	vm0 =	vlt.s32 v2, $0x7A11FF  }
.LBB2_26:
0x158: {  	s11 =	sshra.s32 s10, $0x2;
	p0 =	sne.s32 s10, $0x1C0;
	s10 =	sadd.s32 $0x40, s10;
	vm1 =	vgt.s32 v1, $0x0;
	v2 =	vnsel vm0, $0x7A11FF, v2  }
.Ltmp12:
0x159: {  	v4 =	vnsel vm1, $0x0, v1;
	v1 =	vld [tilespmem:s11+$0x600];
	v3 =	vbroadcast v3, $0x0;
	[tilespmem:s4+$0x1280] =	vst v2;
	s4 =	smov.u32 s8;
	(pc) =	sbr.rel @p0 .LBB2_26-.Ltmp12, $4  }
0x15a: {  	s8 =	smov.u32 s11;
	v2 =	vmin.u32 v4, $0x4F  }
0x15b: {  	s9 =	sadd.s32 $0x10, s9;
	v2 =	vadd.s32 v2, v3  }
0x15c: {  	v3 =	vmov s9;
	v2 =	vadd.s32 v0, v2  }
0x15d: {  	v3 =	vmul.u32 $0x50, v3;
	vm0 =	vlt.s32 v2, $0x7A11FF  }
0x15e: {  	vm1 =	vgt.s32 v1, $0x0  }
0x15f: {  	v1 =	vnsel vm1, $0x0, v1;
	v3 =	vbroadcast v3, $0x0  }
0x160: {  	v1 =	vmin.u32 v1, $0x4F  }
0x161: {  	v1 =	vadd.s32 v1, v3  }
0x162: {  	v1 =	vadd.s32 v0, v1  }
0x163: {  	v2 =	vnsel vm0, $0x7A11FF, v2;
	vm0 =	vlt.s32 v1, $0x7A11FF  }
0x164: {  	[tilespmem:s4+$0x1280] =	vst v2;
	v1 =	vnsel vm0, $0x7A11FF, v1  }
0x165: {  	s4 =	simm.s32 $0x0;
	[tilespmem:s8+$0x1280] =	vst v1  }
0x166: {  	v1 =	vld [tilespmem:s4+$0x680];
	_ =	sdelay $0x2  }
0x167: {  	v2 =	vmov s20  }
0x168: {  	v2 =	vmul.u32 $0x50, v2  }
0x169: {  	vm0 =	vgt.s32 v1, $0x0  }
0x16a: {  	v2 =	vbroadcast v2, $0x0;
	v1 =	vnsel vm0, $0x0, v1  }
0x16b: {  	v1 =	vmin.u32 v1, $0x4F  }
0x16c: {  	s8 =	simm.s32 $0x10;
	v1 =	vadd.s32 v1, v2  }
0x16d: {  	v2 =	vadd.s32 v0, v1;
	v1 =	vld [tilespmem:s8+$0x680];
	_ =	sdelay $0x1  }
0x16e: {  	s11 =	sadd.s32 $0x10, s20  }
0x16f: {  	v3 =	vmov s11  }
0x170: {  	s12 =	simm.s32 $0x80;
	s10 =	simm.s32 $0x0;
	s9 =	simm.s32 $0x10;
	v3 =	vmul.u32 $0x50, v3;
	vm0 =	vlt.s32 v2, $0x7A11FF  }
.LBB2_28:
0x171: {  	s13 =	sshra.s32 s12, $0x2;
	p0 =	sne.s32 s12, $0x1C0;
	s12 =	sadd.s32 $0x40, s12;
	vm1 =	vgt.s32 v1, $0x0;
	v2 =	vnsel vm0, $0x7A11FF, v2  }
.Ltmp13:
0x172: {  	v4 =	vnsel vm1, $0x0, v1;
	v1 =	vld [tilespmem:s13+$0x680];
	v3 =	vbroadcast v3, $0x0;
	[tilespmem:s10+$0x1300] =	vst v2;
	s10 =	smov.u32 s9;
	s9 =	smov.u32 s13;
	(pc) =	sbr.rel @p0 .LBB2_28-.Ltmp13, $4  }
0x173: {  	v2 =	vmin.u32 v4, $0x4F  }
0x174: {  	s11 =	sadd.s32 $0x10, s11;
	v2 =	vadd.s32 v2, v3  }
0x175: {  	v3 =	vmov s11;
	v2 =	vadd.s32 v0, v2  }
0x176: {  	v3 =	vmul.u32 $0x50, v3;
	vm0 =	vlt.s32 v2, $0x7A11FF  }
0x177: {  	vm1 =	vgt.s32 v1, $0x0  }
0x178: {  	v1 =	vnsel vm1, $0x0, v1;
	v3 =	vbroadcast v3, $0x0  }
0x179: {  	v1 =	vmin.u32 v1, $0x4F  }
0x17a: {  	v1 =	vadd.s32 v1, v3  }
0x17b: {  	v1 =	vadd.s32 v0, v1  }
0x17c: {  	v2 =	vnsel vm0, $0x7A11FF, v2;
	vm0 =	vlt.s32 v1, $0x7A11FF  }
0x17d: {  	[tilespmem:s10+$0x1300] =	vst v2;
	v1 =	vnsel vm0, $0x7A11FF, v1  }
0x17e: {  	[tilespmem:s9+$0x1300] =	vst v1  }
0x17f: {  	v1 =	vld [tilespmem:s4+$0x700];
	_ =	sdelay $0x2  }
0x180: {  	v2 =	vmov s21  }
0x181: {  	v2 =	vmul.u32 $0x50, v2  }
0x182: {  	vm0 =	vgt.s32 v1, $0x0  }
0x183: {  	v2 =	vbroadcast v2, $0x0;
	v1 =	vnsel vm0, $0x0, v1  }
0x184: {  	v1 =	vmin.u32 v1, $0x4F  }
0x185: {  	v1 =	vadd.s32 v1, v2  }
0x186: {  	v2 =	vadd.s32 v0, v1;
	v1 =	vld [tilespmem:s8+$0x700];
	_ =	sdelay $0x1  }
0x187: {  	s9 =	sadd.s32 $0x10, s21  }
0x188: {  	v3 =	vmov s9  }
0x189: {  	s10 =	simm.s32 $0x80;
	v3 =	vmul.u32 $0x50, v3;
	vm0 =	vlt.s32 v2, $0x7A11FF  }
.LBB2_30:
0x18a: {  	s11 =	sshra.s32 s10, $0x2;
	p0 =	sne.s32 s10, $0x1C0;
	s10 =	sadd.s32 $0x40, s10;
	vm1 =	vgt.s32 v1, $0x0;
	v2 =	vnsel vm0, $0x7A11FF, v2  }
.Ltmp14:
0x18b: {  	v4 =	vnsel vm1, $0x0, v1;
	v1 =	vld [tilespmem:s11+$0x700];
	v3 =	vbroadcast v3, $0x0;
	[tilespmem:s4+$0x1380] =	vst v2;
	s4 =	smov.u32 s8;
	(pc) =	sbr.rel @p0 .LBB2_30-.Ltmp14, $4  }
0x18c: {  	s8 =	smov.u32 s11;
	v2 =	vmin.u32 v4, $0x4F  }
0x18d: {  	s9 =	sadd.s32 $0x10, s9;
	v2 =	vadd.s32 v2, v3  }
0x18e: {  	v3 =	vmov s9;
	v2 =	vadd.s32 v0, v2  }
0x18f: {  	v3 =	vmul.u32 $0x50, v3;
	vm0 =	vlt.s32 v2, $0x7A11FF  }
0x190: {  	vm1 =	vgt.s32 v1, $0x0  }
0x191: {  	v1 =	vnsel vm1, $0x0, v1;
	v3 =	vbroadcast v3, $0x0  }
0x192: {  	v1 =	vmin.u32 v1, $0x4F  }
0x193: {  	v1 =	vadd.s32 v1, v3  }
0x194: {  	v1 =	vadd.s32 v0, v1  }
0x195: {  	v2 =	vnsel vm0, $0x7A11FF, v2;
	vm0 =	vlt.s32 v1, $0x7A11FF  }
0x196: {  	[tilespmem:s4+$0x1380] =	vst v2;
	v1 =	vnsel vm0, $0x7A11FF, v1  }
0x197: {  	s4 =	simm.s32 $0x0;
	[tilespmem:s8+$0x1380] =	vst v1  }
0x198: {  	v1 =	vld [tilespmem:s4+$0x780];
	_ =	sdelay $0x2  }
0x199: {  	v2 =	vmov s22  }
0x19a: {  	v2 =	vmul.u32 $0x50, v2  }
0x19b: {  	vm0 =	vgt.s32 v1, $0x0  }
0x19c: {  	v2 =	vbroadcast v2, $0x0;
	v1 =	vnsel vm0, $0x0, v1  }
0x19d: {  	v1 =	vmin.u32 v1, $0x4F  }
0x19e: {  	s8 =	simm.s32 $0x10;
	v1 =	vadd.s32 v1, v2  }
0x19f: {  	v2 =	vadd.s32 v0, v1;
	v1 =	vld [tilespmem:s8+$0x780];
	_ =	sdelay $0x1  }
0x1a0: {  	s11 =	sadd.s32 $0x10, s22  }
0x1a1: {  	v3 =	vmov s11  }
0x1a2: {  	s12 =	simm.s32 $0x80;
	s10 =	simm.s32 $0x0;
	s9 =	simm.s32 $0x10;
	v3 =	vmul.u32 $0x50, v3;
	vm0 =	vlt.s32 v2, $0x7A11FF  }
.LBB2_32:
0x1a3: {  	s13 =	sshra.s32 s12, $0x2;
	p0 =	sne.s32 s12, $0x1C0;
	s12 =	sadd.s32 $0x40, s12;
	vm1 =	vgt.s32 v1, $0x0;
	v2 =	vnsel vm0, $0x7A11FF, v2  }
.Ltmp15:
0x1a4: {  	v4 =	vnsel vm1, $0x0, v1;
	v1 =	vld [tilespmem:s13+$0x780];
	v3 =	vbroadcast v3, $0x0;
	[tilespmem:s10+$0x1400] =	vst v2;
	s10 =	smov.u32 s9;
	s9 =	smov.u32 s13;
	(pc) =	sbr.rel @p0 .LBB2_32-.Ltmp15, $4  }
0x1a5: {  	v2 =	vmin.u32 v4, $0x4F  }
0x1a6: {  	s11 =	sadd.s32 $0x10, s11;
	v2 =	vadd.s32 v2, v3  }
0x1a7: {  	v3 =	vmov s11;
	v2 =	vadd.s32 v0, v2  }
0x1a8: {  	v3 =	vmul.u32 $0x50, v3;
	vm0 =	vlt.s32 v2, $0x7A11FF  }
0x1a9: {  	vm1 =	vgt.s32 v1, $0x0  }
0x1aa: {  	v1 =	vnsel vm1, $0x0, v1;
	v3 =	vbroadcast v3, $0x0  }
0x1ab: {  	v1 =	vmin.u32 v1, $0x4F  }
0x1ac: {  	v1 =	vadd.s32 v1, v3  }
0x1ad: {  	v1 =	vadd.s32 v0, v1  }
0x1ae: {  	v2 =	vnsel vm0, $0x7A11FF, v2;
	vm0 =	vlt.s32 v1, $0x7A11FF  }
0x1af: {  	[tilespmem:s10+$0x1400] =	vst v2;
	v1 =	vnsel vm0, $0x7A11FF, v1  }
0x1b0: {  	[tilespmem:s9+$0x1400] =	vst v1  }
0x1b1: {  	v1 =	vld [tilespmem:s4+$0x800];
	_ =	sdelay $0x2  }
0x1b2: {  	v2 =	vmov s23  }
0x1b3: {  	v2 =	vmul.u32 $0x50, v2  }
0x1b4: {  	vm0 =	vgt.s32 v1, $0x0  }
0x1b5: {  	v2 =	vbroadcast v2, $0x0;
	v1 =	vnsel vm0, $0x0, v1  }
0x1b6: {  	v1 =	vmin.u32 v1, $0x4F  }
0x1b7: {  	v1 =	vadd.s32 v1, v2  }
0x1b8: {  	v2 =	vadd.s32 v0, v1;
	v1 =	vld [tilespmem:s8+$0x800];
	_ =	sdelay $0x1  }
0x1b9: {  	s9 =	sadd.s32 $0x10, s23  }
0x1ba: {  	v3 =	vmov s9  }
0x1bb: {  	s10 =	simm.s32 $0x80;
	v3 =	vmul.u32 $0x50, v3;
	vm0 =	vlt.s32 v2, $0x7A11FF  }
.LBB2_34:
0x1bc: {  	s11 =	sshra.s32 s10, $0x2;
	p0 =	sne.s32 s10, $0x1C0;
	s10 =	sadd.s32 $0x40, s10;
	vm1 =	vgt.s32 v1, $0x0;
	v2 =	vnsel vm0, $0x7A11FF, v2  }
.Ltmp16:
0x1bd: {  	v4 =	vnsel vm1, $0x0, v1;
	v1 =	vld [tilespmem:s11+$0x800];
	v3 =	vbroadcast v3, $0x0;
	[tilespmem:s4+$0x1480] =	vst v2;
	s4 =	smov.u32 s8;
	(pc) =	sbr.rel @p0 .LBB2_34-.Ltmp16, $4  }
0x1be: {  	s8 =	smov.u32 s11;
	v2 =	vmin.u32 v4, $0x4F  }
0x1bf: {  	s9 =	sadd.s32 $0x10, s9;
	v2 =	vadd.s32 v2, v3  }
0x1c0: {  	v3 =	vmov s9;
	v2 =	vadd.s32 v0, v2  }
0x1c1: {  	v3 =	vmul.u32 $0x50, v3;
	vm0 =	vlt.s32 v2, $0x7A11FF  }
0x1c2: {  	vm1 =	vgt.s32 v1, $0x0  }
0x1c3: {  	v1 =	vnsel vm1, $0x0, v1;
	v3 =	vbroadcast v3, $0x0  }
0x1c4: {  	v1 =	vmin.u32 v1, $0x4F  }
0x1c5: {  	v1 =	vadd.s32 v1, v3  }
0x1c6: {  	v1 =	vadd.s32 v0, v1  }
0x1c7: {  	v2 =	vnsel vm0, $0x7A11FF, v2;
	vm0 =	vlt.s32 v1, $0x7A11FF  }
0x1c8: {  	[tilespmem:s4+$0x1480] =	vst v2;
	v1 =	vnsel vm0, $0x7A11FF, v1  }
0x1c9: {  	s4 =	simm.s32 $0x0;
	[tilespmem:s8+$0x1480] =	vst v1  }
0x1ca: {  	v1 =	vld [tilespmem:s4+$0x880];
	_ =	sdelay $0x2  }
0x1cb: {  	v2 =	vmov s24  }
0x1cc: {  	v2 =	vmul.u32 $0x50, v2  }
0x1cd: {  	vm0 =	vgt.s32 v1, $0x0  }
0x1ce: {  	v2 =	vbroadcast v2, $0x0;
	v1 =	vnsel vm0, $0x0, v1  }
0x1cf: {  	v1 =	vmin.u32 v1, $0x4F  }
0x1d0: {  	s8 =	simm.s32 $0x10;
	v1 =	vadd.s32 v1, v2  }
0x1d1: {  	v2 =	vadd.s32 v0, v1;
	v1 =	vld [tilespmem:s8+$0x880];
	_ =	sdelay $0x1  }
0x1d2: {  	s11 =	sadd.s32 $0x10, s24  }
0x1d3: {  	v3 =	vmov s11  }
0x1d4: {  	s12 =	simm.s32 $0x80;
	s10 =	simm.s32 $0x0;
	s9 =	simm.s32 $0x10;
	v3 =	vmul.u32 $0x50, v3;
	vm0 =	vlt.s32 v2, $0x7A11FF  }
.LBB2_36:
0x1d5: {  	s13 =	sshra.s32 s12, $0x2;
	p0 =	sne.s32 s12, $0x1C0;
	s12 =	sadd.s32 $0x40, s12;
	vm1 =	vgt.s32 v1, $0x0;
	v2 =	vnsel vm0, $0x7A11FF, v2  }
.Ltmp17:
0x1d6: {  	v4 =	vnsel vm1, $0x0, v1;
	v1 =	vld [tilespmem:s13+$0x880];
	v3 =	vbroadcast v3, $0x0;
	[tilespmem:s10+$0x1500] =	vst v2;
	s10 =	smov.u32 s9;
	s9 =	smov.u32 s13;
	(pc) =	sbr.rel @p0 .LBB2_36-.Ltmp17, $4  }
0x1d7: {  	v2 =	vmin.u32 v4, $0x4F  }
0x1d8: {  	s11 =	sadd.s32 $0x10, s11;
	v2 =	vadd.s32 v2, v3  }
0x1d9: {  	v3 =	vmov s11;
	v2 =	vadd.s32 v0, v2  }
0x1da: {  	v3 =	vmul.u32 $0x50, v3;
	vm0 =	vlt.s32 v2, $0x7A11FF  }
0x1db: {  	vm1 =	vgt.s32 v1, $0x0  }
0x1dc: {  	v1 =	vnsel vm1, $0x0, v1;
	v3 =	vbroadcast v3, $0x0  }
0x1dd: {  	v1 =	vmin.u32 v1, $0x4F  }
0x1de: {  	v1 =	vadd.s32 v1, v3  }
0x1df: {  	v1 =	vadd.s32 v0, v1  }
0x1e0: {  	v2 =	vnsel vm0, $0x7A11FF, v2;
	vm0 =	vlt.s32 v1, $0x7A11FF  }
0x1e1: {  	[tilespmem:s10+$0x1500] =	vst v2;
	v1 =	vnsel vm0, $0x7A11FF, v1  }
0x1e2: {  	[tilespmem:s9+$0x1500] =	vst v1  }
0x1e3: {  	v1 =	vld [tilespmem:s4+$0x900];
	_ =	sdelay $0x2  }
0x1e4: {  	v2 =	vmov s25  }
0x1e5: {  	v2 =	vmul.u32 $0x50, v2  }
0x1e6: {  	vm0 =	vgt.s32 v1, $0x0  }
0x1e7: {  	v2 =	vbroadcast v2, $0x0;
	v1 =	vnsel vm0, $0x0, v1  }
0x1e8: {  	v1 =	vmin.u32 v1, $0x4F  }
0x1e9: {  	v1 =	vadd.s32 v1, v2  }
0x1ea: {  	v2 =	vadd.s32 v0, v1;
	v1 =	vld [tilespmem:s8+$0x900];
	_ =	sdelay $0x1  }
0x1eb: {  	s9 =	sadd.s32 $0x10, s25  }
0x1ec: {  	v3 =	vmov s9  }
0x1ed: {  	s10 =	simm.s32 $0x80;
	v3 =	vmul.u32 $0x50, v3;
	vm0 =	vlt.s32 v2, $0x7A11FF  }
.LBB2_38:
0x1ee: {  	s11 =	sshra.s32 s10, $0x2;
	p0 =	sne.s32 s10, $0x1C0;
	s10 =	sadd.s32 $0x40, s10;
	vm1 =	vgt.s32 v1, $0x0;
	v2 =	vnsel vm0, $0x7A11FF, v2  }
.Ltmp18:
0x1ef: {  	v4 =	vnsel vm1, $0x0, v1;
	v1 =	vld [tilespmem:s11+$0x900];
	v3 =	vbroadcast v3, $0x0;
	[tilespmem:s4+$0x1580] =	vst v2;
	s4 =	smov.u32 s8;
	(pc) =	sbr.rel @p0 .LBB2_38-.Ltmp18, $4  }
0x1f0: {  	s8 =	smov.u32 s11;
	v2 =	vmin.u32 v4, $0x4F  }
0x1f1: {  	s9 =	sadd.s32 $0x10, s9;
	v2 =	vadd.s32 v2, v3  }
0x1f2: {  	v3 =	vmov s9;
	v2 =	vadd.s32 v0, v2  }
0x1f3: {  	v3 =	vmul.u32 $0x50, v3;
	vm0 =	vlt.s32 v2, $0x7A11FF  }
0x1f4: {  	vm1 =	vgt.s32 v1, $0x0  }
0x1f5: {  	v1 =	vnsel vm1, $0x0, v1;
	v3 =	vbroadcast v3, $0x0  }
0x1f6: {  	v1 =	vmin.u32 v1, $0x4F  }
0x1f7: {  	v1 =	vadd.s32 v1, v3  }
0x1f8: {  	v1 =	vadd.s32 v0, v1  }
0x1f9: {  	v2 =	vnsel vm0, $0x7A11FF, v2;
	vm0 =	vlt.s32 v1, $0x7A11FF  }
0x1fa: {  	[tilespmem:s4+$0x1580] =	vst v2;
	v1 =	vnsel vm0, $0x7A11FF, v1  }
0x1fb: {  	s4 =	simm.s32 $0x0;
	[tilespmem:s8+$0x1580] =	vst v1  }
0x1fc: {  	v1 =	vld [tilespmem:s4+$0x980];
	_ =	sdelay $0x2  }
0x1fd: {  	v2 =	vmov s26  }
0x1fe: {  	v2 =	vmul.u32 $0x50, v2  }
0x1ff: {  	vm0 =	vgt.s32 v1, $0x0  }
0x200: {  	v2 =	vbroadcast v2, $0x0;
	v1 =	vnsel vm0, $0x0, v1  }
0x201: {  	v1 =	vmin.u32 v1, $0x4F  }
0x202: {  	s8 =	simm.s32 $0x10;
	v1 =	vadd.s32 v1, v2  }
0x203: {  	v2 =	vadd.s32 v0, v1;
	v1 =	vld [tilespmem:s8+$0x980];
	_ =	sdelay $0x1  }
0x204: {  	s11 =	sadd.s32 $0x10, s26  }
0x205: {  	v3 =	vmov s11  }
0x206: {  	s12 =	simm.s32 $0x80;
	s10 =	simm.s32 $0x0;
	s9 =	simm.s32 $0x10;
	v3 =	vmul.u32 $0x50, v3;
	vm0 =	vlt.s32 v2, $0x7A11FF  }
.LBB2_40:
0x207: {  	s13 =	sshra.s32 s12, $0x2;
	p0 =	sne.s32 s12, $0x1C0;
	s12 =	sadd.s32 $0x40, s12;
	vm1 =	vgt.s32 v1, $0x0;
	v2 =	vnsel vm0, $0x7A11FF, v2  }
.Ltmp19:
0x208: {  	v4 =	vnsel vm1, $0x0, v1;
	v1 =	vld [tilespmem:s13+$0x980];
	v3 =	vbroadcast v3, $0x0;
	[tilespmem:s10+$0x1600] =	vst v2;
	s10 =	smov.u32 s9;
	s9 =	smov.u32 s13;
	(pc) =	sbr.rel @p0 .LBB2_40-.Ltmp19, $4  }
0x209: {  	v2 =	vmin.u32 v4, $0x4F  }
0x20a: {  	s11 =	sadd.s32 $0x10, s11;
	v2 =	vadd.s32 v2, v3  }
0x20b: {  	v3 =	vmov s11;
	v2 =	vadd.s32 v0, v2  }
0x20c: {  	v3 =	vmul.u32 $0x50, v3;
	vm0 =	vlt.s32 v2, $0x7A11FF  }
0x20d: {  	vm1 =	vgt.s32 v1, $0x0  }
0x20e: {  	v1 =	vnsel vm1, $0x0, v1;
	v3 =	vbroadcast v3, $0x0  }
0x20f: {  	v1 =	vmin.u32 v1, $0x4F  }
0x210: {  	v1 =	vadd.s32 v1, v3  }
0x211: {  	v1 =	vadd.s32 v0, v1  }
0x212: {  	v2 =	vnsel vm0, $0x7A11FF, v2;
	vm0 =	vlt.s32 v1, $0x7A11FF  }
0x213: {  	[tilespmem:s10+$0x1600] =	vst v2;
	v1 =	vnsel vm0, $0x7A11FF, v1  }
0x214: {  	[tilespmem:s9+$0x1600] =	vst v1  }
0x215: {  	v1 =	vld [tilespmem:s4+$0xA00];
	_ =	sdelay $0x2  }
0x216: {  	v2 =	vmov s28  }
0x217: {  	v2 =	vmul.u32 $0x50, v2  }
0x218: {  	vm0 =	vgt.s32 v1, $0x0  }
0x219: {  	v2 =	vbroadcast v2, $0x0;
	v1 =	vnsel vm0, $0x0, v1  }
0x21a: {  	v1 =	vmin.u32 v1, $0x4F  }
0x21b: {  	v1 =	vadd.s32 v1, v2  }
0x21c: {  	v2 =	vadd.s32 v0, v1;
	v1 =	vld [tilespmem:s8+$0xA00];
	_ =	sdelay $0x1  }
0x21d: {  	s9 =	sadd.s32 $0x10, s28  }
0x21e: {  	v3 =	vmov s9  }
0x21f: {  	s10 =	simm.s32 $0x80;
	v3 =	vmul.u32 $0x50, v3;
	vm0 =	vlt.s32 v2, $0x7A11FF  }
.LBB2_42:
0x220: {  	s11 =	sshra.s32 s10, $0x2;
	p0 =	sne.s32 s10, $0x1C0;
	s10 =	sadd.s32 $0x40, s10;
	vm1 =	vgt.s32 v1, $0x0;
	v2 =	vnsel vm0, $0x7A11FF, v2  }
.Ltmp20:
0x221: {  	v4 =	vnsel vm1, $0x0, v1;
	v1 =	vld [tilespmem:s11+$0xA00];
	v3 =	vbroadcast v3, $0x0;
	[tilespmem:s4+$0x1680] =	vst v2;
	s4 =	smov.u32 s8;
	(pc) =	sbr.rel @p0 .LBB2_42-.Ltmp20, $4  }
0x222: {  	s8 =	smov.u32 s11;
	v2 =	vmin.u32 v4, $0x4F  }
0x223: {  	s9 =	sadd.s32 $0x10, s9;
	v2 =	vadd.s32 v2, v3  }
0x224: {  	v3 =	vmov s9;
	v2 =	vadd.s32 v0, v2  }
0x225: {  	v3 =	vmul.u32 $0x50, v3;
	vm0 =	vlt.s32 v2, $0x7A11FF  }
0x226: {  	vm1 =	vgt.s32 v1, $0x0  }
0x227: {  	v1 =	vnsel vm1, $0x0, v1;
	v3 =	vbroadcast v3, $0x0  }
0x228: {  	v1 =	vmin.u32 v1, $0x4F  }
0x229: {  	v1 =	vadd.s32 v1, v3  }
0x22a: {  	v1 =	vadd.s32 v0, v1  }
0x22b: {  	v2 =	vnsel vm0, $0x7A11FF, v2;
	vm0 =	vlt.s32 v1, $0x7A11FF  }
0x22c: {  	[tilespmem:s4+$0x1680] =	vst v2;
	v1 =	vnsel vm0, $0x7A11FF, v1  }
0x22d: {  	s4 =	simm.s32 $0x0;
	[tilespmem:s8+$0x1680] =	vst v1  }
0x22e: {  	v1 =	vld [tilespmem:s4+$0xA80];
	_ =	sdelay $0x2  }
0x22f: {  	v2 =	vmov s29  }
0x230: {  	v2 =	vmul.u32 $0x50, v2  }
0x231: {  	vm0 =	vgt.s32 v1, $0x0  }
0x232: {  	v2 =	vbroadcast v2, $0x0;
	v1 =	vnsel vm0, $0x0, v1  }
0x233: {  	v1 =	vmin.u32 v1, $0x4F  }
0x234: {  	s8 =	simm.s32 $0x10;
	v1 =	vadd.s32 v1, v2  }
0x235: {  	v2 =	vadd.s32 v0, v1;
	v1 =	vld [tilespmem:s8+$0xA80];
	_ =	sdelay $0x1  }
0x236: {  	s11 =	sadd.s32 $0x10, s29  }
0x237: {  	v3 =	vmov s11  }
0x238: {  	s12 =	simm.s32 $0x80;
	s10 =	simm.s32 $0x0;
	s9 =	simm.s32 $0x10;
	v3 =	vmul.u32 $0x50, v3;
	vm0 =	vlt.s32 v2, $0x7A11FF  }
.LBB2_44:
0x239: {  	s13 =	sshra.s32 s12, $0x2;
	p0 =	sne.s32 s12, $0x1C0;
	s12 =	sadd.s32 $0x40, s12;
	vm1 =	vgt.s32 v1, $0x0;
	v2 =	vnsel vm0, $0x7A11FF, v2  }
.Ltmp21:
0x23a: {  	v4 =	vnsel vm1, $0x0, v1;
	v1 =	vld [tilespmem:s13+$0xA80];
	v3 =	vbroadcast v3, $0x0;
	[tilespmem:s10+$0x1700] =	vst v2;
	s10 =	smov.u32 s9;
	s9 =	smov.u32 s13;
	(pc) =	sbr.rel @p0 .LBB2_44-.Ltmp21, $4  }
0x23b: {  	v2 =	vmin.u32 v4, $0x4F  }
0x23c: {  	s11 =	sadd.s32 $0x10, s11;
	v2 =	vadd.s32 v2, v3  }
0x23d: {  	v3 =	vmov s11;
	v2 =	vadd.s32 v0, v2  }
0x23e: {  	v3 =	vmul.u32 $0x50, v3;
	vm0 =	vlt.s32 v2, $0x7A11FF  }
0x23f: {  	vm1 =	vgt.s32 v1, $0x0  }
0x240: {  	v1 =	vnsel vm1, $0x0, v1;
	v3 =	vbroadcast v3, $0x0  }
0x241: {  	v1 =	vmin.u32 v1, $0x4F  }
0x242: {  	v1 =	vadd.s32 v1, v3  }
0x243: {  	v1 =	vadd.s32 v0, v1  }
0x244: {  	v2 =	vnsel vm0, $0x7A11FF, v2;
	vm0 =	vlt.s32 v1, $0x7A11FF  }
0x245: {  	[tilespmem:s10+$0x1700] =	vst v2;
	v1 =	vnsel vm0, $0x7A11FF, v1  }
0x246: {  	[tilespmem:s9+$0x1700] =	vst v1  }
0x247: {  	v1 =	vld [tilespmem:s4+$0xB00];
	_ =	sdelay $0x2  }
0x248: {  	v2 =	vmov s30  }
0x249: {  	v2 =	vmul.u32 $0x50, v2  }
0x24a: {  	vm0 =	vgt.s32 v1, $0x0  }
0x24b: {  	v2 =	vbroadcast v2, $0x0;
	v1 =	vnsel vm0, $0x0, v1  }
0x24c: {  	v1 =	vmin.u32 v1, $0x4F  }
0x24d: {  	v1 =	vadd.s32 v1, v2  }
0x24e: {  	v2 =	vadd.s32 v0, v1;
	v1 =	vld [tilespmem:s8+$0xB00];
	_ =	sdelay $0x1  }
0x24f: {  	s9 =	sadd.s32 $0x10, s30  }
0x250: {  	v3 =	vmov s9  }
0x251: {  	s10 =	simm.s32 $0x80;
	v3 =	vmul.u32 $0x50, v3;
	vm0 =	vlt.s32 v2, $0x7A11FF  }
.LBB2_46:
0x252: {  	s11 =	sshra.s32 s10, $0x2;
	p0 =	sne.s32 s10, $0x1C0;
	s10 =	sadd.s32 $0x40, s10;
	vm1 =	vgt.s32 v1, $0x0;
	v2 =	vnsel vm0, $0x7A11FF, v2  }
.Ltmp22:
0x253: {  	v4 =	vnsel vm1, $0x0, v1;
	v1 =	vld [tilespmem:s11+$0xB00];
	v3 =	vbroadcast v3, $0x0;
	[tilespmem:s4+$0x1780] =	vst v2;
	s4 =	smov.u32 s8;
	(pc) =	sbr.rel @p0 .LBB2_46-.Ltmp22, $4  }
0x254: {  	s8 =	smov.u32 s11;
	v2 =	vmin.u32 v4, $0x4F  }
0x255: {  	s9 =	sadd.s32 $0x10, s9;
	v2 =	vadd.s32 v2, v3  }
0x256: {  	v3 =	vmov s9;
	v2 =	vadd.s32 v0, v2  }
0x257: {  	v3 =	vmul.u32 $0x50, v3;
	vm0 =	vlt.s32 v2, $0x7A11FF  }
0x258: {  	vm1 =	vgt.s32 v1, $0x0  }
0x259: {  	v1 =	vnsel vm1, $0x0, v1;
	v3 =	vbroadcast v3, $0x0  }
0x25a: {  	v1 =	vmin.u32 v1, $0x4F  }
0x25b: {  	v1 =	vadd.s32 v1, v3  }
0x25c: {  	v1 =	vadd.s32 v0, v1  }
0x25d: {  	v2 =	vnsel vm0, $0x7A11FF, v2;
	vm0 =	vlt.s32 v1, $0x7A11FF  }
0x25e: {  	[tilespmem:s4+$0x1780] =	vst v2;
	v1 =	vnsel vm0, $0x7A11FF, v1  }
0x25f: {  	s4 =	simm.s32 $0x0;
	[tilespmem:s8+$0x1780] =	vst v1  }
0x260: {  	v1 =	vld [tilespmem:s4+$0xB80];
	_ =	sdelay $0x2  }
0x261: {  	v2 =	vmov s31  }
0x262: {  	v2 =	vmul.u32 $0x50, v2  }
0x263: {  	vm0 =	vgt.s32 v1, $0x0  }
0x264: {  	v2 =	vbroadcast v2, $0x0;
	v1 =	vnsel vm0, $0x0, v1  }
0x265: {  	v1 =	vmin.u32 v1, $0x4F  }
0x266: {  	s8 =	simm.s32 $0x10;
	v1 =	vadd.s32 v1, v2  }
0x267: {  	v2 =	vadd.s32 v0, v1;
	v1 =	vld [tilespmem:s8+$0xB80];
	_ =	sdelay $0x1  }
0x268: {  	s11 =	sadd.s32 $0x10, s31  }
0x269: {  	v3 =	vmov s11  }
0x26a: {  	s12 =	simm.s32 $0x80;
	s10 =	simm.s32 $0x0;
	s9 =	simm.s32 $0x10;
	v3 =	vmul.u32 $0x50, v3;
	vm0 =	vlt.s32 v2, $0x7A11FF  }
.LBB2_48:
0x26b: {  	s13 =	sshra.s32 s12, $0x2;
	p0 =	sne.s32 s12, $0x1C0;
	s12 =	sadd.s32 $0x40, s12;
	vm1 =	vgt.s32 v1, $0x0;
	v2 =	vnsel vm0, $0x7A11FF, v2  }
.Ltmp23:
0x26c: {  	v4 =	vnsel vm1, $0x0, v1;
	v1 =	vld [tilespmem:s13+$0xB80];
	v3 =	vbroadcast v3, $0x0;
	[tilespmem:s10+$0x1800] =	vst v2;
	s10 =	smov.u32 s9;
	s9 =	smov.u32 s13;
	(pc) =	sbr.rel @p0 .LBB2_48-.Ltmp23, $4  }
0x26d: {  	v2 =	vmin.u32 v4, $0x4F  }
0x26e: {  	s11 =	sadd.s32 $0x10, s11;
	v2 =	vadd.s32 v2, v3  }
0x26f: {  	v3 =	vmov s11;
	v2 =	vadd.s32 v0, v2  }
0x270: {  	v3 =	vmul.u32 $0x50, v3;
	vm0 =	vlt.s32 v2, $0x7A11FF  }
0x271: {  	vm1 =	vgt.s32 v1, $0x0  }
0x272: {  	v1 =	vnsel vm1, $0x0, v1;
	v3 =	vbroadcast v3, $0x0  }
0x273: {  	v1 =	vmin.u32 v1, $0x4F  }
0x274: {  	v1 =	vadd.s32 v1, v3  }
0x275: {  	v1 =	vadd.s32 v0, v1  }
0x276: {  	v2 =	vnsel vm0, $0x7A11FF, v2;
	vm0 =	vlt.s32 v1, $0x7A11FF  }
0x277: {  	[tilespmem:s10+$0x1800] =	vst v2;
	v1 =	vnsel vm0, $0x7A11FF, v1  }
0x278: {  	[tilespmem:s9+$0x1800] =	vst v1  }
0x279: {  	v1 =	vld [tilespmem:s4+$0xC00];
	_ =	sdelay $0x2  }
0x27a: {  	v2 =	vmov s1  }
0x27b: {  	v2 =	vmul.u32 $0x50, v2  }
0x27c: {  	vm0 =	vgt.s32 v1, $0x0  }
0x27d: {  	v2 =	vbroadcast v2, $0x0;
	v1 =	vnsel vm0, $0x0, v1  }
0x27e: {  	v1 =	vmin.u32 v1, $0x4F  }
0x27f: {  	v1 =	vadd.s32 v1, v2  }
0x280: {  	v2 =	vadd.s32 v0, v1;
	v1 =	vld [tilespmem:s8+$0xC00];
	_ =	sdelay $0x1  }
0x281: {  	s9 =	sadd.s32 $0x10, s1  }
0x282: {  	v3 =	vmov s9  }
0x283: {  	s10 =	simm.s32 $0x80;
	v3 =	vmul.u32 $0x50, v3;
	vm0 =	vlt.s32 v2, $0x7A11FF  }
.LBB2_50:
0x284: {  	s11 =	sshra.s32 s10, $0x2;
	p0 =	sne.s32 s10, $0x1C0;
	s10 =	sadd.s32 $0x40, s10;
	vm1 =	vgt.s32 v1, $0x0;
	v2 =	vnsel vm0, $0x7A11FF, v2  }
.Ltmp24:
0x285: {  	v4 =	vnsel vm1, $0x0, v1;
	v1 =	vld [tilespmem:s11+$0xC00];
	v3 =	vbroadcast v3, $0x0;
	[tilespmem:s4+$0x1880] =	vst v2;
	s4 =	smov.u32 s8;
	s8 =	smov.u32 s11;
	(pc) =	sbr.rel @p0 .LBB2_50-.Ltmp24, $4  }
0x286: {  	v2 =	vmin.u32 v4, $0x4F  }
0x287: {  	s9 =	sadd.s32 $0x10, s9;
	v2 =	vadd.s32 v2, v3  }
0x288: {  	v3 =	vmov s9;
	v2 =	vadd.s32 v0, v2  }
0x289: {  	v3 =	vmul.u32 $0x50, v3;
	vm0 =	vlt.s32 v2, $0x7A11FF  }
0x28a: {  	vm1 =	vgt.s32 v1, $0x0  }
0x28b: {  	v1 =	vnsel vm1, $0x0, v1;
	v3 =	vbroadcast v3, $0x0  }
0x28c: {  	v1 =	vmin.u32 v1, $0x4F  }
0x28d: {  	v1 =	vadd.s32 v1, v3  }
0x28e: {  	v1 =	vadd.s32 v0, v1  }
0x28f: {  	v2 =	vnsel vm0, $0x7A11FF, v2;
	vm15 =	vlt.s32 v1, $0x7A11FF  }
0x290: {  	[tilespmem:s4+$0x1880] =	vst v2;
	v1 =	vnsel vm15, $0x7A11FF, v1  }
0x291: {  	s11 =	simm.s32 $0xC80;
	s9 =	simm.s32 $0x1C80;
	[tilespmem:s8+$0x1880] =	vst v1  }
0x292: {  	[tilespmem:s9], [sflag:$0x1] =	stream.indirect.gather [hbm4b:s3+s2], $0x1, s11, s2, $0xb8;
	[tilespmem:$0x2C80] =	vst v63  }
0x293: {  	s12 =	simm.s32 $0xD00;
	s13 =	simm.s32 $0x1D00  }
0x294: {  	[tilespmem:s13], [sflag:$0x1] =	stream.indirect.gather [hbm4b:s3+s2], $0x1, s12, s2, $0xb8;
	[tilespmem:$0x2C80] =	vst v63  }
0x295: {  	s10 =	simm.s32 $0xD80;
	s11 =	simm.s32 $0x1D80  }
0x296: {  	[tilespmem:s11], [sflag:$0x1] =	stream.indirect.gather [hbm4b:s3+s2], $0x1, s10, s2, $0xb8;
	[tilespmem:$0x2C80] =	vst v63  }
0x297: {  	s12 =	simm.s32 $0xE00;
	s13 =	simm.s32 $0x1E00  }
0x298: {  	[tilespmem:s13], [sflag:$0x1] =	stream.indirect.gather [hbm4b:s3+s2], $0x1, s12, s2, $0xb8;
	[tilespmem:$0x2C80] =	vst v63  }
0x299: {  	s10 =	simm.s32 $0xE80;
	s11 =	simm.s32 $0x1E80  }
0x29a: {  	[tilespmem:s11], [sflag:$0x1] =	stream.indirect.gather [hbm4b:s3+s2], $0x1, s10, s2, $0xb8;
	[tilespmem:$0x2C80] =	vst v63  }
0x29b: {  	s12 =	simm.s32 $0xF00;
	s13 =	simm.s32 $0x1F00  }
0x29c: {  	[tilespmem:s13], [sflag:$0x1] =	stream.indirect.gather [hbm4b:s3+s2], $0x1, s12, s2, $0xb8;
	[tilespmem:$0x2C80] =	vst v63  }
0x29d: {  	s10 =	simm.s32 $0xF80;
	s11 =	simm.s32 $0x1F80  }
0x29e: {  	[tilespmem:s11], [sflag:$0x1] =	stream.indirect.gather [hbm4b:s3+s2], $0x1, s10, s2, $0xb8;
	[tilespmem:$0x2C80] =	vst v63  }
0x29f: {  	s12 =	simm.s32 $0x1000;
	s13 =	simm.s32 $0x2000  }
0x2a0: {  	[tilespmem:s13], [sflag:$0x1] =	stream.indirect.gather [hbm4b:s3+s2], $0x1, s12, s2, $0xb8;
	[tilespmem:$0x2C80] =	vst v63  }
0x2a1: {  	s10 =	simm.s32 $0x1080;
	s11 =	simm.s32 $0x2080  }
0x2a2: {  	[tilespmem:s11], [sflag:$0x1] =	stream.indirect.gather [hbm4b:s3+s2], $0x1, s10, s2, $0xb8;
	[tilespmem:$0x2C80] =	vst v63  }
0x2a3: {  	s12 =	simm.s32 $0x1100;
	s13 =	simm.s32 $0x2100  }
0x2a4: {  	[tilespmem:s13], [sflag:$0x1] =	stream.indirect.gather [hbm4b:s3+s2], $0x1, s12, s2, $0xb8;
	[tilespmem:$0x2C80] =	vst v63  }
0x2a5: {  	s10 =	simm.s32 $0x1180;
	s11 =	simm.s32 $0x2180  }
0x2a6: {  	[tilespmem:s11], [sflag:$0x1] =	stream.indirect.gather [hbm4b:s3+s2], $0x1, s10, s2, $0xb8;
	[tilespmem:$0x2C80] =	vst v63  }
0x2a7: {  	s12 =	simm.s32 $0x1200;
	s13 =	simm.s32 $0x2200  }
0x2a8: {  	[tilespmem:s13], [sflag:$0x1] =	stream.indirect.gather [hbm4b:s3+s2], $0x1, s12, s2, $0xb8;
	[tilespmem:$0x2C80] =	vst v63  }
0x2a9: {  	s10 =	simm.s32 $0x1280;
	s11 =	simm.s32 $0x2280  }
0x2aa: {  	[tilespmem:s11], [sflag:$0x1] =	stream.indirect.gather [hbm4b:s3+s2], $0x1, s10, s2, $0xb8;
	[tilespmem:$0x2C80] =	vst v63  }
0x2ab: {  	s12 =	simm.s32 $0x1300;
	s13 =	simm.s32 $0x2300  }
0x2ac: {  	[tilespmem:s13], [sflag:$0x1] =	stream.indirect.gather [hbm4b:s3+s2], $0x1, s12, s2, $0xb8;
	[tilespmem:$0x2C80] =	vst v63  }
0x2ad: {  	s10 =	simm.s32 $0x1380;
	s11 =	simm.s32 $0x2380  }
0x2ae: {  	[tilespmem:s11], [sflag:$0x1] =	stream.indirect.gather [hbm4b:s3+s2], $0x1, s10, s2, $0xb8;
	[tilespmem:$0x2C80] =	vst v63  }
0x2af: {  	s12 =	simm.s32 $0x1400;
	s13 =	simm.s32 $0x2400  }
0x2b0: {  	[tilespmem:s13], [sflag:$0x1] =	stream.indirect.gather [hbm4b:s3+s2], $0x1, s12, s2, $0xb8;
	[tilespmem:$0x2C80] =	vst v63  }
0x2b1: {  	s10 =	simm.s32 $0x1480;
	s11 =	simm.s32 $0x2480  }
0x2b2: {  	[tilespmem:s11], [sflag:$0x1] =	stream.indirect.gather [hbm4b:s3+s2], $0x1, s10, s2, $0xb8;
	[tilespmem:$0x2C80] =	vst v63  }
0x2b3: {  	s12 =	simm.s32 $0x1500;
	s13 =	simm.s32 $0x2500  }
0x2b4: {  	[tilespmem:s13], [sflag:$0x1] =	stream.indirect.gather [hbm4b:s3+s2], $0x1, s12, s2, $0xb8;
	[tilespmem:$0x2C80] =	vst v63  }
0x2b5: {  	s10 =	simm.s32 $0x1580;
	s11 =	simm.s32 $0x2580  }
0x2b6: {  	[tilespmem:s11], [sflag:$0x1] =	stream.indirect.gather [hbm4b:s3+s2], $0x1, s10, s2, $0xb8;
	[tilespmem:$0x2C80] =	vst v63  }
0x2b7: {  	s12 =	simm.s32 $0x1600;
	s13 =	simm.s32 $0x2600  }
0x2b8: {  	[tilespmem:s13], [sflag:$0x1] =	stream.indirect.gather [hbm4b:s3+s2], $0x1, s12, s2, $0xb8;
	[tilespmem:$0x2C80] =	vst v63  }
0x2b9: {  	s10 =	simm.s32 $0x1680;
	s11 =	simm.s32 $0x2680  }
0x2ba: {  	[tilespmem:s11], [sflag:$0x1] =	stream.indirect.gather [hbm4b:s3+s2], $0x1, s10, s2, $0xb8;
	[tilespmem:$0x2C80] =	vst v63  }
0x2bb: {  	s12 =	simm.s32 $0x1700;
	s13 =	simm.s32 $0x2700  }
0x2bc: {  	[tilespmem:s13], [sflag:$0x1] =	stream.indirect.gather [hbm4b:s3+s2], $0x1, s12, s2, $0xb8;
	[tilespmem:$0x2C80] =	vst v63  }
0x2bd: {  	s10 =	simm.s32 $0x1780;
	s11 =	simm.s32 $0x2780  }
0x2be: {  	[tilespmem:s11], [sflag:$0x1] =	stream.indirect.gather [hbm4b:s3+s2], $0x1, s10, s2, $0xb8;
	[tilespmem:$0x2C80] =	vst v63  }
0x2bf: {  	s12 =	simm.s32 $0x1800;
	s13 =	simm.s32 $0x2800  }
0x2c0: {  	[tilespmem:s13], [sflag:$0x1] =	stream.indirect.gather [hbm4b:s3+s2], $0x1, s12, s2, $0xb8;
	[tilespmem:$0x2C80] =	vst v63  }
0x2c1: {  	s10 =	simm.s32 $0x1880;
	s11 =	simm.s32 $0x2880  }
0x2c2: {  	[tilespmem:s11], [sflag:$0x1] =	stream.indirect.gather [hbm4b:s3+s2], $0x1, s10, s2, $0xb8;
	[tilespmem:$0x2C80] =	vst v63  }
0x2c3: {  	_ =	swait.ge [sflag:s5], $0x80  }
0x2c4: {  	[sflag:s5] =	ssyncset.done $0x0  }
0x2c5: {  	[sflag:s5] =	ssyncadd.s32 $0xFFFFFF80  }
0x2c6: {  	_ =	swait.ge [sflag:s5], $0x80  }
0x2c7: {  	[sflag:s5] =	ssyncset.done $0x0  }
0x2c8: {  	[sflag:s5] =	ssyncadd.s32 $0xFFFFFF80  }
0x2c9: {  	_ =	swait.ge [sflag:s5], $0x80  }
0x2ca: {  	[sflag:s5] =	ssyncset.done $0x0  }
0x2cb: {  	[sflag:s5] =	ssyncadd.s32 $0xFFFFFF80  }
0x2cc: {  	_ =	swait.ge [sflag:s5], $0x80  }
0x2cd: {  	[sflag:s5] =	ssyncset.done $0x0  }
0x2ce: {  	[sflag:s5] =	ssyncadd.s32 $0xFFFFFF80  }
0x2cf: {  	_ =	swait.ge [sflag:s5], $0x80  }
0x2d0: {  	[sflag:s5] =	ssyncset.done $0x0  }
0x2d1: {  	[sflag:s5] =	ssyncadd.s32 $0xFFFFFF80  }
0x2d2: {  	_ =	swait.ge [sflag:s5], $0x80  }
0x2d3: {  	[sflag:s5] =	ssyncset.done $0x0  }
0x2d4: {  	[sflag:s5] =	ssyncadd.s32 $0xFFFFFF80  }
0x2d5: {  	_ =	swait.ge [sflag:s5], $0x80  }
0x2d6: {  	[sflag:s5] =	ssyncset.done $0x0  }
0x2d7: {  	[sflag:s5] =	ssyncadd.s32 $0xFFFFFF80  }
0x2d8: {  	_ =	swait.ge [sflag:s5], $0x80  }
0x2d9: {  	[sflag:s5] =	ssyncset.done $0x0  }
0x2da: {  	[sflag:s5] =	ssyncadd.s32 $0xFFFFFF80  }
0x2db: {  	_ =	swait.ge [sflag:s5], $0x80  }
0x2dc: {  	[sflag:s5] =	ssyncset.done $0x0  }
0x2dd: {  	[sflag:s5] =	ssyncadd.s32 $0xFFFFFF80  }
0x2de: {  	_ =	swait.ge [sflag:s5], $0x80  }
0x2df: {  	[sflag:s5] =	ssyncset.done $0x0  }
0x2e0: {  	[sflag:s5] =	ssyncadd.s32 $0xFFFFFF80  }
0x2e1: {  	_ =	swait.ge [sflag:s5], $0x80  }
0x2e2: {  	[sflag:s5] =	ssyncset.done $0x0  }
0x2e3: {  	[sflag:s5] =	ssyncadd.s32 $0xFFFFFF80  }
0x2e4: {  	_ =	swait.ge [sflag:s5], $0x80  }
0x2e5: {  	[sflag:s5] =	ssyncset.done $0x0  }
0x2e6: {  	[sflag:s5] =	ssyncadd.s32 $0xFFFFFF80  }
0x2e7: {  	_ =	swait.ge [sflag:s5], $0x80  }
0x2e8: {  	[sflag:s5] =	ssyncset.done $0x0  }
0x2e9: {  	[sflag:s5] =	ssyncadd.s32 $0xFFFFFF80  }
0x2ea: {  	_ =	swait.ge [sflag:s5], $0x80  }
0x2eb: {  	[sflag:s5] =	ssyncset.done $0x0  }
0x2ec: {  	[sflag:s5] =	ssyncadd.s32 $0xFFFFFF80  }
0x2ed: {  	_ =	swait.ge [sflag:s5], $0x80  }
0x2ee: {  	[sflag:s5] =	ssyncset.done $0x0  }
0x2ef: {  	[sflag:s5] =	ssyncadd.s32 $0xFFFFFF80  }
0x2f0: {  	_ =	swait.ge [sflag:s5], $0x80  }
0x2f1: {  	[sflag:s5] =	ssyncset.done $0x0  }
0x2f2: {  	[sflag:s5] =	ssyncadd.s32 $0xFFFFFF80  }
0x2f3: {  	_ =	swait.ge [sflag:s5], $0x80  }
0x2f4: {  	[sflag:s5] =	ssyncset.done $0x0  }
0x2f5: {  	[sflag:s5] =	ssyncadd.s32 $0xFFFFFF80  }
0x2f6: {  	_ =	swait.ge [sflag:s5], $0x80  }
0x2f7: {  	[sflag:s5] =	ssyncset.done $0x0  }
0x2f8: {  	[sflag:s5] =	ssyncadd.s32 $0xFFFFFF80  }
0x2f9: {  	_ =	swait.ge [sflag:s5], $0x80  }
0x2fa: {  	[sflag:s5] =	ssyncset.done $0x0  }
0x2fb: {  	[sflag:s5] =	ssyncadd.s32 $0xFFFFFF80  }
0x2fc: {  	_ =	swait.ge [sflag:s5], $0x80  }
0x2fd: {  	[sflag:s5] =	ssyncset.done $0x0  }
0x2fe: {  	[sflag:s5] =	ssyncadd.s32 $0xFFFFFF80  }
0x2ff: {  	_ =	swait.ge [sflag:s5], $0x80  }
0x300: {  	[sflag:s5] =	ssyncset.done $0x0  }
0x301: {  	[sflag:s5] =	ssyncadd.s32 $0xFFFFFF80  }
0x302: {  	_ =	swait.ge [sflag:s5], $0x80  }
0x303: {  	[sflag:s5] =	ssyncset.done $0x0  }
0x304: {  	[sflag:s5] =	ssyncadd.s32 $0xFFFFFF80  }
0x305: {  	_ =	swait.ge [sflag:s5], $0x80  }
0x306: {  	[sflag:s5] =	ssyncset.done $0x0  }
0x307: {  	[sflag:s5] =	ssyncadd.s32 $0xFFFFFF80  }
0x308: {  	_ =	swait.ge [sflag:s5], $0x80  }
0x309: {  	[sflag:s5] =	ssyncset.done $0x0  }
0x30a: {  	[sflag:s5] =	ssyncadd.s32 $0xFFFFFF80  }
0x30b: {  	_ =	swait.ge [sflag:s5], $0x80  }
0x30c: {  	[sflag:s5] =	ssyncset.done $0x0  }
0x30d: {  	s8 =	simm.s32 $0x0;
	s12 =	rddreg [dreg:$0x3];
	[sflag:s5] =	ssyncadd.s32 $0xFFFFFF80  }
0x30e: {  	[hbm4b:s12+s8] =	stream.linear.scatter [tilespmem:s9], [sflag:$0x2], $0xC80, $0x38;
	[tilespmem:$0x2C80] =	vst v63  }
0x30f: {  	_ =	swait.ge [sflag:s0], $0xC80  }
0x310: {  	s6 =	sadd.s32 $0x1, s6;
	s13 =	rddreg [dreg:$0x4]  }
0x311: {  	p0 =	sne.s32 s6, s13  }
.Ltmp25:
0x312: {  	_ = 	snop;
	(pc) =	sbr.rel @p0 .LBB2_1-.Ltmp25, $3  }
0x313: {  	_ =	sdelay $0x1  }
0x314: {  	[sflag:s0] =	ssyncset.done $0x0  }
0x315: {  	[sflag:s0] =	ssyncadd.s32 $0xFFFFF380  }
0x316: {  	_ =	sfence.sel $0x180000  }
0x317: {  	[bflag:$0x0] =	sbarrier.arrive $0xFFFF  }
0x318: {  	_ =	strace $0x90000047  }
0x319: {  	s0 =	stileid.u32;
	[bflag:$0x2] =	sbarrier.arrive $0xFFFF  }
0x31a: {  	p0 =	sne.s32 s0, $0x0;
	s0 =	rddreg [dreg:$0x1]  }
0x31b: {  	s0 =	sadd.s32 @!p0 $0x100000, s0  }
0x31c: {  	[sflag:s0] =	ssyncadd.tile.s32 @!p0 $0x1;
	_ =	shalt  }
.Lfunc_end2:
_tile_overlayer_lowered:
.L_overlay_start_2:
0x31d: {  	(tag) =	ssettag $0x2  }
0x31e: {  	s0 =	rddreg [dreg:$0x0];
	s2 =	stileid.u32  }
0x31f: {  	s1 =	rddreg [dreg:$0x1];
	p0 =	sne.s32 s2, $0x0  }
0x320: {  	s3 =	rddreg [dreg:$0x2];
	[bflag:$0x3] =	sbarrier.arrive $0xFFFF;
	s2 =	simm.s32 @!p0 $0x1C02  }
0x321: {  	[timem:s3], [sflag:s2] =	dma.local @!p0 [hbm:s0], s1  }
0x322: {  	s0 =	simm.s32 @!p0 $0x2  }
0x323: {  	_ =	swait.ge @!p0 [sflag:s0], s1  }
0x324: {  	s1 =	ssub.s32 @!p0 $0x0, s1;
	[sflag:s0] =	ssyncset.done @!p0 $0x0  }
0x325: {  	[sflag:s0] =	ssyncadd.s32 @!p0 s1  }
0x326: {  	[bflag:$0x3] =	sbarrier.arrive $0xFFFF  }
0x327: {  	_ =	shalt  }

</sc_bundles>
